<compile_context>
chip_gen: v7x
topology: tpu7x:2x2x1
jax: 0.10.2.dev20260603
libtpu: 0.0.44.dev20260713+nightly
codegen_flags: <defaults>
</compile_context>

<pallas_src>
import functools

import jax
import jax.numpy as jnp
from jax import lax
from jax.experimental import pallas as pl
from jax.experimental.pallas import tpu as pltpu
from jax.experimental.pallas import tpu_sc as plsc

_THRESHOLD = 0.9952
_LANES = 16


def kernel(input, filt):
    B, T = input.shape
    F = filt.shape[0]
    n_steps = T - F
    n_blocks = n_steps // F

    info = plsc.get_sparse_core_info()
    nc, ns = info.num_cores, info.num_subcores
    n_workers = nc * ns
    rows_per_worker = B // n_workers
    chunk = rows_per_worker * T
    nv = F // rows_per_worker

    mesh = plsc.VectorSubcoreMesh(core_axis_name="c", subcore_axis_name="s")

    @functools.partial(
        pl.kernel,
        mesh=mesh,
        compiler_params=pltpu.CompilerParams(needs_layout_passes=False),
        out_type=jax.ShapeDtypeStruct((B * T,), jnp.float32),
        scratch_types=[
            pltpu.VMEM((chunk,), jnp.float32),
            pltpu.VMEM((chunk,), jnp.float32),
            pltpu.VMEM((F,), jnp.float32),
            pltpu.VMEM((F * nv * _LANES,), jnp.float32),
        ],
    )
    def bsa(x_hbm, filt_hbm, out_hbm, x_v, out_v, filt_v, ftab_v):
        wid = lax.axis_index("s") * nc + lax.axis_index("c")
        base = wid * chunk
        pltpu.sync_copy(x_hbm.at[pl.ds(base, chunk)], x_v)
        pltpu.sync_copy(filt_hbm, filt_v)

        lane = lax.iota(jnp.int32, _LANES)
        row4 = (lane >> 2) * T
        pos4 = lane & 3
        thr = jnp.float32(_THRESHOLD)
        one_v = jnp.ones((_LANES,), jnp.float32)
        zero_v = jnp.zeros((_LANES,), jnp.float32)
        posmask = [pos4 == i for i in range(rows_per_worker)]
        xor2 = jax.lax.bitwise_xor(lane, 2)
        xor1 = jax.lax.bitwise_xor(lane, 1)
        bitlane = jnp.int32(1) << lane
        zero_i = jnp.zeros((_LANES,), jnp.int32)
        top_i = zero_i + jnp.int32(1 << (F - 1))
        grp_first = [zero_i + jnp.int32(4 * r) for r in range(rows_per_worker)]

        def shuf(vv, idxv):
            return jnp.take_along_axis(vv, idxv, axis=0,
                                       mode="promise_in_bounds")

        def tree(a):
            p1a = a[0] + a[2]
            p1b = a[1] + a[3]
            p2 = p1a + p1b
            p3 = p2 + shuf(p2, xor2)
            return p3 + shuf(p3, xor1)

        for r in range(F):
            for i in range(nv):
                idx = (pos4 + ((4 * i - r) % F)) & (F - 1)
                ftab_v[pl.ds((r * nv + i) * _LANES, _LANES)] = (
                    plsc.load_gather(filt_v, [idx]))

        def spec(w, taps):
            u = [w[i] - taps[i] for i in range(nv)]
            uu = [u[i] - taps[i] for i in range(nv)]
            a_u = jnp.abs(tree(u))
            a_uu = jnp.abs(tree(uu))
            b_u = a_u * thr
            b_w = jnp.abs(tree(w)) * thr
            return u, uu, a_u, a_uu, b_u, b_w

        w = [plsc.load_gather(x_v, [row4 + pos4 + 4 * i]) for i in range(nv)]
        taps0 = [ftab_v[pl.ds(i * _LANES, _LANES)] for i in range(nv)]
        u, uu, a_u, a_uu, b_u, b_w = spec(w, taps0)
        m0 = jnp.zeros((_LANES,), jnp.bool_)

        def block(jb, carry):
            w = list(carry[:nv])
            u = list(carry[nv:2 * nv])
            uu = list(carry[2 * nv:3 * nv])
            a_u, a_uu, b_u, b_w, m_prev = carry[3 * nv:]
            j0 = jb * F
            gvec0 = row4 + pos4 + (j0 + F)
            g = [plsc.load_gather(x_v, [gvec0 + 4 * i]) for i in range(nv)]
            acc = zero_i
            for k in range(F):
                e1 = jnp.where(m_prev, a_uu, a_u)
                e2 = jnp.where(m_prev, b_u, b_w)
                m = e1 <= e2
                acc = jax.lax.shift_right_logical(acc, 1) | jnp.where(
                    m, top_i, zero_i)
                w = [jnp.where(m_prev, u[i], w[i]) for i in range(nv)]
                ke, le = k // 4, k % 4
                w[ke] = jnp.where(posmask[le], g[ke], w[ke])
                rn = (k + 1) % F
                taps = [ftab_v[pl.ds((rn * nv + i) * _LANES, _LANES)]
                        for i in range(nv)]
                u, uu, a_u, a_uu, b_u, b_w = spec(w, taps)
                m_prev = m
            for r in range(rows_per_worker):
                bits = shuf(acc, grp_first[r]) & bitlane
                spikes = jnp.where(bits != zero_i, one_v, zero_v)
                out_v[pl.ds(r * T + j0, F)] = spikes
            return (*w, *u, *uu, a_u, a_uu, b_u, b_w, m_prev)

        lax.fori_loop(0, n_blocks, block,
                      (*w, *u, *uu, a_u, a_uu, b_u, b_w, m0))

        for r in range(rows_per_worker):
            out_v[pl.ds(r * T + n_steps, F)] = zero_v

        pltpu.sync_copy(out_v, out_hbm.at[pl.ds(base, chunk)])

    out_flat = bsa(input.reshape(B * T), filt)
    return out_flat.reshape(B, T)

# --- scband reference (transcript-rebuilt; emitter-appended) ---
"""Pipeline reference for scband-bsa-42545946034971 (READ-ONLY COPY).

The authoritative reference and input builder live on the scoring server;
editing this copy changes nothing except your own understanding.
"""

import jax, jax.numpy as jnp
import numpy as np

FILTER = np.array([0.010, 0.022, 0.044, 0.078, 0.120, 0.160, 0.190, 0.200, 0.200, 0.190, 0.160, 0.120, 0.078, 0.044, 0.022, 0.010], dtype=np.float32)
NEW_AMP = 1.0
THRESHOLD = 0.9952


def setup_inputs(seed: int = 0) -> dict:
    key = jax.random.key(seed)
    x = jax.random.uniform(key, (128, 2048), dtype=jnp.float32)
    filt = jnp.asarray(FILTER * NEW_AMP)
    return {"input": x, "filt": filt}


def reference(input, filt):
    B, T = input.shape
    F = filt.shape[0]
    threshold = THRESHOLD

    def body(i, carry):
        data, output = carry
        window = jax.lax.dynamic_slice(data, (0, i), (B, F))
        error1 = jnp.abs(jnp.sum(window - filt, axis=1))
        error2 = jnp.abs(jnp.sum(window, axis=1))
        mask = error1 <= error2 * threshold
        prev_col = jax.lax.dynamic_slice(output, (0, i), (B, 1))[:, 0]
        out_col = jnp.where(mask, jnp.float32(1.0), prev_col)
        output = jax.lax.dynamic_update_slice(output, out_col[:, None], (0, i))
        sub = jax.lax.dynamic_slice(data, (0, i + 1), (B, F))
        sub = jnp.where(mask[:, None], sub - filt, sub)
        data = jax.lax.dynamic_update_slice(data, sub, (0, i + 1))
        return (data, output)

    # torch loop: for i in range(T - F + 1) with break when i > T - F - 1 -> i in [0, T - F)
    data, output = jax.lax.fori_loop(0, T - F, body, (input, jnp.zeros_like(input)))
    return output

if __name__ == "__main__":
    import jax
    _d = setup_inputs()
    print(jax.jit(kernel)(*tuple(_d.values())))

</pallas_src>

<mosaic_0001>
#map = affine_map<(d0, d1) -> (0)>
module attributes {stable_mosaic.version = 14 : i64} {
  func.func @bsa(%arg0: i32, %arg1: i32, %arg2: memref<262144xf32, #tpu.memory_space<hbm>>, %arg3: memref<16xf32, #tpu.memory_space<hbm>>, %arg4: memref<262144xf32, #tpu.memory_space<hbm>>, %arg5: memref<8192xf32, #tpu.memory_space<vmem>>, %arg6: memref<8192xf32, #tpu.memory_space<vmem>>, %arg7: memref<16xf32, #tpu.memory_space<vmem>>, %arg8: memref<1024xf32, #tpu.memory_space<vmem>>) attributes {dimension_semantics = [#tpu.dimension_semantics<core_parallel>, #tpu.dimension_semantics<subcore_parallel>], iteration_bounds = array<i64: 2, 16>, scalar_prefetch = 0 : i64, scratch_operands = 4 : i64, tpu.core_type = #tpu.core_type<sc_vector_subcore>, window_params = [{transform_indices = #map}, {transform_indices = #map}, {transform_indices = #map}]} {
    %mul3A = arith.constant 2 : i32
    %mul3A_0 = arith.muli %arg1, %mul3A : i32
    %add3A = arith.addi %mul3A_0, %arg0 : i32
    %mul3A_1 = arith.constant 8192 : i32
    %mul3A_2 = arith.muli %add3A, %mul3A_1 : i32
    "tpu.region"() ({
      %run_scoped3A = tpu.sem_alloc : memref<!tpu.dma_semaphore, #tpu.memory_space<semaphore_mem>>
      %dma_start3A = tpu.memref_slice %arg2[%mul3A_2] : memref<262144xf32, #tpu.memory_space<hbm>> -> memref<8192xf32, #tpu.memory_space<hbm>>
      %dma_start3A_712 = tpu.memref_slice %arg2[%mul3A_2] : memref<262144xf32, #tpu.memory_space<hbm>> -> memref<8192xf32, #tpu.memory_space<hbm>>
      tpu.enqueue_dma source(%dma_start3A_712 : memref<8192xf32, #tpu.memory_space<hbm>>) target(%arg5 : memref<8192xf32, #tpu.memory_space<vmem>>) target_semaphore(%run_scoped3A : memref<!tpu.dma_semaphore, #tpu.memory_space<semaphore_mem>>)
      %dma_wait3A = tpu.memref_slice %arg2[%mul3A_2] : memref<262144xf32, #tpu.memory_space<hbm>> -> memref<8192xf32, #tpu.memory_space<hbm>>
      %dma_wait3A_713 = tpu.memref_slice %arg2[%mul3A_2] : memref<262144xf32, #tpu.memory_space<hbm>> -> memref<8192xf32, #tpu.memory_space<hbm>>
      tpu.wait_dma2 semaphore(%run_scoped3A : memref<!tpu.dma_semaphore, #tpu.memory_space<semaphore_mem>>) src(%dma_wait3A_713 : memref<8192xf32, #tpu.memory_space<hbm>>) dst(%arg5 : memref<8192xf32, #tpu.memory_space<vmem>>)
      tpu.yield
    }) : () -> ()
    "tpu.region"() ({
      %run_scoped3A = tpu.sem_alloc : memref<!tpu.dma_semaphore, #tpu.memory_space<semaphore_mem>>
      tpu.enqueue_dma source(%arg3 : memref<16xf32, #tpu.memory_space<hbm>>) target(%arg7 : memref<16xf32, #tpu.memory_space<vmem>>) target_semaphore(%run_scoped3A : memref<!tpu.dma_semaphore, #tpu.memory_space<semaphore_mem>>)
      tpu.wait_dma2 semaphore(%run_scoped3A : memref<!tpu.dma_semaphore, #tpu.memory_space<semaphore_mem>>) src(%arg3 : memref<16xf32, #tpu.memory_space<hbm>>) dst(%arg7 : memref<16xf32, #tpu.memory_space<vmem>>)
      tpu.yield
    }) : () -> ()
    %iota3A = tpu.iota {dimensions = array<i32: 0>} : vector<16xi32>
    %shift_right_arithmetic3A = arith.constant 2 : i32
    %shift_right_arithmetic3A_3 = vector.broadcast %shift_right_arithmetic3A : i32 to vector<16xi32>
    %shift_right_arithmetic3A_4 = arith.shrsi %iota3A, %shift_right_arithmetic3A_3 : vector<16xi32>
    %mul3A_5 = arith.constant 2048 : i32
    %mul3A_6 = vector.broadcast %mul3A_5 : i32 to vector<16xi32>
    %mul3A_7 = arith.muli %shift_right_arithmetic3A_4, %mul3A_6 : vector<16xi32>
    %and3A = arith.constant 3 : i32
    %and3A_8 = vector.broadcast %and3A : i32 to vector<16xi32>
    %and3A_9 = arith.andi %iota3A, %and3A_8 : vector<16xi32>
    %broadcast_in_dim3A = arith.constant 1.000000e+00 : f32
    %broadcast_in_dim3A_10 = vector.broadcast %broadcast_in_dim3A : f32 to vector<16xf32>
    %broadcast_in_dim3A_11 = arith.constant 0.000000e+00 : f32
    %broadcast_in_dim3A_12 = vector.broadcast %broadcast_in_dim3A_11 : f32 to vector<16xf32>
    %eq3A = arith.constant 0 : i32
    %eq3A_13 = vector.broadcast %eq3A : i32 to vector<16xi32>
    %eq3A_14 = arith.cmpi eq, %and3A_9, %eq3A_13 : vector<16xi32>
    %eq3A_15 = arith.constant 1 : i32
    %eq3A_16 = vector.broadcast %eq3A_15 : i32 to vector<16xi32>
    %eq3A_17 = arith.cmpi eq, %and3A_9, %eq3A_16 : vector<16xi32>
    %eq3A_18 = arith.constant 2 : i32
    %eq3A_19 = vector.broadcast %eq3A_18 : i32 to vector<16xi32>
    %eq3A_20 = arith.cmpi eq, %and3A_9, %eq3A_19 : vector<16xi32>
    %eq3A_21 = arith.constant 3 : i32
    %eq3A_22 = vector.broadcast %eq3A_21 : i32 to vector<16xi32>
    %eq3A_23 = arith.cmpi eq, %and3A_9, %eq3A_22 : vector<16xi32>
    %xor3A = arith.constant 2 : i32
    %xor3A_24 = vector.broadcast %xor3A : i32 to vector<16xi32>
    %xor3A_25 = arith.xori %iota3A, %xor3A_24 : vector<16xi32>
    %xor3A_26 = arith.constant 1 : i32
    %xor3A_27 = vector.broadcast %xor3A_26 : i32 to vector<16xi32>
    %xor3A_28 = arith.xori %iota3A, %xor3A_27 : vector<16xi32>
    %shift_left3A = arith.constant 1 : i32
    %shift_left3A_29 = vector.broadcast %shift_left3A : i32 to vector<16xi32>
    %shift_left3A_30 = arith.shli %shift_left3A_29, %iota3A : vector<16xi32>
    %broadcast_in_dim3A_31 = arith.constant 0 : i32
    %broadcast_in_dim3A_32 = vector.broadcast %broadcast_in_dim3A_31 : i32 to vector<16xi32>
    %add3A_33 = arith.constant 32768 : i32
    %add3A_34 = vector.broadcast %add3A_33 : i32 to vector<16xi32>
    %add3A_35 = arith.addi %broadcast_in_dim3A_32, %add3A_34 : vector<16xi32>
    %add3A_36 = arith.constant 0 : i32
    %add3A_37 = vector.broadcast %add3A_36 : i32 to vector<16xi32>
    %add3A_38 = arith.addi %broadcast_in_dim3A_32, %add3A_37 : vector<16xi32>
    %add3A_39 = arith.constant 4 : i32
    %add3A_40 = vector.broadcast %add3A_39 : i32 to vector<16xi32>
    %add3A_41 = arith.addi %broadcast_in_dim3A_32, %add3A_40 : vector<16xi32>
    %add3A_42 = arith.constant 8 : i32
    %add3A_43 = vector.broadcast %add3A_42 : i32 to vector<16xi32>
    %add3A_44 = arith.addi %broadcast_in_dim3A_32, %add3A_43 : vector<16xi32>
    %add3A_45 = arith.constant 12 : i32
    %add3A_46 = vector.broadcast %add3A_45 : i32 to vector<16xi32>
    %add3A_47 = arith.addi %broadcast_in_dim3A_32, %add3A_46 : vector<16xi32>
    %add3A_48 = arith.constant 0 : i32
    %add3A_49 = vector.broadcast %add3A_48 : i32 to vector<16xi32>
    %add3A_50 = arith.addi %and3A_9, %add3A_49 : vector<16xi32>
    %and3A_51 = arith.constant 15 : i32
    %and3A_52 = vector.broadcast %and3A_51 : i32 to vector<16xi32>
    %and3A_53 = arith.andi %add3A_50, %and3A_52 : vector<16xi32>
    %gather3A = tpu.vector_load_idx %arg7[%and3A_53] : memref<16xf32, #tpu.memory_space<vmem>>[vector<16xi32>], vector<16xf32>,
    %swap3A = arith.constant 0 : index
    %swap3A_54 = tpu.vector_load %arg8[%swap3A] {strides = array<i32>} : memref<1024xf32, #tpu.memory_space<vmem>>, vector<16xf32>,
    tpu.vector_store %arg8[%swap3A], %gather3A {strides = array<i32>} : memref<1024xf32, #tpu.memory_space<vmem>>, vector<16xf32>,
    %add3A_55 = arith.constant 4 : i32
    %add3A_56 = vector.broadcast %add3A_55 : i32 to vector<16xi32>
    %add3A_57 = arith.addi %and3A_9, %add3A_56 : vector<16xi32>
    %and3A_58 = arith.constant 15 : i32
    %and3A_59 = vector.broadcast %and3A_58 : i32 to vector<16xi32>
    %and3A_60 = arith.andi %add3A_57, %and3A_59 : vector<16xi32>
    %gather3A_61 = tpu.vector_load_idx %arg7[%and3A_60] : memref<16xf32, #tpu.memory_space<vmem>>[vector<16xi32>], vector<16xf32>,
    %swap3A_62 = arith.constant 16 : index
    %swap3A_63 = tpu.vector_load %arg8[%swap3A_62] {strides = array<i32>} : memref<1024xf32, #tpu.memory_space<vmem>>, vector<16xf32>,
    tpu.vector_store %arg8[%swap3A_62], %gather3A_61 {strides = array<i32>} : memref<1024xf32, #tpu.memory_space<vmem>>, vector<16xf32>,
    %add3A_64 = arith.constant 8 : i32
    %add3A_65 = vector.broadcast %add3A_64 : i32 to vector<16xi32>
    %add3A_66 = arith.addi %and3A_9, %add3A_65 : vector<16xi32>
    %and3A_67 = arith.constant 15 : i32
    %and3A_68 = vector.broadcast %and3A_67 : i32 to vector<16xi32>
    %and3A_69 = arith.andi %add3A_66, %and3A_68 : vector<16xi32>
    %gather3A_70 = tpu.vector_load_idx %arg7[%and3A_69] : memref<16xf32, #tpu.memory_space<vmem>>[vector<16xi32>], vector<16xf32>,
    %swap3A_71 = arith.constant 32 : index
    %swap3A_72 = tpu.vector_load %arg8[%swap3A_71] {strides = array<i32>} : memref<1024xf32, #tpu.memory_space<vmem>>, vector<16xf32>,
    tpu.vector_store %arg8[%swap3A_71], %gather3A_70 {strides = array<i32>} : memref<1024xf32, #tpu.memory_space<vmem>>, vector<16xf32>,
    %add3A_73 = arith.constant 12 : i32
    %add3A_74 = vector.broadcast %add3A_73 : i32 to vector<16xi32>
    %add3A_75 = arith.addi %and3A_9, %add3A_74 : vector<16xi32>
    %and3A_76 = arith.constant 15 : i32
    %and3A_77 = vector.broadcast %and3A_76 : i32 to vector<16xi32>
    %and3A_78 = arith.andi %add3A_75, %and3A_77 : vector<16xi32>
    %gather3A_79 = tpu.vector_load_idx %arg7[%and3A_78] : memref<16xf32, #tpu.memory_space<vmem>>[vector<16xi32>], vector<16xf32>,
    %swap3A_80 = arith.constant 48 : index
    %swap3A_81 = tpu.vector_load %arg8[%swap3A_80] {strides = array<i32>} : memref<1024xf32, #tpu.memory_space<vmem>>, vector<16xf32>,
    tpu.vector_store %arg8[%swap3A_80], %gather3A_79 {strides = array<i32>} : memref<1024xf32, #tpu.memory_space<vmem>>, vector<16xf32>,
    %add3A_82 = arith.constant 15 : i32
    %add3A_83 = vector.broadcast %add3A_82 : i32 to vector<16xi32>
    %add3A_84 = arith.addi %and3A_9, %add3A_83 : vector<16xi32>
    %and3A_85 = arith.constant 15 : i32
    %and3A_86 = vector.broadcast %and3A_85 : i32 to vector<16xi32>
    %and3A_87 = arith.andi %add3A_84, %and3A_86 : vector<16xi32>
    %gather3A_88 = tpu.vector_load_idx %arg7[%and3A_87] : memref<16xf32, #tpu.memory_space<vmem>>[vector<16xi32>], vector<16xf32>,
    %swap3A_89 = arith.constant 64 : index
    %swap3A_90 = tpu.vector_load %arg8[%swap3A_89] {strides = array<i32>} : memref<1024xf32, #tpu.memory_space<vmem>>, vector<16xf32>,
    tpu.vector_store %arg8[%swap3A_89], %gather3A_88 {strides = array<i32>} : memref<1024xf32, #tpu.memory_space<vmem>>, vector<16xf32>,
    %add3A_91 = arith.constant 3 : i32
    %add3A_92 = vector.broadcast %add3A_91 : i32 to vector<16xi32>
    %add3A_93 = arith.addi %and3A_9, %add3A_92 : vector<16xi32>
    %and3A_94 = arith.constant 15 : i32
    %and3A_95 = vector.broadcast %and3A_94 : i32 to vector<16xi32>
    %and3A_96 = arith.andi %add3A_93, %and3A_95 : vector<16xi32>
    %gather3A_97 = tpu.vector_load_idx %arg7[%and3A_96] : memref<16xf32, #tpu.memory_space<vmem>>[vector<16xi32>], vector<16xf32>,
    %swap3A_98 = arith.constant 80 : index
    %swap3A_99 = tpu.vector_load %arg8[%swap3A_98] {strides = array<i32>} : memref<1024xf32, #tpu.memory_space<vmem>>, vector<16xf32>,
    tpu.vector_store %arg8[%swap3A_98], %gather3A_97 {strides = array<i32>} : memref<1024xf32, #tpu.memory_space<vmem>>, vector<16xf32>,
    %add3A_100 = arith.constant 7 : i32
    %add3A_101 = vector.broadcast %add3A_100 : i32 to vector<16xi32>
    %add3A_102 = arith.addi %and3A_9, %add3A_101 : vector<16xi32>
    %and3A_103 = arith.constant 15 : i32
    %and3A_104 = vector.broadcast %and3A_103 : i32 to vector<16xi32>
    %and3A_105 = arith.andi %add3A_102, %and3A_104 : vector<16xi32>
    %gather3A_106 = tpu.vector_load_idx %arg7[%and3A_105] : memref<16xf32, #tpu.memory_space<vmem>>[vector<16xi32>], vector<16xf32>,
    %swap3A_107 = arith.constant 96 : index
    %swap3A_108 = tpu.vector_load %arg8[%swap3A_107] {strides = array<i32>} : memref<1024xf32, #tpu.memory_space<vmem>>, vector<16xf32>,
    tpu.vector_store %arg8[%swap3A_107], %gather3A_106 {strides = array<i32>} : memref<1024xf32, #tpu.memory_space<vmem>>, vector<16xf32>,
    %add3A_109 = arith.constant 11 : i32
    %add3A_110 = vector.broadcast %add3A_109 : i32 to vector<16xi32>
    %add3A_111 = arith.addi %and3A_9, %add3A_110 : vector<16xi32>
    %and3A_112 = arith.constant 15 : i32
    %and3A_113 = vector.broadcast %and3A_112 : i32 to vector<16xi32>
    %and3A_114 = arith.andi %add3A_111, %and3A_113 : vector<16xi32>
    %gather3A_115 = tpu.vector_load_idx %arg7[%and3A_114] : memref<16xf32, #tpu.memory_space<vmem>>[vector<16xi32>], vector<16xf32>,
    %swap3A_116 = arith.constant 112 : index
    %swap3A_117 = tpu.vector_load %arg8[%swap3A_116] {strides = array<i32>} : memref<1024xf32, #tpu.memory_space<vmem>>, vector<16xf32>,
    tpu.vector_store %arg8[%swap3A_116], %gather3A_115 {strides = array<i32>} : memref<1024xf32, #tpu.memory_space<vmem>>, vector<16xf32>,
    %add3A_118 = arith.constant 14 : i32
    %add3A_119 = vector.broadcast %add3A_118 : i32 to vector<16xi32>
    %add3A_120 = arith.addi %and3A_9, %add3A_119 : vector<16xi32>
    %and3A_121 = arith.constant 15 : i32
    %and3A_122 = vector.broadcast %and3A_121 : i32 to vector<16xi32>
    %and3A_123 = arith.andi %add3A_120, %and3A_122 : vector<16xi32>
    %gather3A_124 = tpu.vector_load_idx %arg7[%and3A_123] : memref<16xf32, #tpu.memory_space<vmem>>[vector<16xi32>], vector<16xf32>,
    %swap3A_125 = arith.constant 128 : index
    %swap3A_126 = tpu.vector_load %arg8[%swap3A_125] {strides = array<i32>} : memref<1024xf32, #tpu.memory_space<vmem>>, vector<16xf32>,
    tpu.vector_store %arg8[%swap3A_125], %gather3A_124 {strides = array<i32>} : memref<1024xf32, #tpu.memory_space<vmem>>, vector<16xf32>,
    %add3A_127 = arith.constant 2 : i32
    %add3A_128 = vector.broadcast %add3A_127 : i32 to vector<16xi32>
    %add3A_129 = arith.addi %and3A_9, %add3A_128 : vector<16xi32>
    %and3A_130 = arith.constant 15 : i32
    %and3A_131 = vector.broadcast %and3A_130 : i32 to vector<16xi32>
    %and3A_132 = arith.andi %add3A_129, %and3A_131 : vector<16xi32>
    %gather3A_133 = tpu.vector_load_idx %arg7[%and3A_132] : memref<16xf32, #tpu.memory_space<vmem>>[vector<16xi32>], vector<16xf32>,
    %swap3A_134 = arith.constant 144 : index
    %swap3A_135 = tpu.vector_load %arg8[%swap3A_134] {strides = array<i32>} : memref<1024xf32, #tpu.memory_space<vmem>>, vector<16xf32>,
    tpu.vector_store %arg8[%swap3A_134], %gather3A_133 {strides = array<i32>} : memref<1024xf32, #tpu.memory_space<vmem>>, vector<16xf32>,
    %add3A_136 = arith.constant 6 : i32
    %add3A_137 = vector.broadcast %add3A_136 : i32 to vector<16xi32>
    %add3A_138 = arith.addi %and3A_9, %add3A_137 : vector<16xi32>
    %and3A_139 = arith.constant 15 : i32
    %and3A_140 = vector.broadcast %and3A_139 : i32 to vector<16xi32>
    %and3A_141 = arith.andi %add3A_138, %and3A_140 : vector<16xi32>
    %gather3A_142 = tpu.vector_load_idx %arg7[%and3A_141] : memref<16xf32, #tpu.memory_space<vmem>>[vector<16xi32>], vector<16xf32>,
    %swap3A_143 = arith.constant 160 : index
    %swap3A_144 = tpu.vector_load %arg8[%swap3A_143] {strides = array<i32>} : memref<1024xf32, #tpu.memory_space<vmem>>, vector<16xf32>,
    tpu.vector_store %arg8[%swap3A_143], %gather3A_142 {strides = array<i32>} : memref<1024xf32, #tpu.memory_space<vmem>>, vector<16xf32>,
    %add3A_145 = arith.constant 10 : i32
    %add3A_146 = vector.broadcast %add3A_145 : i32 to vector<16xi32>
    %add3A_147 = arith.addi %and3A_9, %add3A_146 : vector<16xi32>
    %and3A_148 = arith.constant 15 : i32
    %and3A_149 = vector.broadcast %and3A_148 : i32 to vector<16xi32>
    %and3A_150 = arith.andi %add3A_147, %and3A_149 : vector<16xi32>
    %gather3A_151 = tpu.vector_load_idx %arg7[%and3A_150] : memref<16xf32, #tpu.memory_space<vmem>>[vector<16xi32>], vector<16xf32>,
    %swap3A_152 = arith.constant 176 : index
    %swap3A_153 = tpu.vector_load %arg8[%swap3A_152] {strides = array<i32>} : memref<1024xf32, #tpu.memory_space<vmem>>, vector<16xf32>,
    tpu.vector_store %arg8[%swap3A_152], %gather3A_151 {strides = array<i32>} : memref<1024xf32, #tpu.memory_space<vmem>>, vector<16xf32>,
    %add3A_154 = arith.constant 13 : i32
    %add3A_155 = vector.broadcast %add3A_154 : i32 to vector<16xi32>
    %add3A_156 = arith.addi %and3A_9, %add3A_155 : vector<16xi32>
    %and3A_157 = arith.constant 15 : i32
    %and3A_158 = vector.broadcast %and3A_157 : i32 to vector<16xi32>
    %and3A_159 = arith.andi %add3A_156, %and3A_158 : vector<16xi32>
    %gather3A_160 = tpu.vector_load_idx %arg7[%and3A_159] : memref<16xf32, #tpu.memory_space<vmem>>[vector<16xi32>], vector<16xf32>,
    %swap3A_161 = arith.constant 192 : index
    %swap3A_162 = tpu.vector_load %arg8[%swap3A_161] {strides = array<i32>} : memref<1024xf32, #tpu.memory_space<vmem>>, vector<16xf32>,
    tpu.vector_store %arg8[%swap3A_161], %gather3A_160 {strides = array<i32>} : memref<1024xf32, #tpu.memory_space<vmem>>, vector<16xf32>,
    %add3A_163 = arith.constant 1 : i32
    %add3A_164 = vector.broadcast %add3A_163 : i32 to vector<16xi32>
    %add3A_165 = arith.addi %and3A_9, %add3A_164 : vector<16xi32>
    %and3A_166 = arith.constant 15 : i32
    %and3A_167 = vector.broadcast %and3A_166 : i32 to vector<16xi32>
    %and3A_168 = arith.andi %add3A_165, %and3A_167 : vector<16xi32>
    %gather3A_169 = tpu.vector_load_idx %arg7[%and3A_168] : memref<16xf32, #tpu.memory_space<vmem>>[vector<16xi32>], vector<16xf32>,
    %swap3A_170 = arith.constant 208 : index
    %swap3A_171 = tpu.vector_load %arg8[%swap3A_170] {strides = array<i32>} : memref<1024xf32, #tpu.memory_space<vmem>>, vector<16xf32>,
    tpu.vector_store %arg8[%swap3A_170], %gather3A_169 {strides = array<i32>} : memref<1024xf32, #tpu.memory_space<vmem>>, vector<16xf32>,
    %add3A_172 = arith.constant 5 : i32
    %add3A_173 = vector.broadcast %add3A_172 : i32 to vector<16xi32>
    %add3A_174 = arith.addi %and3A_9, %add3A_173 : vector<16xi32>
    %and3A_175 = arith.constant 15 : i32
    %and3A_176 = vector.broadcast %and3A_175 : i32 to vector<16xi32>
    %and3A_177 = arith.andi %add3A_174, %and3A_176 : vector<16xi32>
    %gather3A_178 = tpu.vector_load_idx %arg7[%and3A_177] : memref<16xf32, #tpu.memory_space<vmem>>[vector<16xi32>], vector<16xf32>,
    %swap3A_179 = arith.constant 224 : index
    %swap3A_180 = tpu.vector_load %arg8[%swap3A_179] {strides = array<i32>} : memref<1024xf32, #tpu.memory_space<vmem>>, vector<16xf32>,
    tpu.vector_store %arg8[%swap3A_179], %gather3A_178 {strides = array<i32>} : memref<1024xf32, #tpu.memory_space<vmem>>, vector<16xf32>,
    %add3A_181 = arith.constant 9 : i32
    %add3A_182 = vector.broadcast %add3A_181 : i32 to vector<16xi32>
    %add3A_183 = arith.addi %and3A_9, %add3A_182 : vector<16xi32>
    %and3A_184 = arith.constant 15 : i32
    %and3A_185 = vector.broadcast %and3A_184 : i32 to vector<16xi32>
    %and3A_186 = arith.andi %add3A_183, %and3A_185 : vector<16xi32>
    %gather3A_187 = tpu.vector_load_idx %arg7[%and3A_186] : memref<16xf32, #tpu.memory_space<vmem>>[vector<16xi32>], vector<16xf32>,
    %swap3A_188 = arith.constant 240 : index
    %swap3A_189 = tpu.vector_load %arg8[%swap3A_188] {strides = array<i32>} : memref<1024xf32, #tpu.memory_space<vmem>>, vector<16xf32>,
    tpu.vector_store %arg8[%swap3A_188], %gather3A_187 {strides = array<i32>} : memref<1024xf32, #tpu.memory_space<vmem>>, vector<16xf32>,
    %add3A_190 = arith.constant 12 : i32
    %add3A_191 = vector.broadcast %add3A_190 : i32 to vector<16xi32>
    %add3A_192 = arith.addi %and3A_9, %add3A_191 : vector<16xi32>
    %and3A_193 = arith.constant 15 : i32
    %and3A_194 = vector.broadcast %and3A_193 : i32 to vector<16xi32>
    %and3A_195 = arith.andi %add3A_192, %and3A_194 : vector<16xi32>
    %gather3A_196 = tpu.vector_load_idx %arg7[%and3A_195] : memref<16xf32, #tpu.memory_space<vmem>>[vector<16xi32>], vector<16xf32>,
    %swap3A_197 = arith.constant 256 : index
    %swap3A_198 = tpu.vector_load %arg8[%swap3A_197] {strides = array<i32>} : memref<1024xf32, #tpu.memory_space<vmem>>, vector<16xf32>,
    tpu.vector_store %arg8[%swap3A_197], %gather3A_196 {strides = array<i32>} : memref<1024xf32, #tpu.memory_space<vmem>>, vector<16xf32>,
    %add3A_199 = arith.constant 0 : i32
    %add3A_200 = vector.broadcast %add3A_199 : i32 to vector<16xi32>
    %add3A_201 = arith.addi %and3A_9, %add3A_200 : vector<16xi32>
    %and3A_202 = arith.constant 15 : i32
    %and3A_203 = vector.broadcast %and3A_202 : i32 to vector<16xi32>
    %and3A_204 = arith.andi %add3A_201, %and3A_203 : vector<16xi32>
    %gather3A_205 = tpu.vector_load_idx %arg7[%and3A_204] : memref<16xf32, #tpu.memory_space<vmem>>[vector<16xi32>], vector<16xf32>,
    %swap3A_206 = arith.constant 272 : index
    %swap3A_207 = tpu.vector_load %arg8[%swap3A_206] {strides = array<i32>} : memref<1024xf32, #tpu.memory_space<vmem>>, vector<16xf32>,
    tpu.vector_store %arg8[%swap3A_206], %gather3A_205 {strides = array<i32>} : memref<1024xf32, #tpu.memory_space<vmem>>, vector<16xf32>,
    %add3A_208 = arith.constant 4 : i32
    %add3A_209 = vector.broadcast %add3A_208 : i32 to vector<16xi32>
    %add3A_210 = arith.addi %and3A_9, %add3A_209 : vector<16xi32>
    %and3A_211 = arith.constant 15 : i32
    %and3A_212 = vector.broadcast %and3A_211 : i32 to vector<16xi32>
    %and3A_213 = arith.andi %add3A_210, %and3A_212 : vector<16xi32>
    %gather3A_214 = tpu.vector_load_idx %arg7[%and3A_213] : memref<16xf32, #tpu.memory_space<vmem>>[vector<16xi32>], vector<16xf32>,
    %swap3A_215 = arith.constant 288 : index
    %swap3A_216 = tpu.vector_load %arg8[%swap3A_215] {strides = array<i32>} : memref<1024xf32, #tpu.memory_space<vmem>>, vector<16xf32>,
    tpu.vector_store %arg8[%swap3A_215], %gather3A_214 {strides = array<i32>} : memref<1024xf32, #tpu.memory_space<vmem>>, vector<16xf32>,
    %add3A_217 = arith.constant 8 : i32
    %add3A_218 = vector.broadcast %add3A_217 : i32 to vector<16xi32>
    %add3A_219 = arith.addi %and3A_9, %add3A_218 : vector<16xi32>
    %and3A_220 = arith.constant 15 : i32
    %and3A_221 = vector.broadcast %and3A_220 : i32 to vector<16xi32>
    %and3A_222 = arith.andi %add3A_219, %and3A_221 : vector<16xi32>
    %gather3A_223 = tpu.vector_load_idx %arg7[%and3A_222] : memref<16xf32, #tpu.memory_space<vmem>>[vector<16xi32>], vector<16xf32>,
    %swap3A_224 = arith.constant 304 : index
    %swap3A_225 = tpu.vector_load %arg8[%swap3A_224] {strides = array<i32>} : memref<1024xf32, #tpu.memory_space<vmem>>, vector<16xf32>,
    tpu.vector_store %arg8[%swap3A_224], %gather3A_223 {strides = array<i32>} : memref<1024xf32, #tpu.memory_space<vmem>>, vector<16xf32>,
    %add3A_226 = arith.constant 11 : i32
    %add3A_227 = vector.broadcast %add3A_226 : i32 to vector<16xi32>
    %add3A_228 = arith.addi %and3A_9, %add3A_227 : vector<16xi32>
    %and3A_229 = arith.constant 15 : i32
    %and3A_230 = vector.broadcast %and3A_229 : i32 to vector<16xi32>
    %and3A_231 = arith.andi %add3A_228, %and3A_230 : vector<16xi32>
    %gather3A_232 = tpu.vector_load_idx %arg7[%and3A_231] : memref<16xf32, #tpu.memory_space<vmem>>[vector<16xi32>], vector<16xf32>,
    %swap3A_233 = arith.constant 320 : index
    %swap3A_234 = tpu.vector_load %arg8[%swap3A_233] {strides = array<i32>} : memref<1024xf32, #tpu.memory_space<vmem>>, vector<16xf32>,
    tpu.vector_store %arg8[%swap3A_233], %gather3A_232 {strides = array<i32>} : memref<1024xf32, #tpu.memory_space<vmem>>, vector<16xf32>,
    %add3A_235 = arith.constant 15 : i32
    %add3A_236 = vector.broadcast %add3A_235 : i32 to vector<16xi32>
    %add3A_237 = arith.addi %and3A_9, %add3A_236 : vector<16xi32>
    %and3A_238 = arith.constant 15 : i32
    %and3A_239 = vector.broadcast %and3A_238 : i32 to vector<16xi32>
    %and3A_240 = arith.andi %add3A_237, %and3A_239 : vector<16xi32>
    %gather3A_241 = tpu.vector_load_idx %arg7[%and3A_240] : memref<16xf32, #tpu.memory_space<vmem>>[vector<16xi32>], vector<16xf32>,
    %swap3A_242 = arith.constant 336 : index
    %swap3A_243 = tpu.vector_load %arg8[%swap3A_242] {strides = array<i32>} : memref<1024xf32, #tpu.memory_space<vmem>>, vector<16xf32>,
    tpu.vector_store %arg8[%swap3A_242], %gather3A_241 {strides = array<i32>} : memref<1024xf32, #tpu.memory_space<vmem>>, vector<16xf32>,
    %add3A_244 = arith.constant 3 : i32
    %add3A_245 = vector.broadcast %add3A_244 : i32 to vector<16xi32>
    %add3A_246 = arith.addi %and3A_9, %add3A_245 : vector<16xi32>
    %and3A_247 = arith.constant 15 : i32
    %and3A_248 = vector.broadcast %and3A_247 : i32 to vector<16xi32>
    %and3A_249 = arith.andi %add3A_246, %and3A_248 : vector<16xi32>
    %gather3A_250 = tpu.vector_load_idx %arg7[%and3A_249] : memref<16xf32, #tpu.memory_space<vmem>>[vector<16xi32>], vector<16xf32>,
    %swap3A_251 = arith.constant 352 : index
    %swap3A_252 = tpu.vector_load %arg8[%swap3A_251] {strides = array<i32>} : memref<1024xf32, #tpu.memory_space<vmem>>, vector<16xf32>,
    tpu.vector_store %arg8[%swap3A_251], %gather3A_250 {strides = array<i32>} : memref<1024xf32, #tpu.memory_space<vmem>>, vector<16xf32>,
    %add3A_253 = arith.constant 7 : i32
    %add3A_254 = vector.broadcast %add3A_253 : i32 to vector<16xi32>
    %add3A_255 = arith.addi %and3A_9, %add3A_254 : vector<16xi32>
    %and3A_256 = arith.constant 15 : i32
    %and3A_257 = vector.broadcast %and3A_256 : i32 to vector<16xi32>
    %and3A_258 = arith.andi %add3A_255, %and3A_257 : vector<16xi32>
    %gather3A_259 = tpu.vector_load_idx %arg7[%and3A_258] : memref<16xf32, #tpu.memory_space<vmem>>[vector<16xi32>], vector<16xf32>,
    %swap3A_260 = arith.constant 368 : index
    %swap3A_261 = tpu.vector_load %arg8[%swap3A_260] {strides = array<i32>} : memref<1024xf32, #tpu.memory_space<vmem>>, vector<16xf32>,
    tpu.vector_store %arg8[%swap3A_260], %gather3A_259 {strides = array<i32>} : memref<1024xf32, #tpu.memory_space<vmem>>, vector<16xf32>,
    %add3A_262 = arith.constant 10 : i32
    %add3A_263 = vector.broadcast %add3A_262 : i32 to vector<16xi32>
    %add3A_264 = arith.addi %and3A_9, %add3A_263 : vector<16xi32>
    %and3A_265 = arith.constant 15 : i32
    %and3A_266 = vector.broadcast %and3A_265 : i32 to vector<16xi32>
    %and3A_267 = arith.andi %add3A_264, %and3A_266 : vector<16xi32>
    %gather3A_268 = tpu.vector_load_idx %arg7[%and3A_267] : memref<16xf32, #tpu.memory_space<vmem>>[vector<16xi32>], vector<16xf32>,
    %swap3A_269 = arith.constant 384 : index
    %swap3A_270 = tpu.vector_load %arg8[%swap3A_269] {strides = array<i32>} : memref<1024xf32, #tpu.memory_space<vmem>>, vector<16xf32>,
    tpu.vector_store %arg8[%swap3A_269], %gather3A_268 {strides = array<i32>} : memref<1024xf32, #tpu.memory_space<vmem>>, vector<16xf32>,
    %add3A_271 = arith.constant 14 : i32
    %add3A_272 = vector.broadcast %add3A_271 : i32 to vector<16xi32>
    %add3A_273 = arith.addi %and3A_9, %add3A_272 : vector<16xi32>
    %and3A_274 = arith.constant 15 : i32
    %and3A_275 = vector.broadcast %and3A_274 : i32 to vector<16xi32>
    %and3A_276 = arith.andi %add3A_273, %and3A_275 : vector<16xi32>
    %gather3A_277 = tpu.vector_load_idx %arg7[%and3A_276] : memref<16xf32, #tpu.memory_space<vmem>>[vector<16xi32>], vector<16xf32>,
    %swap3A_278 = arith.constant 400 : index
    %swap3A_279 = tpu.vector_load %arg8[%swap3A_278] {strides = array<i32>} : memref<1024xf32, #tpu.memory_space<vmem>>, vector<16xf32>,
    tpu.vector_store %arg8[%swap3A_278], %gather3A_277 {strides = array<i32>} : memref<1024xf32, #tpu.memory_space<vmem>>, vector<16xf32>,
    %add3A_280 = arith.constant 2 : i32
    %add3A_281 = vector.broadcast %add3A_280 : i32 to vector<16xi32>
    %add3A_282 = arith.addi %and3A_9, %add3A_281 : vector<16xi32>
    %and3A_283 = arith.constant 15 : i32
    %and3A_284 = vector.broadcast %and3A_283 : i32 to vector<16xi32>
    %and3A_285 = arith.andi %add3A_282, %and3A_284 : vector<16xi32>
    %gather3A_286 = tpu.vector_load_idx %arg7[%and3A_285] : memref<16xf32, #tpu.memory_space<vmem>>[vector<16xi32>], vector<16xf32>,
    %swap3A_287 = arith.constant 416 : index
    %swap3A_288 = tpu.vector_load %arg8[%swap3A_287] {strides = array<i32>} : memref<1024xf32, #tpu.memory_space<vmem>>, vector<16xf32>,
    tpu.vector_store %arg8[%swap3A_287], %gather3A_286 {strides = array<i32>} : memref<1024xf32, #tpu.memory_space<vmem>>, vector<16xf32>,
    %add3A_289 = arith.constant 6 : i32
    %add3A_290 = vector.broadcast %add3A_289 : i32 to vector<16xi32>
    %add3A_291 = arith.addi %and3A_9, %add3A_290 : vector<16xi32>
    %and3A_292 = arith.constant 15 : i32
    %and3A_293 = vector.broadcast %and3A_292 : i32 to vector<16xi32>
    %and3A_294 = arith.andi %add3A_291, %and3A_293 : vector<16xi32>
    %gather3A_295 = tpu.vector_load_idx %arg7[%and3A_294] : memref<16xf32, #tpu.memory_space<vmem>>[vector<16xi32>], vector<16xf32>,
    %swap3A_296 = arith.constant 432 : index
    %swap3A_297 = tpu.vector_load %arg8[%swap3A_296] {strides = array<i32>} : memref<1024xf32, #tpu.memory_space<vmem>>, vector<16xf32>,
    tpu.vector_store %arg8[%swap3A_296], %gather3A_295 {strides = array<i32>} : memref<1024xf32, #tpu.memory_space<vmem>>, vector<16xf32>,
    %add3A_298 = arith.constant 9 : i32
    %add3A_299 = vector.broadcast %add3A_298 : i32 to vector<16xi32>
    %add3A_300 = arith.addi %and3A_9, %add3A_299 : vector<16xi32>
    %and3A_301 = arith.constant 15 : i32
    %and3A_302 = vector.broadcast %and3A_301 : i32 to vector<16xi32>
    %and3A_303 = arith.andi %add3A_300, %and3A_302 : vector<16xi32>
    %gather3A_304 = tpu.vector_load_idx %arg7[%and3A_303] : memref<16xf32, #tpu.memory_space<vmem>>[vector<16xi32>], vector<16xf32>,
    %swap3A_305 = arith.constant 448 : index
    %swap3A_306 = tpu.vector_load %arg8[%swap3A_305] {strides = array<i32>} : memref<1024xf32, #tpu.memory_space<vmem>>, vector<16xf32>,
    tpu.vector_store %arg8[%swap3A_305], %gather3A_304 {strides = array<i32>} : memref<1024xf32, #tpu.memory_space<vmem>>, vector<16xf32>,
    %add3A_307 = arith.constant 13 : i32
    %add3A_308 = vector.broadcast %add3A_307 : i32 to vector<16xi32>
    %add3A_309 = arith.addi %and3A_9, %add3A_308 : vector<16xi32>
    %and3A_310 = arith.constant 15 : i32
    %and3A_311 = vector.broadcast %and3A_310 : i32 to vector<16xi32>
    %and3A_312 = arith.andi %add3A_309, %and3A_311 : vector<16xi32>
    %gather3A_313 = tpu.vector_load_idx %arg7[%and3A_312] : memref<16xf32, #tpu.memory_space<vmem>>[vector<16xi32>], vector<16xf32>,
    %swap3A_314 = arith.constant 464 : index
    %swap3A_315 = tpu.vector_load %arg8[%swap3A_314] {strides = array<i32>} : memref<1024xf32, #tpu.memory_space<vmem>>, vector<16xf32>,
    tpu.vector_store %arg8[%swap3A_314], %gather3A_313 {strides = array<i32>} : memref<1024xf32, #tpu.memory_space<vmem>>, vector<16xf32>,
    %add3A_316 = arith.constant 1 : i32
    %add3A_317 = vector.broadcast %add3A_316 : i32 to vector<16xi32>
    %add3A_318 = arith.addi %and3A_9, %add3A_317 : vector<16xi32>
    %and3A_319 = arith.constant 15 : i32
    %and3A_320 = vector.broadcast %and3A_319 : i32 to vector<16xi32>
    %and3A_321 = arith.andi %add3A_318, %and3A_320 : vector<16xi32>
    %gather3A_322 = tpu.vector_load_idx %arg7[%and3A_321] : memref<16xf32, #tpu.memory_space<vmem>>[vector<16xi32>], vector<16xf32>,
    %swap3A_323 = arith.constant 480 : index
    %swap3A_324 = tpu.vector_load %arg8[%swap3A_323] {strides = array<i32>} : memref<1024xf32, #tpu.memory_space<vmem>>, vector<16xf32>,
    tpu.vector_store %arg8[%swap3A_323], %gather3A_322 {strides = array<i32>} : memref<1024xf32, #tpu.memory_space<vmem>>, vector<16xf32>,
    %add3A_325 = arith.constant 5 : i32
    %add3A_326 = vector.broadcast %add3A_325 : i32 to vector<16xi32>
    %add3A_327 = arith.addi %and3A_9, %add3A_326 : vector<16xi32>
    %and3A_328 = arith.constant 15 : i32
    %and3A_329 = vector.broadcast %and3A_328 : i32 to vector<16xi32>
    %and3A_330 = arith.andi %add3A_327, %and3A_329 : vector<16xi32>
    %gather3A_331 = tpu.vector_load_idx %arg7[%and3A_330] : memref<16xf32, #tpu.memory_space<vmem>>[vector<16xi32>], vector<16xf32>,
    %swap3A_332 = arith.constant 496 : index
    %swap3A_333 = tpu.vector_load %arg8[%swap3A_332] {strides = array<i32>} : memref<1024xf32, #tpu.memory_space<vmem>>, vector<16xf32>,
    tpu.vector_store %arg8[%swap3A_332], %gather3A_331 {strides = array<i32>} : memref<1024xf32, #tpu.memory_space<vmem>>, vector<16xf32>,
    %add3A_334 = arith.constant 8 : i32
    %add3A_335 = vector.broadcast %add3A_334 : i32 to vector<16xi32>
    %add3A_336 = arith.addi %and3A_9, %add3A_335 : vector<16xi32>
    %and3A_337 = arith.constant 15 : i32
    %and3A_338 = vector.broadcast %and3A_337 : i32 to vector<16xi32>
    %and3A_339 = arith.andi %add3A_336, %and3A_338 : vector<16xi32>
    %gather3A_340 = tpu.vector_load_idx %arg7[%and3A_339] : memref<16xf32, #tpu.memory_space<vmem>>[vector<16xi32>], vector<16xf32>,
    %swap3A_341 = arith.constant 512 : index
    %swap3A_342 = tpu.vector_load %arg8[%swap3A_341] {strides = array<i32>} : memref<1024xf32, #tpu.memory_space<vmem>>, vector<16xf32>,
    tpu.vector_store %arg8[%swap3A_341], %gather3A_340 {strides = array<i32>} : memref<1024xf32, #tpu.memory_space<vmem>>, vector<16xf32>,
    %add3A_343 = arith.constant 12 : i32
    %add3A_344 = vector.broadcast %add3A_343 : i32 to vector<16xi32>
    %add3A_345 = arith.addi %and3A_9, %add3A_344 : vector<16xi32>
    %and3A_346 = arith.constant 15 : i32
    %and3A_347 = vector.broadcast %and3A_346 : i32 to vector<16xi32>
    %and3A_348 = arith.andi %add3A_345, %and3A_347 : vector<16xi32>
    %gather3A_349 = tpu.vector_load_idx %arg7[%and3A_348] : memref<16xf32, #tpu.memory_space<vmem>>[vector<16xi32>], vector<16xf32>,
    %swap3A_350 = arith.constant 528 : index
    %swap3A_351 = tpu.vector_load %arg8[%swap3A_350] {strides = array<i32>} : memref<1024xf32, #tpu.memory_space<vmem>>, vector<16xf32>,
    tpu.vector_store %arg8[%swap3A_350], %gather3A_349 {strides = array<i32>} : memref<1024xf32, #tpu.memory_space<vmem>>, vector<16xf32>,
    %add3A_352 = arith.constant 0 : i32
    %add3A_353 = vector.broadcast %add3A_352 : i32 to vector<16xi32>
    %add3A_354 = arith.addi %and3A_9, %add3A_353 : vector<16xi32>
    %and3A_355 = arith.constant 15 : i32
    %and3A_356 = vector.broadcast %and3A_355 : i32 to vector<16xi32>
    %and3A_357 = arith.andi %add3A_354, %and3A_356 : vector<16xi32>
    %gather3A_358 = tpu.vector_load_idx %arg7[%and3A_357] : memref<16xf32, #tpu.memory_space<vmem>>[vector<16xi32>], vector<16xf32>,
    %swap3A_359 = arith.constant 544 : index
    %swap3A_360 = tpu.vector_load %arg8[%swap3A_359] {strides = array<i32>} : memref<1024xf32, #tpu.memory_space<vmem>>, vector<16xf32>,
    tpu.vector_store %arg8[%swap3A_359], %gather3A_358 {strides = array<i32>} : memref<1024xf32, #tpu.memory_space<vmem>>, vector<16xf32>,
    %add3A_361 = arith.constant 4 : i32
    %add3A_362 = vector.broadcast %add3A_361 : i32 to vector<16xi32>
    %add3A_363 = arith.addi %and3A_9, %add3A_362 : vector<16xi32>
    %and3A_364 = arith.constant 15 : i32
    %and3A_365 = vector.broadcast %and3A_364 : i32 to vector<16xi32>
    %and3A_366 = arith.andi %add3A_363, %and3A_365 : vector<16xi32>
    %gather3A_367 = tpu.vector_load_idx %arg7[%and3A_366] : memref<16xf32, #tpu.memory_space<vmem>>[vector<16xi32>], vector<16xf32>,
    %swap3A_368 = arith.constant 560 : index
    %swap3A_369 = tpu.vector_load %arg8[%swap3A_368] {strides = array<i32>} : memref<1024xf32, #tpu.memory_space<vmem>>, vector<16xf32>,
    tpu.vector_store %arg8[%swap3A_368], %gather3A_367 {strides = array<i32>} : memref<1024xf32, #tpu.memory_space<vmem>>, vector<16xf32>,
    %add3A_370 = arith.constant 7 : i32
    %add3A_371 = vector.broadcast %add3A_370 : i32 to vector<16xi32>
    %add3A_372 = arith.addi %and3A_9, %add3A_371 : vector<16xi32>
    %and3A_373 = arith.constant 15 : i32
    %and3A_374 = vector.broadcast %and3A_373 : i32 to vector<16xi32>
    %and3A_375 = arith.andi %add3A_372, %and3A_374 : vector<16xi32>
    %gather3A_376 = tpu.vector_load_idx %arg7[%and3A_375] : memref<16xf32, #tpu.memory_space<vmem>>[vector<16xi32>], vector<16xf32>,
    %swap3A_377 = arith.constant 576 : index
    %swap3A_378 = tpu.vector_load %arg8[%swap3A_377] {strides = array<i32>} : memref<1024xf32, #tpu.memory_space<vmem>>, vector<16xf32>,
    tpu.vector_store %arg8[%swap3A_377], %gather3A_376 {strides = array<i32>} : memref<1024xf32, #tpu.memory_space<vmem>>, vector<16xf32>,
    %add3A_379 = arith.constant 11 : i32
    %add3A_380 = vector.broadcast %add3A_379 : i32 to vector<16xi32>
    %add3A_381 = arith.addi %and3A_9, %add3A_380 : vector<16xi32>
    %and3A_382 = arith.constant 15 : i32
    %and3A_383 = vector.broadcast %and3A_382 : i32 to vector<16xi32>
    %and3A_384 = arith.andi %add3A_381, %and3A_383 : vector<16xi32>
    %gather3A_385 = tpu.vector_load_idx %arg7[%and3A_384] : memref<16xf32, #tpu.memory_space<vmem>>[vector<16xi32>], vector<16xf32>,
    %swap3A_386 = arith.constant 592 : index
    %swap3A_387 = tpu.vector_load %arg8[%swap3A_386] {strides = array<i32>} : memref<1024xf32, #tpu.memory_space<vmem>>, vector<16xf32>,
    tpu.vector_store %arg8[%swap3A_386], %gather3A_385 {strides = array<i32>} : memref<1024xf32, #tpu.memory_space<vmem>>, vector<16xf32>,
    %add3A_388 = arith.constant 15 : i32
    %add3A_389 = vector.broadcast %add3A_388 : i32 to vector<16xi32>
    %add3A_390 = arith.addi %and3A_9, %add3A_389 : vector<16xi32>
    %and3A_391 = arith.constant 15 : i32
    %and3A_392 = vector.broadcast %and3A_391 : i32 to vector<16xi32>
    %and3A_393 = arith.andi %add3A_390, %and3A_392 : vector<16xi32>
    %gather3A_394 = tpu.vector_load_idx %arg7[%and3A_393] : memref<16xf32, #tpu.memory_space<vmem>>[vector<16xi32>], vector<16xf32>,
    %swap3A_395 = arith.constant 608 : index
    %swap3A_396 = tpu.vector_load %arg8[%swap3A_395] {strides = array<i32>} : memref<1024xf32, #tpu.memory_space<vmem>>, vector<16xf32>,
    tpu.vector_store %arg8[%swap3A_395], %gather3A_394 {strides = array<i32>} : memref<1024xf32, #tpu.memory_space<vmem>>, vector<16xf32>,
    %add3A_397 = arith.constant 3 : i32
    %add3A_398 = vector.broadcast %add3A_397 : i32 to vector<16xi32>
    %add3A_399 = arith.addi %and3A_9, %add3A_398 : vector<16xi32>
    %and3A_400 = arith.constant 15 : i32
    %and3A_401 = vector.broadcast %and3A_400 : i32 to vector<16xi32>
    %and3A_402 = arith.andi %add3A_399, %and3A_401 : vector<16xi32>
    %gather3A_403 = tpu.vector_load_idx %arg7[%and3A_402] : memref<16xf32, #tpu.memory_space<vmem>>[vector<16xi32>], vector<16xf32>,
    %swap3A_404 = arith.constant 624 : index
    %swap3A_405 = tpu.vector_load %arg8[%swap3A_404] {strides = array<i32>} : memref<1024xf32, #tpu.memory_space<vmem>>, vector<16xf32>,
    tpu.vector_store %arg8[%swap3A_404], %gather3A_403 {strides = array<i32>} : memref<1024xf32, #tpu.memory_space<vmem>>, vector<16xf32>,
    %add3A_406 = arith.constant 6 : i32
    %add3A_407 = vector.broadcast %add3A_406 : i32 to vector<16xi32>
    %add3A_408 = arith.addi %and3A_9, %add3A_407 : vector<16xi32>
    %and3A_409 = arith.constant 15 : i32
    %and3A_410 = vector.broadcast %and3A_409 : i32 to vector<16xi32>
    %and3A_411 = arith.andi %add3A_408, %and3A_410 : vector<16xi32>
    %gather3A_412 = tpu.vector_load_idx %arg7[%and3A_411] : memref<16xf32, #tpu.memory_space<vmem>>[vector<16xi32>], vector<16xf32>,
    %swap3A_413 = arith.constant 640 : index
    %swap3A_414 = tpu.vector_load %arg8[%swap3A_413] {strides = array<i32>} : memref<1024xf32, #tpu.memory_space<vmem>>, vector<16xf32>,
    tpu.vector_store %arg8[%swap3A_413], %gather3A_412 {strides = array<i32>} : memref<1024xf32, #tpu.memory_space<vmem>>, vector<16xf32>,
    %add3A_415 = arith.constant 10 : i32
    %add3A_416 = vector.broadcast %add3A_415 : i32 to vector<16xi32>
    %add3A_417 = arith.addi %and3A_9, %add3A_416 : vector<16xi32>
    %and3A_418 = arith.constant 15 : i32
    %and3A_419 = vector.broadcast %and3A_418 : i32 to vector<16xi32>
    %and3A_420 = arith.andi %add3A_417, %and3A_419 : vector<16xi32>
    %gather3A_421 = tpu.vector_load_idx %arg7[%and3A_420] : memref<16xf32, #tpu.memory_space<vmem>>[vector<16xi32>], vector<16xf32>,
    %swap3A_422 = arith.constant 656 : index
    %swap3A_423 = tpu.vector_load %arg8[%swap3A_422] {strides = array<i32>} : memref<1024xf32, #tpu.memory_space<vmem>>, vector<16xf32>,
    tpu.vector_store %arg8[%swap3A_422], %gather3A_421 {strides = array<i32>} : memref<1024xf32, #tpu.memory_space<vmem>>, vector<16xf32>,
    %add3A_424 = arith.constant 14 : i32
    %add3A_425 = vector.broadcast %add3A_424 : i32 to vector<16xi32>
    %add3A_426 = arith.addi %and3A_9, %add3A_425 : vector<16xi32>
    %and3A_427 = arith.constant 15 : i32
    %and3A_428 = vector.broadcast %and3A_427 : i32 to vector<16xi32>
    %and3A_429 = arith.andi %add3A_426, %and3A_428 : vector<16xi32>
    %gather3A_430 = tpu.vector_load_idx %arg7[%and3A_429] : memref<16xf32, #tpu.memory_space<vmem>>[vector<16xi32>], vector<16xf32>,
    %swap3A_431 = arith.constant 672 : index
    %swap3A_432 = tpu.vector_load %arg8[%swap3A_431] {strides = array<i32>} : memref<1024xf32, #tpu.memory_space<vmem>>, vector<16xf32>,
    tpu.vector_store %arg8[%swap3A_431], %gather3A_430 {strides = array<i32>} : memref<1024xf32, #tpu.memory_space<vmem>>, vector<16xf32>,
    %add3A_433 = arith.constant 2 : i32
    %add3A_434 = vector.broadcast %add3A_433 : i32 to vector<16xi32>
    %add3A_435 = arith.addi %and3A_9, %add3A_434 : vector<16xi32>
    %and3A_436 = arith.constant 15 : i32
    %and3A_437 = vector.broadcast %and3A_436 : i32 to vector<16xi32>
    %and3A_438 = arith.andi %add3A_435, %and3A_437 : vector<16xi32>
    %gather3A_439 = tpu.vector_load_idx %arg7[%and3A_438] : memref<16xf32, #tpu.memory_space<vmem>>[vector<16xi32>], vector<16xf32>,
    %swap3A_440 = arith.constant 688 : index
    %swap3A_441 = tpu.vector_load %arg8[%swap3A_440] {strides = array<i32>} : memref<1024xf32, #tpu.memory_space<vmem>>, vector<16xf32>,
    tpu.vector_store %arg8[%swap3A_440], %gather3A_439 {strides = array<i32>} : memref<1024xf32, #tpu.memory_space<vmem>>, vector<16xf32>,
    %add3A_442 = arith.constant 5 : i32
    %add3A_443 = vector.broadcast %add3A_442 : i32 to vector<16xi32>
    %add3A_444 = arith.addi %and3A_9, %add3A_443 : vector<16xi32>
    %and3A_445 = arith.constant 15 : i32
    %and3A_446 = vector.broadcast %and3A_445 : i32 to vector<16xi32>
    %and3A_447 = arith.andi %add3A_444, %and3A_446 : vector<16xi32>
    %gather3A_448 = tpu.vector_load_idx %arg7[%and3A_447] : memref<16xf32, #tpu.memory_space<vmem>>[vector<16xi32>], vector<16xf32>,
    %swap3A_449 = arith.constant 704 : index
    %swap3A_450 = tpu.vector_load %arg8[%swap3A_449] {strides = array<i32>} : memref<1024xf32, #tpu.memory_space<vmem>>, vector<16xf32>,
    tpu.vector_store %arg8[%swap3A_449], %gather3A_448 {strides = array<i32>} : memref<1024xf32, #tpu.memory_space<vmem>>, vector<16xf32>,
    %add3A_451 = arith.constant 9 : i32
    %add3A_452 = vector.broadcast %add3A_451 : i32 to vector<16xi32>
    %add3A_453 = arith.addi %and3A_9, %add3A_452 : vector<16xi32>
    %and3A_454 = arith.constant 15 : i32
    %and3A_455 = vector.broadcast %and3A_454 : i32 to vector<16xi32>
    %and3A_456 = arith.andi %add3A_453, %and3A_455 : vector<16xi32>
    %gather3A_457 = tpu.vector_load_idx %arg7[%and3A_456] : memref<16xf32, #tpu.memory_space<vmem>>[vector<16xi32>], vector<16xf32>,
    %swap3A_458 = arith.constant 720 : index
    %swap3A_459 = tpu.vector_load %arg8[%swap3A_458] {strides = array<i32>} : memref<1024xf32, #tpu.memory_space<vmem>>, vector<16xf32>,
    tpu.vector_store %arg8[%swap3A_458], %gather3A_457 {strides = array<i32>} : memref<1024xf32, #tpu.memory_space<vmem>>, vector<16xf32>,
    %add3A_460 = arith.constant 13 : i32
    %add3A_461 = vector.broadcast %add3A_460 : i32 to vector<16xi32>
    %add3A_462 = arith.addi %and3A_9, %add3A_461 : vector<16xi32>
    %and3A_463 = arith.constant 15 : i32
    %and3A_464 = vector.broadcast %and3A_463 : i32 to vector<16xi32>
    %and3A_465 = arith.andi %add3A_462, %and3A_464 : vector<16xi32>
    %gather3A_466 = tpu.vector_load_idx %arg7[%and3A_465] : memref<16xf32, #tpu.memory_space<vmem>>[vector<16xi32>], vector<16xf32>,
    %swap3A_467 = arith.constant 736 : index
    %swap3A_468 = tpu.vector_load %arg8[%swap3A_467] {strides = array<i32>} : memref<1024xf32, #tpu.memory_space<vmem>>, vector<16xf32>,
    tpu.vector_store %arg8[%swap3A_467], %gather3A_466 {strides = array<i32>} : memref<1024xf32, #tpu.memory_space<vmem>>, vector<16xf32>,
    %add3A_469 = arith.constant 1 : i32
    %add3A_470 = vector.broadcast %add3A_469 : i32 to vector<16xi32>
    %add3A_471 = arith.addi %and3A_9, %add3A_470 : vector<16xi32>
    %and3A_472 = arith.constant 15 : i32
    %and3A_473 = vector.broadcast %and3A_472 : i32 to vector<16xi32>
    %and3A_474 = arith.andi %add3A_471, %and3A_473 : vector<16xi32>
    %gather3A_475 = tpu.vector_load_idx %arg7[%and3A_474] : memref<16xf32, #tpu.memory_space<vmem>>[vector<16xi32>], vector<16xf32>,
    %swap3A_476 = arith.constant 752 : index
    %swap3A_477 = tpu.vector_load %arg8[%swap3A_476] {strides = array<i32>} : memref<1024xf32, #tpu.memory_space<vmem>>, vector<16xf32>,
    tpu.vector_store %arg8[%swap3A_476], %gather3A_475 {strides = array<i32>} : memref<1024xf32, #tpu.memory_space<vmem>>, vector<16xf32>,
    %add3A_478 = arith.constant 4 : i32
    %add3A_479 = vector.broadcast %add3A_478 : i32 to vector<16xi32>
    %add3A_480 = arith.addi %and3A_9, %add3A_479 : vector<16xi32>
    %and3A_481 = arith.constant 15 : i32
    %and3A_482 = vector.broadcast %and3A_481 : i32 to vector<16xi32>
    %and3A_483 = arith.andi %add3A_480, %and3A_482 : vector<16xi32>
    %gather3A_484 = tpu.vector_load_idx %arg7[%and3A_483] : memref<16xf32, #tpu.memory_space<vmem>>[vector<16xi32>], vector<16xf32>,
    %swap3A_485 = arith.constant 768 : index
    %swap3A_486 = tpu.vector_load %arg8[%swap3A_485] {strides = array<i32>} : memref<1024xf32, #tpu.memory_space<vmem>>, vector<16xf32>,
    tpu.vector_store %arg8[%swap3A_485], %gather3A_484 {strides = array<i32>} : memref<1024xf32, #tpu.memory_space<vmem>>, vector<16xf32>,
    %add3A_487 = arith.constant 8 : i32
    %add3A_488 = vector.broadcast %add3A_487 : i32 to vector<16xi32>
    %add3A_489 = arith.addi %and3A_9, %add3A_488 : vector<16xi32>
    %and3A_490 = arith.constant 15 : i32
    %and3A_491 = vector.broadcast %and3A_490 : i32 to vector<16xi32>
    %and3A_492 = arith.andi %add3A_489, %and3A_491 : vector<16xi32>
    %gather3A_493 = tpu.vector_load_idx %arg7[%and3A_492] : memref<16xf32, #tpu.memory_space<vmem>>[vector<16xi32>], vector<16xf32>,
    %swap3A_494 = arith.constant 784 : index
    %swap3A_495 = tpu.vector_load %arg8[%swap3A_494] {strides = array<i32>} : memref<1024xf32, #tpu.memory_space<vmem>>, vector<16xf32>,
    tpu.vector_store %arg8[%swap3A_494], %gather3A_493 {strides = array<i32>} : memref<1024xf32, #tpu.memory_space<vmem>>, vector<16xf32>,
    %add3A_496 = arith.constant 12 : i32
    %add3A_497 = vector.broadcast %add3A_496 : i32 to vector<16xi32>
    %add3A_498 = arith.addi %and3A_9, %add3A_497 : vector<16xi32>
    %and3A_499 = arith.constant 15 : i32
    %and3A_500 = vector.broadcast %and3A_499 : i32 to vector<16xi32>
    %and3A_501 = arith.andi %add3A_498, %and3A_500 : vector<16xi32>
    %gather3A_502 = tpu.vector_load_idx %arg7[%and3A_501] : memref<16xf32, #tpu.memory_space<vmem>>[vector<16xi32>], vector<16xf32>,
    %swap3A_503 = arith.constant 800 : index
    %swap3A_504 = tpu.vector_load %arg8[%swap3A_503] {strides = array<i32>} : memref<1024xf32, #tpu.memory_space<vmem>>, vector<16xf32>,
    tpu.vector_store %arg8[%swap3A_503], %gather3A_502 {strides = array<i32>} : memref<1024xf32, #tpu.memory_space<vmem>>, vector<16xf32>,
    %add3A_505 = arith.constant 0 : i32
    %add3A_506 = vector.broadcast %add3A_505 : i32 to vector<16xi32>
    %add3A_507 = arith.addi %and3A_9, %add3A_506 : vector<16xi32>
    %and3A_508 = arith.constant 15 : i32
    %and3A_509 = vector.broadcast %and3A_508 : i32 to vector<16xi32>
    %and3A_510 = arith.andi %add3A_507, %and3A_509 : vector<16xi32>
    %gather3A_511 = tpu.vector_load_idx %arg7[%and3A_510] : memref<16xf32, #tpu.memory_space<vmem>>[vector<16xi32>], vector<16xf32>,
    %swap3A_512 = arith.constant 816 : index
    %swap3A_513 = tpu.vector_load %arg8[%swap3A_512] {strides = array<i32>} : memref<1024xf32, #tpu.memory_space<vmem>>, vector<16xf32>,
    tpu.vector_store %arg8[%swap3A_512], %gather3A_511 {strides = array<i32>} : memref<1024xf32, #tpu.memory_space<vmem>>, vector<16xf32>,
    %add3A_514 = arith.constant 3 : i32
    %add3A_515 = vector.broadcast %add3A_514 : i32 to vector<16xi32>
    %add3A_516 = arith.addi %and3A_9, %add3A_515 : vector<16xi32>
    %and3A_517 = arith.constant 15 : i32
    %and3A_518 = vector.broadcast %and3A_517 : i32 to vector<16xi32>
    %and3A_519 = arith.andi %add3A_516, %and3A_518 : vector<16xi32>
    %gather3A_520 = tpu.vector_load_idx %arg7[%and3A_519] : memref<16xf32, #tpu.memory_space<vmem>>[vector<16xi32>], vector<16xf32>,
    %swap3A_521 = arith.constant 832 : index
    %swap3A_522 = tpu.vector_load %arg8[%swap3A_521] {strides = array<i32>} : memref<1024xf32, #tpu.memory_space<vmem>>, vector<16xf32>,
    tpu.vector_store %arg8[%swap3A_521], %gather3A_520 {strides = array<i32>} : memref<1024xf32, #tpu.memory_space<vmem>>, vector<16xf32>,
    %add3A_523 = arith.constant 7 : i32
    %add3A_524 = vector.broadcast %add3A_523 : i32 to vector<16xi32>
    %add3A_525 = arith.addi %and3A_9, %add3A_524 : vector<16xi32>
    %and3A_526 = arith.constant 15 : i32
    %and3A_527 = vector.broadcast %and3A_526 : i32 to vector<16xi32>
    %and3A_528 = arith.andi %add3A_525, %and3A_527 : vector<16xi32>
    %gather3A_529 = tpu.vector_load_idx %arg7[%and3A_528] : memref<16xf32, #tpu.memory_space<vmem>>[vector<16xi32>], vector<16xf32>,
    %swap3A_530 = arith.constant 848 : index
    %swap3A_531 = tpu.vector_load %arg8[%swap3A_530] {strides = array<i32>} : memref<1024xf32, #tpu.memory_space<vmem>>, vector<16xf32>,
    tpu.vector_store %arg8[%swap3A_530], %gather3A_529 {strides = array<i32>} : memref<1024xf32, #tpu.memory_space<vmem>>, vector<16xf32>,
    %add3A_532 = arith.constant 11 : i32
    %add3A_533 = vector.broadcast %add3A_532 : i32 to vector<16xi32>
    %add3A_534 = arith.addi %and3A_9, %add3A_533 : vector<16xi32>
    %and3A_535 = arith.constant 15 : i32
    %and3A_536 = vector.broadcast %and3A_535 : i32 to vector<16xi32>
    %and3A_537 = arith.andi %add3A_534, %and3A_536 : vector<16xi32>
    %gather3A_538 = tpu.vector_load_idx %arg7[%and3A_537] : memref<16xf32, #tpu.memory_space<vmem>>[vector<16xi32>], vector<16xf32>,
    %swap3A_539 = arith.constant 864 : index
    %swap3A_540 = tpu.vector_load %arg8[%swap3A_539] {strides = array<i32>} : memref<1024xf32, #tpu.memory_space<vmem>>, vector<16xf32>,
    tpu.vector_store %arg8[%swap3A_539], %gather3A_538 {strides = array<i32>} : memref<1024xf32, #tpu.memory_space<vmem>>, vector<16xf32>,
    %add3A_541 = arith.constant 15 : i32
    %add3A_542 = vector.broadcast %add3A_541 : i32 to vector<16xi32>
    %add3A_543 = arith.addi %and3A_9, %add3A_542 : vector<16xi32>
    %and3A_544 = arith.constant 15 : i32
    %and3A_545 = vector.broadcast %and3A_544 : i32 to vector<16xi32>
    %and3A_546 = arith.andi %add3A_543, %and3A_545 : vector<16xi32>
    %gather3A_547 = tpu.vector_load_idx %arg7[%and3A_546] : memref<16xf32, #tpu.memory_space<vmem>>[vector<16xi32>], vector<16xf32>,
    %swap3A_548 = arith.constant 880 : index
    %swap3A_549 = tpu.vector_load %arg8[%swap3A_548] {strides = array<i32>} : memref<1024xf32, #tpu.memory_space<vmem>>, vector<16xf32>,
    tpu.vector_store %arg8[%swap3A_548], %gather3A_547 {strides = array<i32>} : memref<1024xf32, #tpu.memory_space<vmem>>, vector<16xf32>,
    %add3A_550 = arith.constant 2 : i32
    %add3A_551 = vector.broadcast %add3A_550 : i32 to vector<16xi32>
    %add3A_552 = arith.addi %and3A_9, %add3A_551 : vector<16xi32>
    %and3A_553 = arith.constant 15 : i32
    %and3A_554 = vector.broadcast %and3A_553 : i32 to vector<16xi32>
    %and3A_555 = arith.andi %add3A_552, %and3A_554 : vector<16xi32>
    %gather3A_556 = tpu.vector_load_idx %arg7[%and3A_555] : memref<16xf32, #tpu.memory_space<vmem>>[vector<16xi32>], vector<16xf32>,
    %swap3A_557 = arith.constant 896 : index
    %swap3A_558 = tpu.vector_load %arg8[%swap3A_557] {strides = array<i32>} : memref<1024xf32, #tpu.memory_space<vmem>>, vector<16xf32>,
    tpu.vector_store %arg8[%swap3A_557], %gather3A_556 {strides = array<i32>} : memref<1024xf32, #tpu.memory_space<vmem>>, vector<16xf32>,
    %add3A_559 = arith.constant 6 : i32
    %add3A_560 = vector.broadcast %add3A_559 : i32 to vector<16xi32>
    %add3A_561 = arith.addi %and3A_9, %add3A_560 : vector<16xi32>
    %and3A_562 = arith.constant 15 : i32
    %and3A_563 = vector.broadcast %and3A_562 : i32 to vector<16xi32>
    %and3A_564 = arith.andi %add3A_561, %and3A_563 : vector<16xi32>
    %gather3A_565 = tpu.vector_load_idx %arg7[%and3A_564] : memref<16xf32, #tpu.memory_space<vmem>>[vector<16xi32>], vector<16xf32>,
    %swap3A_566 = arith.constant 912 : index
    %swap3A_567 = tpu.vector_load %arg8[%swap3A_566] {strides = array<i32>} : memref<1024xf32, #tpu.memory_space<vmem>>, vector<16xf32>,
    tpu.vector_store %arg8[%swap3A_566], %gather3A_565 {strides = array<i32>} : memref<1024xf32, #tpu.memory_space<vmem>>, vector<16xf32>,
    %add3A_568 = arith.constant 10 : i32
    %add3A_569 = vector.broadcast %add3A_568 : i32 to vector<16xi32>
    %add3A_570 = arith.addi %and3A_9, %add3A_569 : vector<16xi32>
    %and3A_571 = arith.constant 15 : i32
    %and3A_572 = vector.broadcast %and3A_571 : i32 to vector<16xi32>
    %and3A_573 = arith.andi %add3A_570, %and3A_572 : vector<16xi32>
    %gather3A_574 = tpu.vector_load_idx %arg7[%and3A_573] : memref<16xf32, #tpu.memory_space<vmem>>[vector<16xi32>], vector<16xf32>,
    %swap3A_575 = arith.constant 928 : index
    %swap3A_576 = tpu.vector_load %arg8[%swap3A_575] {strides = array<i32>} : memref<1024xf32, #tpu.memory_space<vmem>>, vector<16xf32>,
    tpu.vector_store %arg8[%swap3A_575], %gather3A_574 {strides = array<i32>} : memref<1024xf32, #tpu.memory_space<vmem>>, vector<16xf32>,
    %add3A_577 = arith.constant 14 : i32
    %add3A_578 = vector.broadcast %add3A_577 : i32 to vector<16xi32>
    %add3A_579 = arith.addi %and3A_9, %add3A_578 : vector<16xi32>
    %and3A_580 = arith.constant 15 : i32
    %and3A_581 = vector.broadcast %and3A_580 : i32 to vector<16xi32>
    %and3A_582 = arith.andi %add3A_579, %and3A_581 : vector<16xi32>
    %gather3A_583 = tpu.vector_load_idx %arg7[%and3A_582] : memref<16xf32, #tpu.memory_space<vmem>>[vector<16xi32>], vector<16xf32>,
    %swap3A_584 = arith.constant 944 : index
    %swap3A_585 = tpu.vector_load %arg8[%swap3A_584] {strides = array<i32>} : memref<1024xf32, #tpu.memory_space<vmem>>, vector<16xf32>,
    tpu.vector_store %arg8[%swap3A_584], %gather3A_583 {strides = array<i32>} : memref<1024xf32, #tpu.memory_space<vmem>>, vector<16xf32>,
    %add3A_586 = arith.constant 1 : i32
    %add3A_587 = vector.broadcast %add3A_586 : i32 to vector<16xi32>
    %add3A_588 = arith.addi %and3A_9, %add3A_587 : vector<16xi32>
    %and3A_589 = arith.constant 15 : i32
    %and3A_590 = vector.broadcast %and3A_589 : i32 to vector<16xi32>
    %and3A_591 = arith.andi %add3A_588, %and3A_590 : vector<16xi32>
    %gather3A_592 = tpu.vector_load_idx %arg7[%and3A_591] : memref<16xf32, #tpu.memory_space<vmem>>[vector<16xi32>], vector<16xf32>,
    %swap3A_593 = arith.constant 960 : index
    %swap3A_594 = tpu.vector_load %arg8[%swap3A_593] {strides = array<i32>} : memref<1024xf32, #tpu.memory_space<vmem>>, vector<16xf32>,
    tpu.vector_store %arg8[%swap3A_593], %gather3A_592 {strides = array<i32>} : memref<1024xf32, #tpu.memory_space<vmem>>, vector<16xf32>,
    %add3A_595 = arith.constant 5 : i32
    %add3A_596 = vector.broadcast %add3A_595 : i32 to vector<16xi32>
    %add3A_597 = arith.addi %and3A_9, %add3A_596 : vector<16xi32>
    %and3A_598 = arith.constant 15 : i32
    %and3A_599 = vector.broadcast %and3A_598 : i32 to vector<16xi32>
    %and3A_600 = arith.andi %add3A_597, %and3A_599 : vector<16xi32>
    %gather3A_601 = tpu.vector_load_idx %arg7[%and3A_600] : memref<16xf32, #tpu.memory_space<vmem>>[vector<16xi32>], vector<16xf32>,
    %swap3A_602 = arith.constant 976 : index
    %swap3A_603 = tpu.vector_load %arg8[%swap3A_602] {strides = array<i32>} : memref<1024xf32, #tpu.memory_space<vmem>>, vector<16xf32>,
    tpu.vector_store %arg8[%swap3A_602], %gather3A_601 {strides = array<i32>} : memref<1024xf32, #tpu.memory_space<vmem>>, vector<16xf32>,
    %add3A_604 = arith.constant 9 : i32
    %add3A_605 = vector.broadcast %add3A_604 : i32 to vector<16xi32>
    %add3A_606 = arith.addi %and3A_9, %add3A_605 : vector<16xi32>
    %and3A_607 = arith.constant 15 : i32
    %and3A_608 = vector.broadcast %and3A_607 : i32 to vector<16xi32>
    %and3A_609 = arith.andi %add3A_606, %and3A_608 : vector<16xi32>
    %gather3A_610 = tpu.vector_load_idx %arg7[%and3A_609] : memref<16xf32, #tpu.memory_space<vmem>>[vector<16xi32>], vector<16xf32>,
    %swap3A_611 = arith.constant 992 : index
    %swap3A_612 = tpu.vector_load %arg8[%swap3A_611] {strides = array<i32>} : memref<1024xf32, #tpu.memory_space<vmem>>, vector<16xf32>,
    tpu.vector_store %arg8[%swap3A_611], %gather3A_610 {strides = array<i32>} : memref<1024xf32, #tpu.memory_space<vmem>>, vector<16xf32>,
    %add3A_613 = arith.constant 13 : i32
    %add3A_614 = vector.broadcast %add3A_613 : i32 to vector<16xi32>
    %add3A_615 = arith.addi %and3A_9, %add3A_614 : vector<16xi32>
    %and3A_616 = arith.constant 15 : i32
    %and3A_617 = vector.broadcast %and3A_616 : i32 to vector<16xi32>
    %and3A_618 = arith.andi %add3A_615, %and3A_617 : vector<16xi32>
    %gather3A_619 = tpu.vector_load_idx %arg7[%and3A_618] : memref<16xf32, #tpu.memory_space<vmem>>[vector<16xi32>], vector<16xf32>,
    %swap3A_620 = arith.constant 1008 : index
    %swap3A_621 = tpu.vector_load %arg8[%swap3A_620] {strides = array<i32>} : memref<1024xf32, #tpu.memory_space<vmem>>, vector<16xf32>,
    tpu.vector_store %arg8[%swap3A_620], %gather3A_619 {strides = array<i32>} : memref<1024xf32, #tpu.memory_space<vmem>>, vector<16xf32>,
    %add3A_622 = arith.addi %mul3A_7, %and3A_9 : vector<16xi32>
    %add3A_623 = arith.constant 0 : i32
    %add3A_624 = vector.broadcast %add3A_623 : i32 to vector<16xi32>
    %add3A_625 = arith.addi %add3A_622, %add3A_624 : vector<16xi32>
    %gather3A_626 = tpu.vector_load_idx %arg5[%add3A_625] : memref<8192xf32, #tpu.memory_space<vmem>>[vector<16xi32>], vector<16xf32>,
    %add3A_627 = arith.addi %mul3A_7, %and3A_9 : vector<16xi32>
    %add3A_628 = arith.constant 4 : i32
    %add3A_629 = vector.broadcast %add3A_628 : i32 to vector<16xi32>
    %add3A_630 = arith.addi %add3A_627, %add3A_629 : vector<16xi32>
    %gather3A_631 = tpu.vector_load_idx %arg5[%add3A_630] : memref<8192xf32, #tpu.memory_space<vmem>>[vector<16xi32>], vector<16xf32>,
    %add3A_632 = arith.addi %mul3A_7, %and3A_9 : vector<16xi32>
    %add3A_633 = arith.constant 8 : i32
    %add3A_634 = vector.broadcast %add3A_633 : i32 to vector<16xi32>
    %add3A_635 = arith.addi %add3A_632, %add3A_634 : vector<16xi32>
    %gather3A_636 = tpu.vector_load_idx %arg5[%add3A_635] : memref<8192xf32, #tpu.memory_space<vmem>>[vector<16xi32>], vector<16xf32>,
    %add3A_637 = arith.addi %mul3A_7, %and3A_9 : vector<16xi32>
    %add3A_638 = arith.constant 12 : i32
    %add3A_639 = vector.broadcast %add3A_638 : i32 to vector<16xi32>
    %add3A_640 = arith.addi %add3A_637, %add3A_639 : vector<16xi32>
    %gather3A_641 = tpu.vector_load_idx %arg5[%add3A_640] : memref<8192xf32, #tpu.memory_space<vmem>>[vector<16xi32>], vector<16xf32>,
    %get3A = arith.constant 0 : index
    %get3A_642 = tpu.vector_load %arg8[%get3A] {strides = array<i32>} : memref<1024xf32, #tpu.memory_space<vmem>>, vector<16xf32>,
    %get3A_643 = arith.constant 16 : index
    %get3A_644 = tpu.vector_load %arg8[%get3A_643] {strides = array<i32>} : memref<1024xf32, #tpu.memory_space<vmem>>, vector<16xf32>,
    %get3A_645 = arith.constant 32 : index
    %get3A_646 = tpu.vector_load %arg8[%get3A_645] {strides = array<i32>} : memref<1024xf32, #tpu.memory_space<vmem>>, vector<16xf32>,
    %get3A_647 = arith.constant 48 : index
    %get3A_648 = tpu.vector_load %arg8[%get3A_647] {strides = array<i32>} : memref<1024xf32, #tpu.memory_space<vmem>>, vector<16xf32>,
    %sub3A = arith.subf %gather3A_626, %get3A_642 : vector<16xf32>
    %sub3A_649 = arith.subf %gather3A_631, %get3A_644 : vector<16xf32>
    %sub3A_650 = arith.subf %gather3A_636, %get3A_646 : vector<16xf32>
    %sub3A_651 = arith.subf %gather3A_641, %get3A_648 : vector<16xf32>
    %sub3A_652 = arith.subf %sub3A, %get3A_642 : vector<16xf32>
    %sub3A_653 = arith.subf %sub3A_649, %get3A_644 : vector<16xf32>
    %sub3A_654 = arith.subf %sub3A_650, %get3A_646 : vector<16xf32>
    %sub3A_655 = arith.subf %sub3A_651, %get3A_648 : vector<16xf32>
    %add3A_656 = arith.addf %sub3A, %sub3A_650 : vector<16xf32>
    %add3A_657 = arith.addf %sub3A_649, %sub3A_651 : vector<16xf32>
    %add3A_658 = arith.addf %add3A_656, %add3A_657 : vector<16xf32>
    %reshape3A = vector.shape_cast %xor3A_25 : vector<16xi32> to vector<16x1xi32>
    %gather3A_659 = vector.shape_cast %reshape3A : vector<16x1xi32> to vector<16xi32>
    %gather3A_660 = tpu.dynamic_gather %add3A_658[%gather3A_659] in [0] : vector<16xf32>, vector<16xi32> -> vector<16xf32>
    %add3A_661 = arith.addf %add3A_658, %gather3A_660 : vector<16xf32>
    %reshape3A_662 = vector.shape_cast %xor3A_28 : vector<16xi32> to vector<16x1xi32>
    %gather3A_663 = vector.shape_cast %reshape3A_662 : vector<16x1xi32> to vector<16xi32>
    %gather3A_664 = tpu.dynamic_gather %add3A_661[%gather3A_663] in [0] : vector<16xf32>, vector<16xi32> -> vector<16xf32>
    %add3A_665 = arith.addf %add3A_661, %gather3A_664 : vector<16xf32>
    %abs3A = math.absf %add3A_665 : vector<16xf32>
    %add3A_666 = arith.addf %sub3A_652, %sub3A_654 : vector<16xf32>
    %add3A_667 = arith.addf %sub3A_653, %sub3A_655 : vector<16xf32>
    %add3A_668 = arith.addf %add3A_666, %add3A_667 : vector<16xf32>
    %reshape3A_669 = vector.shape_cast %xor3A_25 : vector<16xi32> to vector<16x1xi32>
    %gather3A_670 = vector.shape_cast %reshape3A_669 : vector<16x1xi32> to vector<16xi32>
    %gather3A_671 = tpu.dynamic_gather %add3A_668[%gather3A_670] in [0] : vector<16xf32>, vector<16xi32> -> vector<16xf32>
    %add3A_672 = arith.addf %add3A_668, %gather3A_671 : vector<16xf32>
    %reshape3A_673 = vector.shape_cast %xor3A_28 : vector<16xi32> to vector<16x1xi32>
    %gather3A_674 = vector.shape_cast %reshape3A_673 : vector<16x1xi32> to vector<16xi32>
    %gather3A_675 = tpu.dynamic_gather %add3A_672[%gather3A_674] in [0] : vector<16xf32>, vector<16xi32> -> vector<16xf32>
    %add3A_676 = arith.addf %add3A_672, %gather3A_675 : vector<16xf32>
    %abs3A_677 = math.absf %add3A_676 : vector<16xf32>
    %mul3A_678 = arith.constant 0.995199978 : f32
    %mul3A_679 = vector.broadcast %mul3A_678 : f32 to vector<16xf32>
    %mul3A_680 = arith.mulf %abs3A, %mul3A_679 : vector<16xf32>
    %add3A_681 = arith.addf %gather3A_626, %gather3A_636 : vector<16xf32>
    %add3A_682 = arith.addf %gather3A_631, %gather3A_641 : vector<16xf32>
    %add3A_683 = arith.addf %add3A_681, %add3A_682 : vector<16xf32>
    %reshape3A_684 = vector.shape_cast %xor3A_25 : vector<16xi32> to vector<16x1xi32>
    %gather3A_685 = vector.shape_cast %reshape3A_684 : vector<16x1xi32> to vector<16xi32>
    %gather3A_686 = tpu.dynamic_gather %add3A_683[%gather3A_685] in [0] : vector<16xf32>, vector<16xi32> -> vector<16xf32>
    %add3A_687 = arith.addf %add3A_683, %gather3A_686 : vector<16xf32>
    %reshape3A_688 = vector.shape_cast %xor3A_28 : vector<16xi32> to vector<16x1xi32>
    %gather3A_689 = vector.shape_cast %reshape3A_688 : vector<16x1xi32> to vector<16xi32>
    %gather3A_690 = tpu.dynamic_gather %add3A_687[%gather3A_689] in [0] : vector<16xf32>, vector<16xi32> -> vector<16xf32>
    %add3A_691 = arith.addf %add3A_687, %gather3A_690 : vector<16xf32>
    %abs3A_692 = math.absf %add3A_691 : vector<16xf32>
    %mul3A_693 = arith.constant 0.995199978 : f32
    %mul3A_694 = vector.broadcast %mul3A_693 : f32 to vector<16xf32>
    %mul3A_695 = arith.mulf %abs3A_692, %mul3A_694 : vector<16xf32>
    %broadcast_in_dim3A_696 = arith.constant false
    %broadcast_in_dim3A_697 = vector.broadcast %broadcast_in_dim3A_696 : i1 to vector<16xi1>
    %scan3A = arith.constant 0.995199978 : f32
    %scan3A_698 = arith.constant 0 : i32
    %scan3A_699 = arith.constant 127 : i32
    %scan3A_700 = arith.addi %scan3A_698, %scan3A_699 : i32
    %scan3A_701 = arith.constant 1 : i32
    %scan3A_702:17 = scf.for %scan3A_712 = %scan3A_698 to %scan3A_700 step %scan3A_701 iter_args(%scan3A_713 = %gather3A_626, %scan3A_714 = %gather3A_631, %scan3A_715 = %gather3A_636, %scan3A_716 = %gather3A_641, %scan3A_717 = %sub3A, %scan3A_718 = %sub3A_649, %scan3A_719 = %sub3A_650, %scan3A_720 = %sub3A_651, %scan3A_721 = %sub3A_652, %scan3A_722 = %sub3A_653, %scan3A_723 = %sub3A_654, %scan3A_724 = %sub3A_655, %scan3A_725 = %abs3A, %scan3A_726 = %abs3A_677, %scan3A_727 = %mul3A_680, %scan3A_728 = %mul3A_695, %scan3A_729 = %broadcast_in_dim3A_697) -> (vector<16xf32>, vector<16xf32>, vector<16xf32>, vector<16xf32>, vector<16xf32>, vector<16xf32>, vector<16xf32>, vector<16xf32>, vector<16xf32>, vector<16xf32>, vector<16xf32>, vector<16xf32>, vector<16xf32>, vector<16xf32>, vector<16xf32>, vector<16xf32>, vector<16xi1>)  : i32 {
      %mul3A_730 = arith.constant 16 : i32
      %mul3A_731 = arith.muli %scan3A_712, %mul3A_730 : i32
      %add3A_732 = arith.addi %mul3A_7, %and3A_9 : vector<16xi32>
      %add3A_733 = arith.constant 16 : i32
      %add3A_734 = arith.addi %mul3A_731, %add3A_733 : i32
      %add3A_735 = vector.broadcast %add3A_734 : i32 to vector<16xi32>
      %add3A_736 = arith.addi %add3A_732, %add3A_735 : vector<16xi32>
      %add3A_737 = arith.constant 0 : i32
      %add3A_738 = vector.broadcast %add3A_737 : i32 to vector<16xi32>
      %add3A_739 = arith.addi %add3A_736, %add3A_738 : vector<16xi32>
      %gather3A_740 = tpu.vector_load_idx %arg5[%add3A_739] : memref<8192xf32, #tpu.memory_space<vmem>>[vector<16xi32>], vector<16xf32>,
      %add3A_741 = arith.constant 4 : i32
      %add3A_742 = vector.broadcast %add3A_741 : i32 to vector<16xi32>
      %add3A_743 = arith.addi %add3A_736, %add3A_742 : vector<16xi32>
      %gather3A_744 = tpu.vector_load_idx %arg5[%add3A_743] : memref<8192xf32, #tpu.memory_space<vmem>>[vector<16xi32>], vector<16xf32>,
      %add3A_745 = arith.constant 8 : i32
      %add3A_746 = vector.broadcast %add3A_745 : i32 to vector<16xi32>
      %add3A_747 = arith.addi %add3A_736, %add3A_746 : vector<16xi32>
      %gather3A_748 = tpu.vector_load_idx %arg5[%add3A_747] : memref<8192xf32, #tpu.memory_space<vmem>>[vector<16xi32>], vector<16xf32>,
      %add3A_749 = arith.constant 12 : i32
      %add3A_750 = vector.broadcast %add3A_749 : i32 to vector<16xi32>
      %add3A_751 = arith.addi %add3A_736, %add3A_750 : vector<16xi32>
      %gather3A_752 = tpu.vector_load_idx %arg5[%add3A_751] : memref<8192xf32, #tpu.memory_space<vmem>>[vector<16xi32>], vector<16xf32>,
      %select_n3A = arith.select %scan3A_729, %scan3A_726, %scan3A_725 : vector<16xi1>, vector<16xf32>
      %select_n3A_753 = arith.select %scan3A_729, %scan3A_727, %scan3A_728 : vector<16xi1>, vector<16xf32>
      %le3A = arith.cmpf ole, %select_n3A, %select_n3A_753 : vector<16xf32>
      %shift_right_logical3A = arith.constant 1 : i32
      %shift_right_logical3A_754 = vector.broadcast %shift_right_logical3A : i32 to vector<16xi32>
      %shift_right_logical3A_755 = arith.shrui %broadcast_in_dim3A_32, %shift_right_logical3A_754 : vector<16xi32>
      %select_n3A_756 = arith.select %le3A, %add3A_35, %broadcast_in_dim3A_32 : vector<16xi1>, vector<16xi32>
      %or3A = arith.ori %shift_right_logical3A_755, %select_n3A_756 : vector<16xi32>
      %select_n3A_757 = arith.select %scan3A_729, %scan3A_717, %scan3A_713 : vector<16xi1>, vector<16xf32>
      %select_n3A_758 = arith.select %scan3A_729, %scan3A_718, %scan3A_714 : vector<16xi1>, vector<16xf32>
      %select_n3A_759 = arith.select %scan3A_729, %scan3A_719, %scan3A_715 : vector<16xi1>, vector<16xf32>
      %select_n3A_760 = arith.select %scan3A_729, %scan3A_720, %scan3A_716 : vector<16xi1>, vector<16xf32>
      %select_n3A_761 = arith.select %eq3A_14, %gather3A_740, %select_n3A_757 : vector<16xi1>, vector<16xf32>
      %get3A_762 = arith.constant 64 : index
      %get3A_763 = tpu.vector_load %arg8[%get3A_762] {strides = array<i32>} : memref<1024xf32, #tpu.memory_space<vmem>>, vector<16xf32>,
      %get3A_764 = arith.constant 80 : index
      %get3A_765 = tpu.vector_load %arg8[%get3A_764] {strides = array<i32>} : memref<1024xf32, #tpu.memory_space<vmem>>, vector<16xf32>,
      %get3A_766 = arith.constant 96 : index
      %get3A_767 = tpu.vector_load %arg8[%get3A_766] {strides = array<i32>} : memref<1024xf32, #tpu.memory_space<vmem>>, vector<16xf32>,
      %get3A_768 = arith.constant 112 : index
      %get3A_769 = tpu.vector_load %arg8[%get3A_768] {strides = array<i32>} : memref<1024xf32, #tpu.memory_space<vmem>>, vector<16xf32>,
      %sub3A_770 = arith.subf %select_n3A_761, %get3A_763 : vector<16xf32>
      %sub3A_771 = arith.subf %select_n3A_758, %get3A_765 : vector<16xf32>
      %sub3A_772 = arith.subf %select_n3A_759, %get3A_767 : vector<16xf32>
      %sub3A_773 = arith.subf %select_n3A_760, %get3A_769 : vector<16xf32>
      %sub3A_774 = arith.subf %sub3A_770, %get3A_763 : vector<16xf32>
      %sub3A_775 = arith.subf %sub3A_771, %get3A_765 : vector<16xf32>
      %sub3A_776 = arith.subf %sub3A_772, %get3A_767 : vector<16xf32>
      %sub3A_777 = arith.subf %sub3A_773, %get3A_769 : vector<16xf32>
      %add3A_778 = arith.addf %sub3A_770, %sub3A_772 : vector<16xf32>
      %add3A_779 = arith.addf %sub3A_771, %sub3A_773 : vector<16xf32>
      %add3A_780 = arith.addf %add3A_778, %add3A_779 : vector<16xf32>
      %reshape3A_781 = vector.shape_cast %xor3A_25 : vector<16xi32> to vector<16x1xi32>
      %gather3A_782 = vector.shape_cast %reshape3A_781 : vector<16x1xi32> to vector<16xi32>
      %gather3A_783 = tpu.dynamic_gather %add3A_780[%gather3A_782] in [0] : vector<16xf32>, vector<16xi32> -> vector<16xf32>
      %add3A_784 = arith.addf %add3A_780, %gather3A_783 : vector<16xf32>
      %reshape3A_785 = vector.shape_cast %xor3A_28 : vector<16xi32> to vector<16x1xi32>
      %gather3A_786 = vector.shape_cast %reshape3A_785 : vector<16x1xi32> to vector<16xi32>
      %gather3A_787 = tpu.dynamic_gather %add3A_784[%gather3A_786] in [0] : vector<16xf32>, vector<16xi32> -> vector<16xf32>
      %add3A_788 = arith.addf %add3A_784, %gather3A_787 : vector<16xf32>
      %abs3A_789 = math.absf %add3A_788 : vector<16xf32>
      %add3A_790 = arith.addf %sub3A_774, %sub3A_776 : vector<16xf32>
      %add3A_791 = arith.addf %sub3A_775, %sub3A_777 : vector<16xf32>
      %add3A_792 = arith.addf %add3A_790, %add3A_791 : vector<16xf32>
      %reshape3A_793 = vector.shape_cast %xor3A_25 : vector<16xi32> to vector<16x1xi32>
      %gather3A_794 = vector.shape_cast %reshape3A_793 : vector<16x1xi32> to vector<16xi32>
      %gather3A_795 = tpu.dynamic_gather %add3A_792[%gather3A_794] in [0] : vector<16xf32>, vector<16xi32> -> vector<16xf32>
      %add3A_796 = arith.addf %add3A_792, %gather3A_795 : vector<16xf32>
      %reshape3A_797 = vector.shape_cast %xor3A_28 : vector<16xi32> to vector<16x1xi32>
      %gather3A_798 = vector.shape_cast %reshape3A_797 : vector<16x1xi32> to vector<16xi32>
      %gather3A_799 = tpu.dynamic_gather %add3A_796[%gather3A_798] in [0] : vector<16xf32>, vector<16xi32> -> vector<16xf32>
      %add3A_800 = arith.addf %add3A_796, %gather3A_799 : vector<16xf32>
      %abs3A_801 = math.absf %add3A_800 : vector<16xf32>
      %mul3A_802 = vector.broadcast %scan3A : f32 to vector<16xf32>
      %mul3A_803 = arith.mulf %abs3A_789, %mul3A_802 : vector<16xf32>
      %add3A_804 = arith.addf %select_n3A_761, %select_n3A_759 : vector<16xf32>
      %add3A_805 = arith.addf %select_n3A_758, %select_n3A_760 : vector<16xf32>
      %add3A_806 = arith.addf %add3A_804, %add3A_805 : vector<16xf32>
      %reshape3A_807 = vector.shape_cast %xor3A_25 : vector<16xi32> to vector<16x1xi32>
      %gather3A_808 = vector.shape_cast %reshape3A_807 : vector<16x1xi32> to vector<16xi32>
      %gather3A_809 = tpu.dynamic_gather %add3A_806[%gather3A_808] in [0] : vector<16xf32>, vector<16xi32> -> vector<16xf32>
      %add3A_810 = arith.addf %add3A_806, %gather3A_809 : vector<16xf32>
      %reshape3A_811 = vector.shape_cast %xor3A_28 : vector<16xi32> to vector<16x1xi32>
      %gather3A_812 = vector.shape_cast %reshape3A_811 : vector<16x1xi32> to vector<16xi32>
      %gather3A_813 = tpu.dynamic_gather %add3A_810[%gather3A_812] in [0] : vector<16xf32>, vector<16xi32> -> vector<16xf32>
      %add3A_814 = arith.addf %add3A_810, %gather3A_813 : vector<16xf32>
      %abs3A_815 = math.absf %add3A_814 : vector<16xf32>
      %mul3A_816 = vector.broadcast %scan3A : f32 to vector<16xf32>
      %mul3A_817 = arith.mulf %abs3A_815, %mul3A_816 : vector<16xf32>
      %select_n3A_818 = arith.select %le3A, %abs3A_801, %abs3A_789 : vector<16xi1>, vector<16xf32>
      %select_n3A_819 = arith.select %le3A, %mul3A_803, %mul3A_817 : vector<16xi1>, vector<16xf32>
      %le3A_820 = arith.cmpf ole, %select_n3A_818, %select_n3A_819 : vector<16xf32>
      %shift_right_logical3A_821 = arith.constant 1 : i32
      %shift_right_logical3A_822 = vector.broadcast %shift_right_logical3A_821 : i32 to vector<16xi32>
      %shift_right_logical3A_823 = arith.shrui %or3A, %shift_right_logical3A_822 : vector<16xi32>
      %select_n3A_824 = arith.select %le3A_820, %add3A_35, %broadcast_in_dim3A_32 : vector<16xi1>, vector<16xi32>
      %or3A_825 = arith.ori %shift_right_logical3A_823, %select_n3A_824 : vector<16xi32>
      %select_n3A_826 = arith.select %le3A, %sub3A_770, %select_n3A_761 : vector<16xi1>, vector<16xf32>
      %select_n3A_827 = arith.select %le3A, %sub3A_771, %select_n3A_758 : vector<16xi1>, vector<16xf32>
      %select_n3A_828 = arith.select %le3A, %sub3A_772, %select_n3A_759 : vector<16xi1>, vector<16xf32>
      %select_n3A_829 = arith.select %le3A, %sub3A_773, %select_n3A_760 : vector<16xi1>, vector<16xf32>
      %select_n3A_830 = arith.select %eq3A_17, %gather3A_740, %select_n3A_826 : vector<16xi1>, vector<16xf32>
      %get3A_831 = arith.constant 128 : index
      %get3A_832 = tpu.vector_load %arg8[%get3A_831] {strides = array<i32>} : memref<1024xf32, #tpu.memory_space<vmem>>, vector<16xf32>,
      %get3A_833 = arith.constant 144 : index
      %get3A_834 = tpu.vector_load %arg8[%get3A_833] {strides = array<i32>} : memref<1024xf32, #tpu.memory_space<vmem>>, vector<16xf32>,
      %get3A_835 = arith.constant 160 : index
      %get3A_836 = tpu.vector_load %arg8[%get3A_835] {strides = array<i32>} : memref<1024xf32, #tpu.memory_space<vmem>>, vector<16xf32>,
      %get3A_837 = arith.constant 176 : index
      %get3A_838 = tpu.vector_load %arg8[%get3A_837] {strides = array<i32>} : memref<1024xf32, #tpu.memory_space<vmem>>, vector<16xf32>,
      %sub3A_839 = arith.subf %select_n3A_830, %get3A_832 : vector<16xf32>
      %sub3A_840 = arith.subf %select_n3A_827, %get3A_834 : vector<16xf32>
      %sub3A_841 = arith.subf %select_n3A_828, %get3A_836 : vector<16xf32>
      %sub3A_842 = arith.subf %select_n3A_829, %get3A_838 : vector<16xf32>
      %sub3A_843 = arith.subf %sub3A_839, %get3A_832 : vector<16xf32>
      %sub3A_844 = arith.subf %sub3A_840, %get3A_834 : vector<16xf32>
      %sub3A_845 = arith.subf %sub3A_841, %get3A_836 : vector<16xf32>
      %sub3A_846 = arith.subf %sub3A_842, %get3A_838 : vector<16xf32>
      %add3A_847 = arith.addf %sub3A_839, %sub3A_841 : vector<16xf32>
      %add3A_848 = arith.addf %sub3A_840, %sub3A_842 : vector<16xf32>
      %add3A_849 = arith.addf %add3A_847, %add3A_848 : vector<16xf32>
      %reshape3A_850 = vector.shape_cast %xor3A_25 : vector<16xi32> to vector<16x1xi32>
      %gather3A_851 = vector.shape_cast %reshape3A_850 : vector<16x1xi32> to vector<16xi32>
      %gather3A_852 = tpu.dynamic_gather %add3A_849[%gather3A_851] in [0] : vector<16xf32>, vector<16xi32> -> vector<16xf32>
      %add3A_853 = arith.addf %add3A_849, %gather3A_852 : vector<16xf32>
      %reshape3A_854 = vector.shape_cast %xor3A_28 : vector<16xi32> to vector<16x1xi32>
      %gather3A_855 = vector.shape_cast %reshape3A_854 : vector<16x1xi32> to vector<16xi32>
      %gather3A_856 = tpu.dynamic_gather %add3A_853[%gather3A_855] in [0] : vector<16xf32>, vector<16xi32> -> vector<16xf32>
      %add3A_857 = arith.addf %add3A_853, %gather3A_856 : vector<16xf32>
      %abs3A_858 = math.absf %add3A_857 : vector<16xf32>
      %add3A_859 = arith.addf %sub3A_843, %sub3A_845 : vector<16xf32>
      %add3A_860 = arith.addf %sub3A_844, %sub3A_846 : vector<16xf32>
      %add3A_861 = arith.addf %add3A_859, %add3A_860 : vector<16xf32>
      %reshape3A_862 = vector.shape_cast %xor3A_25 : vector<16xi32> to vector<16x1xi32>
      %gather3A_863 = vector.shape_cast %reshape3A_862 : vector<16x1xi32> to vector<16xi32>
      %gather3A_864 = tpu.dynamic_gather %add3A_861[%gather3A_863] in [0] : vector<16xf32>, vector<16xi32> -> vector<16xf32>
      %add3A_865 = arith.addf %add3A_861, %gather3A_864 : vector<16xf32>
      %reshape3A_866 = vector.shape_cast %xor3A_28 : vector<16xi32> to vector<16x1xi32>
      %gather3A_867 = vector.shape_cast %reshape3A_866 : vector<16x1xi32> to vector<16xi32>
      %gather3A_868 = tpu.dynamic_gather %add3A_865[%gather3A_867] in [0] : vector<16xf32>, vector<16xi32> -> vector<16xf32>
      %add3A_869 = arith.addf %add3A_865, %gather3A_868 : vector<16xf32>
      %abs3A_870 = math.absf %add3A_869 : vector<16xf32>
      %mul3A_871 = vector.broadcast %scan3A : f32 to vector<16xf32>
      %mul3A_872 = arith.mulf %abs3A_858, %mul3A_871 : vector<16xf32>
      %add3A_873 = arith.addf %select_n3A_830, %select_n3A_828 : vector<16xf32>
      %add3A_874 = arith.addf %select_n3A_827, %select_n3A_829 : vector<16xf32>
      %add3A_875 = arith.addf %add3A_873, %add3A_874 : vector<16xf32>
      %reshape3A_876 = vector.shape_cast %xor3A_25 : vector<16xi32> to vector<16x1xi32>
      %gather3A_877 = vector.shape_cast %reshape3A_876 : vector<16x1xi32> to vector<16xi32>
      %gather3A_878 = tpu.dynamic_gather %add3A_875[%gather3A_877] in [0] : vector<16xf32>, vector<16xi32> -> vector<16xf32>
      %add3A_879 = arith.addf %add3A_875, %gather3A_878 : vector<16xf32>
      %reshape3A_880 = vector.shape_cast %xor3A_28 : vector<16xi32> to vector<16x1xi32>
      %gather3A_881 = vector.shape_cast %reshape3A_880 : vector<16x1xi32> to vector<16xi32>
      %gather3A_882 = tpu.dynamic_gather %add3A_879[%gather3A_881] in [0] : vector<16xf32>, vector<16xi32> -> vector<16xf32>
      %add3A_883 = arith.addf %add3A_879, %gather3A_882 : vector<16xf32>
      %abs3A_884 = math.absf %add3A_883 : vector<16xf32>
      %mul3A_885 = vector.broadcast %scan3A : f32 to vector<16xf32>
      %mul3A_886 = arith.mulf %abs3A_884, %mul3A_885 : vector<16xf32>
      %select_n3A_887 = arith.select %le3A_820, %abs3A_870, %abs3A_858 : vector<16xi1>, vector<16xf32>
      %select_n3A_888 = arith.select %le3A_820, %mul3A_872, %mul3A_886 : vector<16xi1>, vector<16xf32>
      %le3A_889 = arith.cmpf ole, %select_n3A_887, %select_n3A_888 : vector<16xf32>
      %shift_right_logical3A_890 = arith.constant 1 : i32
      %shift_right_logical3A_891 = vector.broadcast %shift_right_logical3A_890 : i32 to vector<16xi32>
      %shift_right_logical3A_892 = arith.shrui %or3A_825, %shift_right_logical3A_891 : vector<16xi32>
      %select_n3A_893 = arith.select %le3A_889, %add3A_35, %broadcast_in_dim3A_32 : vector<16xi1>, vector<16xi32>
      %or3A_894 = arith.ori %shift_right_logical3A_892, %select_n3A_893 : vector<16xi32>
      %select_n3A_895 = arith.select %le3A_820, %sub3A_839, %select_n3A_830 : vector<16xi1>, vector<16xf32>
      %select_n3A_896 = arith.select %le3A_820, %sub3A_840, %select_n3A_827 : vector<16xi1>, vector<16xf32>
      %select_n3A_897 = arith.select %le3A_820, %sub3A_841, %select_n3A_828 : vector<16xi1>, vector<16xf32>
      %select_n3A_898 = arith.select %le3A_820, %sub3A_842, %select_n3A_829 : vector<16xi1>, vector<16xf32>
      %select_n3A_899 = arith.select %eq3A_20, %gather3A_740, %select_n3A_895 : vector<16xi1>, vector<16xf32>
      %get3A_900 = arith.constant 192 : index
      %get3A_901 = tpu.vector_load %arg8[%get3A_900] {strides = array<i32>} : memref<1024xf32, #tpu.memory_space<vmem>>, vector<16xf32>,
      %get3A_902 = arith.constant 208 : index
      %get3A_903 = tpu.vector_load %arg8[%get3A_902] {strides = array<i32>} : memref<1024xf32, #tpu.memory_space<vmem>>, vector<16xf32>,
      %get3A_904 = arith.constant 224 : index
      %get3A_905 = tpu.vector_load %arg8[%get3A_904] {strides = array<i32>} : memref<1024xf32, #tpu.memory_space<vmem>>, vector<16xf32>,
      %get3A_906 = arith.constant 240 : index
      %get3A_907 = tpu.vector_load %arg8[%get3A_906] {strides = array<i32>} : memref<1024xf32, #tpu.memory_space<vmem>>, vector<16xf32>,
      %sub3A_908 = arith.subf %select_n3A_899, %get3A_901 : vector<16xf32>
      %sub3A_909 = arith.subf %select_n3A_896, %get3A_903 : vector<16xf32>
      %sub3A_910 = arith.subf %select_n3A_897, %get3A_905 : vector<16xf32>
      %sub3A_911 = arith.subf %select_n3A_898, %get3A_907 : vector<16xf32>
      %sub3A_912 = arith.subf %sub3A_908, %get3A_901 : vector<16xf32>
      %sub3A_913 = arith.subf %sub3A_909, %get3A_903 : vector<16xf32>
      %sub3A_914 = arith.subf %sub3A_910, %get3A_905 : vector<16xf32>
      %sub3A_915 = arith.subf %sub3A_911, %get3A_907 : vector<16xf32>
      %add3A_916 = arith.addf %sub3A_908, %sub3A_910 : vector<16xf32>
      %add3A_917 = arith.addf %sub3A_909, %sub3A_911 : vector<16xf32>
      %add3A_918 = arith.addf %add3A_916, %add3A_917 : vector<16xf32>
      %reshape3A_919 = vector.shape_cast %xor3A_25 : vector<16xi32> to vector<16x1xi32>
      %gather3A_920 = vector.shape_cast %reshape3A_919 : vector<16x1xi32> to vector<16xi32>
      %gather3A_921 = tpu.dynamic_gather %add3A_918[%gather3A_920] in [0] : vector<16xf32>, vector<16xi32> -> vector<16xf32>
      %add3A_922 = arith.addf %add3A_918, %gather3A_921 : vector<16xf32>
      %reshape3A_923 = vector.shape_cast %xor3A_28 : vector<16xi32> to vector<16x1xi32>
      %gather3A_924 = vector.shape_cast %reshape3A_923 : vector<16x1xi32> to vector<16xi32>
      %gather3A_925 = tpu.dynamic_gather %add3A_922[%gather3A_924] in [0] : vector<16xf32>, vector<16xi32> -> vector<16xf32>
      %add3A_926 = arith.addf %add3A_922, %gather3A_925 : vector<16xf32>
      %abs3A_927 = math.absf %add3A_926 : vector<16xf32>
      %add3A_928 = arith.addf %sub3A_912, %sub3A_914 : vector<16xf32>
      %add3A_929 = arith.addf %sub3A_913, %sub3A_915 : vector<16xf32>
      %add3A_930 = arith.addf %add3A_928, %add3A_929 : vector<16xf32>
      %reshape3A_931 = vector.shape_cast %xor3A_25 : vector<16xi32> to vector<16x1xi32>
      %gather3A_932 = vector.shape_cast %reshape3A_931 : vector<16x1xi32> to vector<16xi32>
      %gather3A_933 = tpu.dynamic_gather %add3A_930[%gather3A_932] in [0] : vector<16xf32>, vector<16xi32> -> vector<16xf32>
      %add3A_934 = arith.addf %add3A_930, %gather3A_933 : vector<16xf32>
      %reshape3A_935 = vector.shape_cast %xor3A_28 : vector<16xi32> to vector<16x1xi32>
      %gather3A_936 = vector.shape_cast %reshape3A_935 : vector<16x1xi32> to vector<16xi32>
      %gather3A_937 = tpu.dynamic_gather %add3A_934[%gather3A_936] in [0] : vector<16xf32>, vector<16xi32> -> vector<16xf32>
      %add3A_938 = arith.addf %add3A_934, %gather3A_937 : vector<16xf32>
      %abs3A_939 = math.absf %add3A_938 : vector<16xf32>
      %mul3A_940 = vector.broadcast %scan3A : f32 to vector<16xf32>
      %mul3A_941 = arith.mulf %abs3A_927, %mul3A_940 : vector<16xf32>
      %add3A_942 = arith.addf %select_n3A_899, %select_n3A_897 : vector<16xf32>
      %add3A_943 = arith.addf %select_n3A_896, %select_n3A_898 : vector<16xf32>
      %add3A_944 = arith.addf %add3A_942, %add3A_943 : vector<16xf32>
      %reshape3A_945 = vector.shape_cast %xor3A_25 : vector<16xi32> to vector<16x1xi32>
      %gather3A_946 = vector.shape_cast %reshape3A_945 : vector<16x1xi32> to vector<16xi32>
      %gather3A_947 = tpu.dynamic_gather %add3A_944[%gather3A_946] in [0] : vector<16xf32>, vector<16xi32> -> vector<16xf32>
      %add3A_948 = arith.addf %add3A_944, %gather3A_947 : vector<16xf32>
      %reshape3A_949 = vector.shape_cast %xor3A_28 : vector<16xi32> to vector<16x1xi32>
      %gather3A_950 = vector.shape_cast %reshape3A_949 : vector<16x1xi32> to vector<16xi32>
      %gather3A_951 = tpu.dynamic_gather %add3A_948[%gather3A_950] in [0] : vector<16xf32>, vector<16xi32> -> vector<16xf32>
      %add3A_952 = arith.addf %add3A_948, %gather3A_951 : vector<16xf32>
      %abs3A_953 = math.absf %add3A_952 : vector<16xf32>
      %mul3A_954 = vector.broadcast %scan3A : f32 to vector<16xf32>
      %mul3A_955 = arith.mulf %abs3A_953, %mul3A_954 : vector<16xf32>
      %select_n3A_956 = arith.select %le3A_889, %abs3A_939, %abs3A_927 : vector<16xi1>, vector<16xf32>
      %select_n3A_957 = arith.select %le3A_889, %mul3A_941, %mul3A_955 : vector<16xi1>, vector<16xf32>
      %le3A_958 = arith.cmpf ole, %select_n3A_956, %select_n3A_957 : vector<16xf32>
      %shift_right_logical3A_959 = arith.constant 1 : i32
      %shift_right_logical3A_960 = vector.broadcast %shift_right_logical3A_959 : i32 to vector<16xi32>
      %shift_right_logical3A_961 = arith.shrui %or3A_894, %shift_right_logical3A_960 : vector<16xi32>
      %select_n3A_962 = arith.select %le3A_958, %add3A_35, %broadcast_in_dim3A_32 : vector<16xi1>, vector<16xi32>
      %or3A_963 = arith.ori %shift_right_logical3A_961, %select_n3A_962 : vector<16xi32>
      %select_n3A_964 = arith.select %le3A_889, %sub3A_908, %select_n3A_899 : vector<16xi1>, vector<16xf32>
      %select_n3A_965 = arith.select %le3A_889, %sub3A_909, %select_n3A_896 : vector<16xi1>, vector<16xf32>
      %select_n3A_966 = arith.select %le3A_889, %sub3A_910, %select_n3A_897 : vector<16xi1>, vector<16xf32>
      %select_n3A_967 = arith.select %le3A_889, %sub3A_911, %select_n3A_898 : vector<16xi1>, vector<16xf32>
      %select_n3A_968 = arith.select %eq3A_23, %gather3A_740, %select_n3A_964 : vector<16xi1>, vector<16xf32>
      %get3A_969 = arith.constant 256 : index
      %get3A_970 = tpu.vector_load %arg8[%get3A_969] {strides = array<i32>} : memref<1024xf32, #tpu.memory_space<vmem>>, vector<16xf32>,
      %get3A_971 = arith.constant 272 : index
      %get3A_972 = tpu.vector_load %arg8[%get3A_971] {strides = array<i32>} : memref<1024xf32, #tpu.memory_space<vmem>>, vector<16xf32>,
      %get3A_973 = arith.constant 288 : index
      %get3A_974 = tpu.vector_load %arg8[%get3A_973] {strides = array<i32>} : memref<1024xf32, #tpu.memory_space<vmem>>, vector<16xf32>,
      %get3A_975 = arith.constant 304 : index
      %get3A_976 = tpu.vector_load %arg8[%get3A_975] {strides = array<i32>} : memref<1024xf32, #tpu.memory_space<vmem>>, vector<16xf32>,
      %sub3A_977 = arith.subf %select_n3A_968, %get3A_970 : vector<16xf32>
      %sub3A_978 = arith.subf %select_n3A_965, %get3A_972 : vector<16xf32>
      %sub3A_979 = arith.subf %select_n3A_966, %get3A_974 : vector<16xf32>
      %sub3A_980 = arith.subf %select_n3A_967, %get3A_976 : vector<16xf32>
      %sub3A_981 = arith.subf %sub3A_977, %get3A_970 : vector<16xf32>
      %sub3A_982 = arith.subf %sub3A_978, %get3A_972 : vector<16xf32>
      %sub3A_983 = arith.subf %sub3A_979, %get3A_974 : vector<16xf32>
      %sub3A_984 = arith.subf %sub3A_980, %get3A_976 : vector<16xf32>
      %add3A_985 = arith.addf %sub3A_977, %sub3A_979 : vector<16xf32>
      %add3A_986 = arith.addf %sub3A_978, %sub3A_980 : vector<16xf32>
      %add3A_987 = arith.addf %add3A_985, %add3A_986 : vector<16xf32>
      %reshape3A_988 = vector.shape_cast %xor3A_25 : vector<16xi32> to vector<16x1xi32>
      %gather3A_989 = vector.shape_cast %reshape3A_988 : vector<16x1xi32> to vector<16xi32>
      %gather3A_990 = tpu.dynamic_gather %add3A_987[%gather3A_989] in [0] : vector<16xf32>, vector<16xi32> -> vector<16xf32>
      %add3A_991 = arith.addf %add3A_987, %gather3A_990 : vector<16xf32>
      %reshape3A_992 = vector.shape_cast %xor3A_28 : vector<16xi32> to vector<16x1xi32>
      %gather3A_993 = vector.shape_cast %reshape3A_992 : vector<16x1xi32> to vector<16xi32>
      %gather3A_994 = tpu.dynamic_gather %add3A_991[%gather3A_993] in [0] : vector<16xf32>, vector<16xi32> -> vector<16xf32>
      %add3A_995 = arith.addf %add3A_991, %gather3A_994 : vector<16xf32>
      %abs3A_996 = math.absf %add3A_995 : vector<16xf32>
      %add3A_997 = arith.addf %sub3A_981, %sub3A_983 : vector<16xf32>
      %add3A_998 = arith.addf %sub3A_982, %sub3A_984 : vector<16xf32>
      %add3A_999 = arith.addf %add3A_997, %add3A_998 : vector<16xf32>
      %reshape3A_1000 = vector.shape_cast %xor3A_25 : vector<16xi32> to vector<16x1xi32>
      %gather3A_1001 = vector.shape_cast %reshape3A_1000 : vector<16x1xi32> to vector<16xi32>
      %gather3A_1002 = tpu.dynamic_gather %add3A_999[%gather3A_1001] in [0] : vector<16xf32>, vector<16xi32> -> vector<16xf32>
      %add3A_1003 = arith.addf %add3A_999, %gather3A_1002 : vector<16xf32>
      %reshape3A_1004 = vector.shape_cast %xor3A_28 : vector<16xi32> to vector<16x1xi32>
      %gather3A_1005 = vector.shape_cast %reshape3A_1004 : vector<16x1xi32> to vector<16xi32>
      %gather3A_1006 = tpu.dynamic_gather %add3A_1003[%gather3A_1005] in [0] : vector<16xf32>, vector<16xi32> -> vector<16xf32>
      %add3A_1007 = arith.addf %add3A_1003, %gather3A_1006 : vector<16xf32>
      %abs3A_1008 = math.absf %add3A_1007 : vector<16xf32>
      %mul3A_1009 = vector.broadcast %scan3A : f32 to vector<16xf32>
      %mul3A_1010 = arith.mulf %abs3A_996, %mul3A_1009 : vector<16xf32>
      %add3A_1011 = arith.addf %select_n3A_968, %select_n3A_966 : vector<16xf32>
      %add3A_1012 = arith.addf %select_n3A_965, %select_n3A_967 : vector<16xf32>
      %add3A_1013 = arith.addf %add3A_1011, %add3A_1012 : vector<16xf32>
      %reshape3A_1014 = vector.shape_cast %xor3A_25 : vector<16xi32> to vector<16x1xi32>
      %gather3A_1015 = vector.shape_cast %reshape3A_1014 : vector<16x1xi32> to vector<16xi32>
      %gather3A_1016 = tpu.dynamic_gather %add3A_1013[%gather3A_1015] in [0] : vector<16xf32>, vector<16xi32> -> vector<16xf32>
      %add3A_1017 = arith.addf %add3A_1013, %gather3A_1016 : vector<16xf32>
      %reshape3A_1018 = vector.shape_cast %xor3A_28 : vector<16xi32> to vector<16x1xi32>
      %gather3A_1019 = vector.shape_cast %reshape3A_1018 : vector<16x1xi32> to vector<16xi32>
      %gather3A_1020 = tpu.dynamic_gather %add3A_1017[%gather3A_1019] in [0] : vector<16xf32>, vector<16xi32> -> vector<16xf32>
      %add3A_1021 = arith.addf %add3A_1017, %gather3A_1020 : vector<16xf32>
      %abs3A_1022 = math.absf %add3A_1021 : vector<16xf32>
      %mul3A_1023 = vector.broadcast %scan3A : f32 to vector<16xf32>
      %mul3A_1024 = arith.mulf %abs3A_1022, %mul3A_1023 : vector<16xf32>
      %select_n3A_1025 = arith.select %le3A_958, %abs3A_1008, %abs3A_996 : vector<16xi1>, vector<16xf32>
      %select_n3A_1026 = arith.select %le3A_958, %mul3A_1010, %mul3A_1024 : vector<16xi1>, vector<16xf32>
      %le3A_1027 = arith.cmpf ole, %select_n3A_1025, %select_n3A_1026 : vector<16xf32>
      %shift_right_logical3A_1028 = arith.constant 1 : i32
      %shift_right_logical3A_1029 = vector.broadcast %shift_right_logical3A_1028 : i32 to vector<16xi32>
      %shift_right_logical3A_1030 = arith.shrui %or3A_963, %shift_right_logical3A_1029 : vector<16xi32>
      %select_n3A_1031 = arith.select %le3A_1027, %add3A_35, %broadcast_in_dim3A_32 : vector<16xi1>, vector<16xi32>
      %or3A_1032 = arith.ori %shift_right_logical3A_1030, %select_n3A_1031 : vector<16xi32>
      %select_n3A_1033 = arith.select %le3A_958, %sub3A_977, %select_n3A_968 : vector<16xi1>, vector<16xf32>
      %select_n3A_1034 = arith.select %le3A_958, %sub3A_978, %select_n3A_965 : vector<16xi1>, vector<16xf32>
      %select_n3A_1035 = arith.select %le3A_958, %sub3A_979, %select_n3A_966 : vector<16xi1>, vector<16xf32>
      %select_n3A_1036 = arith.select %le3A_958, %sub3A_980, %select_n3A_967 : vector<16xi1>, vector<16xf32>
      %select_n3A_1037 = arith.select %eq3A_14, %gather3A_744, %select_n3A_1034 : vector<16xi1>, vector<16xf32>
      %get3A_1038 = arith.constant 320 : index
      %get3A_1039 = tpu.vector_load %arg8[%get3A_1038] {strides = array<i32>} : memref<1024xf32, #tpu.memory_space<vmem>>, vector<16xf32>,
      %get3A_1040 = arith.constant 336 : index
      %get3A_1041 = tpu.vector_load %arg8[%get3A_1040] {strides = array<i32>} : memref<1024xf32, #tpu.memory_space<vmem>>, vector<16xf32>,
      %get3A_1042 = arith.constant 352 : index
      %get3A_1043 = tpu.vector_load %arg8[%get3A_1042] {strides = array<i32>} : memref<1024xf32, #tpu.memory_space<vmem>>, vector<16xf32>,
      %get3A_1044 = arith.constant 368 : index
      %get3A_1045 = tpu.vector_load %arg8[%get3A_1044] {strides = array<i32>} : memref<1024xf32, #tpu.memory_space<vmem>>, vector<16xf32>,
      %sub3A_1046 = arith.subf %select_n3A_1033, %get3A_1039 : vector<16xf32>
      %sub3A_1047 = arith.subf %select_n3A_1037, %get3A_1041 : vector<16xf32>
      %sub3A_1048 = arith.subf %select_n3A_1035, %get3A_1043 : vector<16xf32>
      %sub3A_1049 = arith.subf %select_n3A_1036, %get3A_1045 : vector<16xf32>
      %sub3A_1050 = arith.subf %sub3A_1046, %get3A_1039 : vector<16xf32>
      %sub3A_1051 = arith.subf %sub3A_1047, %get3A_1041 : vector<16xf32>
      %sub3A_1052 = arith.subf %sub3A_1048, %get3A_1043 : vector<16xf32>
      %sub3A_1053 = arith.subf %sub3A_1049, %get3A_1045 : vector<16xf32>
      %add3A_1054 = arith.addf %sub3A_1046, %sub3A_1048 : vector<16xf32>
      %add3A_1055 = arith.addf %sub3A_1047, %sub3A_1049 : vector<16xf32>
      %add3A_1056 = arith.addf %add3A_1054, %add3A_1055 : vector<16xf32>
      %reshape3A_1057 = vector.shape_cast %xor3A_25 : vector<16xi32> to vector<16x1xi32>
      %gather3A_1058 = vector.shape_cast %reshape3A_1057 : vector<16x1xi32> to vector<16xi32>
      %gather3A_1059 = tpu.dynamic_gather %add3A_1056[%gather3A_1058] in [0] : vector<16xf32>, vector<16xi32> -> vector<16xf32>
      %add3A_1060 = arith.addf %add3A_1056, %gather3A_1059 : vector<16xf32>
      %reshape3A_1061 = vector.shape_cast %xor3A_28 : vector<16xi32> to vector<16x1xi32>
      %gather3A_1062 = vector.shape_cast %reshape3A_1061 : vector<16x1xi32> to vector<16xi32>
      %gather3A_1063 = tpu.dynamic_gather %add3A_1060[%gather3A_1062] in [0] : vector<16xf32>, vector<16xi32> -> vector<16xf32>
      %add3A_1064 = arith.addf %add3A_1060, %gather3A_1063 : vector<16xf32>
      %abs3A_1065 = math.absf %add3A_1064 : vector<16xf32>
      %add3A_1066 = arith.addf %sub3A_1050, %sub3A_1052 : vector<16xf32>
      %add3A_1067 = arith.addf %sub3A_1051, %sub3A_1053 : vector<16xf32>
      %add3A_1068 = arith.addf %add3A_1066, %add3A_1067 : vector<16xf32>
      %reshape3A_1069 = vector.shape_cast %xor3A_25 : vector<16xi32> to vector<16x1xi32>
      %gather3A_1070 = vector.shape_cast %reshape3A_1069 : vector<16x1xi32> to vector<16xi32>
      %gather3A_1071 = tpu.dynamic_gather %add3A_1068[%gather3A_1070] in [0] : vector<16xf32>, vector<16xi32> -> vector<16xf32>
      %add3A_1072 = arith.addf %add3A_1068, %gather3A_1071 : vector<16xf32>
      %reshape3A_1073 = vector.shape_cast %xor3A_28 : vector<16xi32> to vector<16x1xi32>
      %gather3A_1074 = vector.shape_cast %reshape3A_1073 : vector<16x1xi32> to vector<16xi32>
      %gather3A_1075 = tpu.dynamic_gather %add3A_1072[%gather3A_1074] in [0] : vector<16xf32>, vector<16xi32> -> vector<16xf32>
      %add3A_1076 = arith.addf %add3A_1072, %gather3A_1075 : vector<16xf32>
      %abs3A_1077 = math.absf %add3A_1076 : vector<16xf32>
      %mul3A_1078 = vector.broadcast %scan3A : f32 to vector<16xf32>
      %mul3A_1079 = arith.mulf %abs3A_1065, %mul3A_1078 : vector<16xf32>
      %add3A_1080 = arith.addf %select_n3A_1033, %select_n3A_1035 : vector<16xf32>
      %add3A_1081 = arith.addf %select_n3A_1037, %select_n3A_1036 : vector<16xf32>
      %add3A_1082 = arith.addf %add3A_1080, %add3A_1081 : vector<16xf32>
      %reshape3A_1083 = vector.shape_cast %xor3A_25 : vector<16xi32> to vector<16x1xi32>
      %gather3A_1084 = vector.shape_cast %reshape3A_1083 : vector<16x1xi32> to vector<16xi32>
      %gather3A_1085 = tpu.dynamic_gather %add3A_1082[%gather3A_1084] in [0] : vector<16xf32>, vector<16xi32> -> vector<16xf32>
      %add3A_1086 = arith.addf %add3A_1082, %gather3A_1085 : vector<16xf32>
      %reshape3A_1087 = vector.shape_cast %xor3A_28 : vector<16xi32> to vector<16x1xi32>
      %gather3A_1088 = vector.shape_cast %reshape3A_1087 : vector<16x1xi32> to vector<16xi32>
      %gather3A_1089 = tpu.dynamic_gather %add3A_1086[%gather3A_1088] in [0] : vector<16xf32>, vector<16xi32> -> vector<16xf32>
      %add3A_1090 = arith.addf %add3A_1086, %gather3A_1089 : vector<16xf32>
      %abs3A_1091 = math.absf %add3A_1090 : vector<16xf32>
      %mul3A_1092 = vector.broadcast %scan3A : f32 to vector<16xf32>
      %mul3A_1093 = arith.mulf %abs3A_1091, %mul3A_1092 : vector<16xf32>
      %select_n3A_1094 = arith.select %le3A_1027, %abs3A_1077, %abs3A_1065 : vector<16xi1>, vector<16xf32>
      %select_n3A_1095 = arith.select %le3A_1027, %mul3A_1079, %mul3A_1093 : vector<16xi1>, vector<16xf32>
      %le3A_1096 = arith.cmpf ole, %select_n3A_1094, %select_n3A_1095 : vector<16xf32>
      %shift_right_logical3A_1097 = arith.constant 1 : i32
      %shift_right_logical3A_1098 = vector.broadcast %shift_right_logical3A_1097 : i32 to vector<16xi32>
      %shift_right_logical3A_1099 = arith.shrui %or3A_1032, %shift_right_logical3A_1098 : vector<16xi32>
      %select_n3A_1100 = arith.select %le3A_1096, %add3A_35, %broadcast_in_dim3A_32 : vector<16xi1>, vector<16xi32>
      %or3A_1101 = arith.ori %shift_right_logical3A_1099, %select_n3A_1100 : vector<16xi32>
      %select_n3A_1102 = arith.select %le3A_1027, %sub3A_1046, %select_n3A_1033 : vector<16xi1>, vector<16xf32>
      %select_n3A_1103 = arith.select %le3A_1027, %sub3A_1047, %select_n3A_1037 : vector<16xi1>, vector<16xf32>
      %select_n3A_1104 = arith.select %le3A_1027, %sub3A_1048, %select_n3A_1035 : vector<16xi1>, vector<16xf32>
      %select_n3A_1105 = arith.select %le3A_1027, %sub3A_1049, %select_n3A_1036 : vector<16xi1>, vector<16xf32>
      %select_n3A_1106 = arith.select %eq3A_17, %gather3A_744, %select_n3A_1103 : vector<16xi1>, vector<16xf32>
      %get3A_1107 = arith.constant 384 : index
      %get3A_1108 = tpu.vector_load %arg8[%get3A_1107] {strides = array<i32>} : memref<1024xf32, #tpu.memory_space<vmem>>, vector<16xf32>,
      %get3A_1109 = arith.constant 400 : index
      %get3A_1110 = tpu.vector_load %arg8[%get3A_1109] {strides = array<i32>} : memref<1024xf32, #tpu.memory_space<vmem>>, vector<16xf32>,
      %get3A_1111 = arith.constant 416 : index
      %get3A_1112 = tpu.vector_load %arg8[%get3A_1111] {strides = array<i32>} : memref<1024xf32, #tpu.memory_space<vmem>>, vector<16xf32>,
      %get3A_1113 = arith.constant 432 : index
      %get3A_1114 = tpu.vector_load %arg8[%get3A_1113] {strides = array<i32>} : memref<1024xf32, #tpu.memory_space<vmem>>, vector<16xf32>,
      %sub3A_1115 = arith.subf %select_n3A_1102, %get3A_1108 : vector<16xf32>
      %sub3A_1116 = arith.subf %select_n3A_1106, %get3A_1110 : vector<16xf32>
      %sub3A_1117 = arith.subf %select_n3A_1104, %get3A_1112 : vector<16xf32>
      %sub3A_1118 = arith.subf %select_n3A_1105, %get3A_1114 : vector<16xf32>
      %sub3A_1119 = arith.subf %sub3A_1115, %get3A_1108 : vector<16xf32>
      %sub3A_1120 = arith.subf %sub3A_1116, %get3A_1110 : vector<16xf32>
      %sub3A_1121 = arith.subf %sub3A_1117, %get3A_1112 : vector<16xf32>
      %sub3A_1122 = arith.subf %sub3A_1118, %get3A_1114 : vector<16xf32>
      %add3A_1123 = arith.addf %sub3A_1115, %sub3A_1117 : vector<16xf32>
      %add3A_1124 = arith.addf %sub3A_1116, %sub3A_1118 : vector<16xf32>
      %add3A_1125 = arith.addf %add3A_1123, %add3A_1124 : vector<16xf32>
      %reshape3A_1126 = vector.shape_cast %xor3A_25 : vector<16xi32> to vector<16x1xi32>
      %gather3A_1127 = vector.shape_cast %reshape3A_1126 : vector<16x1xi32> to vector<16xi32>
      %gather3A_1128 = tpu.dynamic_gather %add3A_1125[%gather3A_1127] in [0] : vector<16xf32>, vector<16xi32> -> vector<16xf32>
      %add3A_1129 = arith.addf %add3A_1125, %gather3A_1128 : vector<16xf32>
      %reshape3A_1130 = vector.shape_cast %xor3A_28 : vector<16xi32> to vector<16x1xi32>
      %gather3A_1131 = vector.shape_cast %reshape3A_1130 : vector<16x1xi32> to vector<16xi32>
      %gather3A_1132 = tpu.dynamic_gather %add3A_1129[%gather3A_1131] in [0] : vector<16xf32>, vector<16xi32> -> vector<16xf32>
      %add3A_1133 = arith.addf %add3A_1129, %gather3A_1132 : vector<16xf32>
      %abs3A_1134 = math.absf %add3A_1133 : vector<16xf32>
      %add3A_1135 = arith.addf %sub3A_1119, %sub3A_1121 : vector<16xf32>
      %add3A_1136 = arith.addf %sub3A_1120, %sub3A_1122 : vector<16xf32>
      %add3A_1137 = arith.addf %add3A_1135, %add3A_1136 : vector<16xf32>
      %reshape3A_1138 = vector.shape_cast %xor3A_25 : vector<16xi32> to vector<16x1xi32>
      %gather3A_1139 = vector.shape_cast %reshape3A_1138 : vector<16x1xi32> to vector<16xi32>
      %gather3A_1140 = tpu.dynamic_gather %add3A_1137[%gather3A_1139] in [0] : vector<16xf32>, vector<16xi32> -> vector<16xf32>
      %add3A_1141 = arith.addf %add3A_1137, %gather3A_1140 : vector<16xf32>
      %reshape3A_1142 = vector.shape_cast %xor3A_28 : vector<16xi32> to vector<16x1xi32>
      %gather3A_1143 = vector.shape_cast %reshape3A_1142 : vector<16x1xi32> to vector<16xi32>
      %gather3A_1144 = tpu.dynamic_gather %add3A_1141[%gather3A_1143] in [0] : vector<16xf32>, vector<16xi32> -> vector<16xf32>
      %add3A_1145 = arith.addf %add3A_1141, %gather3A_1144 : vector<16xf32>
      %abs3A_1146 = math.absf %add3A_1145 : vector<16xf32>
      %mul3A_1147 = vector.broadcast %scan3A : f32 to vector<16xf32>
      %mul3A_1148 = arith.mulf %abs3A_1134, %mul3A_1147 : vector<16xf32>
      %add3A_1149 = arith.addf %select_n3A_1102, %select_n3A_1104 : vector<16xf32>
      %add3A_1150 = arith.addf %select_n3A_1106, %select_n3A_1105 : vector<16xf32>
      %add3A_1151 = arith.addf %add3A_1149, %add3A_1150 : vector<16xf32>
      %reshape3A_1152 = vector.shape_cast %xor3A_25 : vector<16xi32> to vector<16x1xi32>
      %gather3A_1153 = vector.shape_cast %reshape3A_1152 : vector<16x1xi32> to vector<16xi32>
      %gather3A_1154 = tpu.dynamic_gather %add3A_1151[%gather3A_1153] in [0] : vector<16xf32>, vector<16xi32> -> vector<16xf32>
      %add3A_1155 = arith.addf %add3A_1151, %gather3A_1154 : vector<16xf32>
      %reshape3A_1156 = vector.shape_cast %xor3A_28 : vector<16xi32> to vector<16x1xi32>
      %gather3A_1157 = vector.shape_cast %reshape3A_1156 : vector<16x1xi32> to vector<16xi32>
      %gather3A_1158 = tpu.dynamic_gather %add3A_1155[%gather3A_1157] in [0] : vector<16xf32>, vector<16xi32> -> vector<16xf32>
      %add3A_1159 = arith.addf %add3A_1155, %gather3A_1158 : vector<16xf32>
      %abs3A_1160 = math.absf %add3A_1159 : vector<16xf32>
      %mul3A_1161 = vector.broadcast %scan3A : f32 to vector<16xf32>
      %mul3A_1162 = arith.mulf %abs3A_1160, %mul3A_1161 : vector<16xf32>
      %select_n3A_1163 = arith.select %le3A_1096, %abs3A_1146, %abs3A_1134 : vector<16xi1>, vector<16xf32>
      %select_n3A_1164 = arith.select %le3A_1096, %mul3A_1148, %mul3A_1162 : vector<16xi1>, vector<16xf32>
      %le3A_1165 = arith.cmpf ole, %select_n3A_1163, %select_n3A_1164 : vector<16xf32>
      %shift_right_logical3A_1166 = arith.constant 1 : i32
      %shift_right_logical3A_1167 = vector.broadcast %shift_right_logical3A_1166 : i32 to vector<16xi32>
      %shift_right_logical3A_1168 = arith.shrui %or3A_1101, %shift_right_logical3A_1167 : vector<16xi32>
      %select_n3A_1169 = arith.select %le3A_1165, %add3A_35, %broadcast_in_dim3A_32 : vector<16xi1>, vector<16xi32>
      %or3A_1170 = arith.ori %shift_right_logical3A_1168, %select_n3A_1169 : vector<16xi32>
      %select_n3A_1171 = arith.select %le3A_1096, %sub3A_1115, %select_n3A_1102 : vector<16xi1>, vector<16xf32>
      %select_n3A_1172 = arith.select %le3A_1096, %sub3A_1116, %select_n3A_1106 : vector<16xi1>, vector<16xf32>
      %select_n3A_1173 = arith.select %le3A_1096, %sub3A_1117, %select_n3A_1104 : vector<16xi1>, vector<16xf32>
      %select_n3A_1174 = arith.select %le3A_1096, %sub3A_1118, %select_n3A_1105 : vector<16xi1>, vector<16xf32>
      %select_n3A_1175 = arith.select %eq3A_20, %gather3A_744, %select_n3A_1172 : vector<16xi1>, vector<16xf32>
      %get3A_1176 = arith.constant 448 : index
      %get3A_1177 = tpu.vector_load %arg8[%get3A_1176] {strides = array<i32>} : memref<1024xf32, #tpu.memory_space<vmem>>, vector<16xf32>,
      %get3A_1178 = arith.constant 464 : index
      %get3A_1179 = tpu.vector_load %arg8[%get3A_1178] {strides = array<i32>} : memref<1024xf32, #tpu.memory_space<vmem>>, vector<16xf32>,
      %get3A_1180 = arith.constant 480 : index
      %get3A_1181 = tpu.vector_load %arg8[%get3A_1180] {strides = array<i32>} : memref<1024xf32, #tpu.memory_space<vmem>>, vector<16xf32>,
      %get3A_1182 = arith.constant 496 : index
      %get3A_1183 = tpu.vector_load %arg8[%get3A_1182] {strides = array<i32>} : memref<1024xf32, #tpu.memory_space<vmem>>, vector<16xf32>,
      %sub3A_1184 = arith.subf %select_n3A_1171, %get3A_1177 : vector<16xf32>
      %sub3A_1185 = arith.subf %select_n3A_1175, %get3A_1179 : vector<16xf32>
      %sub3A_1186 = arith.subf %select_n3A_1173, %get3A_1181 : vector<16xf32>
      %sub3A_1187 = arith.subf %select_n3A_1174, %get3A_1183 : vector<16xf32>
      %sub3A_1188 = arith.subf %sub3A_1184, %get3A_1177 : vector<16xf32>
      %sub3A_1189 = arith.subf %sub3A_1185, %get3A_1179 : vector<16xf32>
      %sub3A_1190 = arith.subf %sub3A_1186, %get3A_1181 : vector<16xf32>
      %sub3A_1191 = arith.subf %sub3A_1187, %get3A_1183 : vector<16xf32>
      %add3A_1192 = arith.addf %sub3A_1184, %sub3A_1186 : vector<16xf32>
      %add3A_1193 = arith.addf %sub3A_1185, %sub3A_1187 : vector<16xf32>
      %add3A_1194 = arith.addf %add3A_1192, %add3A_1193 : vector<16xf32>
      %reshape3A_1195 = vector.shape_cast %xor3A_25 : vector<16xi32> to vector<16x1xi32>
      %gather3A_1196 = vector.shape_cast %reshape3A_1195 : vector<16x1xi32> to vector<16xi32>
      %gather3A_1197 = tpu.dynamic_gather %add3A_1194[%gather3A_1196] in [0] : vector<16xf32>, vector<16xi32> -> vector<16xf32>
      %add3A_1198 = arith.addf %add3A_1194, %gather3A_1197 : vector<16xf32>
      %reshape3A_1199 = vector.shape_cast %xor3A_28 : vector<16xi32> to vector<16x1xi32>
      %gather3A_1200 = vector.shape_cast %reshape3A_1199 : vector<16x1xi32> to vector<16xi32>
      %gather3A_1201 = tpu.dynamic_gather %add3A_1198[%gather3A_1200] in [0] : vector<16xf32>, vector<16xi32> -> vector<16xf32>
      %add3A_1202 = arith.addf %add3A_1198, %gather3A_1201 : vector<16xf32>
      %abs3A_1203 = math.absf %add3A_1202 : vector<16xf32>
      %add3A_1204 = arith.addf %sub3A_1188, %sub3A_1190 : vector<16xf32>
      %add3A_1205 = arith.addf %sub3A_1189, %sub3A_1191 : vector<16xf32>
      %add3A_1206 = arith.addf %add3A_1204, %add3A_1205 : vector<16xf32>
      %reshape3A_1207 = vector.shape_cast %xor3A_25 : vector<16xi32> to vector<16x1xi32>
      %gather3A_1208 = vector.shape_cast %reshape3A_1207 : vector<16x1xi32> to vector<16xi32>
      %gather3A_1209 = tpu.dynamic_gather %add3A_1206[%gather3A_1208] in [0] : vector<16xf32>, vector<16xi32> -> vector<16xf32>
      %add3A_1210 = arith.addf %add3A_1206, %gather3A_1209 : vector<16xf32>
      %reshape3A_1211 = vector.shape_cast %xor3A_28 : vector<16xi32> to vector<16x1xi32>
      %gather3A_1212 = vector.shape_cast %reshape3A_1211 : vector<16x1xi32> to vector<16xi32>
      %gather3A_1213 = tpu.dynamic_gather %add3A_1210[%gather3A_1212] in [0] : vector<16xf32>, vector<16xi32> -> vector<16xf32>
      %add3A_1214 = arith.addf %add3A_1210, %gather3A_1213 : vector<16xf32>
      %abs3A_1215 = math.absf %add3A_1214 : vector<16xf32>
      %mul3A_1216 = vector.broadcast %scan3A : f32 to vector<16xf32>
      %mul3A_1217 = arith.mulf %abs3A_1203, %mul3A_1216 : vector<16xf32>
      %add3A_1218 = arith.addf %select_n3A_1171, %select_n3A_1173 : vector<16xf32>
      %add3A_1219 = arith.addf %select_n3A_1175, %select_n3A_1174 : vector<16xf32>
      %add3A_1220 = arith.addf %add3A_1218, %add3A_1219 : vector<16xf32>
      %reshape3A_1221 = vector.shape_cast %xor3A_25 : vector<16xi32> to vector<16x1xi32>
      %gather3A_1222 = vector.shape_cast %reshape3A_1221 : vector<16x1xi32> to vector<16xi32>
      %gather3A_1223 = tpu.dynamic_gather %add3A_1220[%gather3A_1222] in [0] : vector<16xf32>, vector<16xi32> -> vector<16xf32>
      %add3A_1224 = arith.addf %add3A_1220, %gather3A_1223 : vector<16xf32>
      %reshape3A_1225 = vector.shape_cast %xor3A_28 : vector<16xi32> to vector<16x1xi32>
      %gather3A_1226 = vector.shape_cast %reshape3A_1225 : vector<16x1xi32> to vector<16xi32>
      %gather3A_1227 = tpu.dynamic_gather %add3A_1224[%gather3A_1226] in [0] : vector<16xf32>, vector<16xi32> -> vector<16xf32>
      %add3A_1228 = arith.addf %add3A_1224, %gather3A_1227 : vector<16xf32>
      %abs3A_1229 = math.absf %add3A_1228 : vector<16xf32>
      %mul3A_1230 = vector.broadcast %scan3A : f32 to vector<16xf32>
      %mul3A_1231 = arith.mulf %abs3A_1229, %mul3A_1230 : vector<16xf32>
      %select_n3A_1232 = arith.select %le3A_1165, %abs3A_1215, %abs3A_1203 : vector<16xi1>, vector<16xf32>
      %select_n3A_1233 = arith.select %le3A_1165, %mul3A_1217, %mul3A_1231 : vector<16xi1>, vector<16xf32>
      %le3A_1234 = arith.cmpf ole, %select_n3A_1232, %select_n3A_1233 : vector<16xf32>
      %shift_right_logical3A_1235 = arith.constant 1 : i32
      %shift_right_logical3A_1236 = vector.broadcast %shift_right_logical3A_1235 : i32 to vector<16xi32>
      %shift_right_logical3A_1237 = arith.shrui %or3A_1170, %shift_right_logical3A_1236 : vector<16xi32>
      %select_n3A_1238 = arith.select %le3A_1234, %add3A_35, %broadcast_in_dim3A_32 : vector<16xi1>, vector<16xi32>
      %or3A_1239 = arith.ori %shift_right_logical3A_1237, %select_n3A_1238 : vector<16xi32>
      %select_n3A_1240 = arith.select %le3A_1165, %sub3A_1184, %select_n3A_1171 : vector<16xi1>, vector<16xf32>
      %select_n3A_1241 = arith.select %le3A_1165, %sub3A_1185, %select_n3A_1175 : vector<16xi1>, vector<16xf32>
      %select_n3A_1242 = arith.select %le3A_1165, %sub3A_1186, %select_n3A_1173 : vector<16xi1>, vector<16xf32>
      %select_n3A_1243 = arith.select %le3A_1165, %sub3A_1187, %select_n3A_1174 : vector<16xi1>, vector<16xf32>
      %select_n3A_1244 = arith.select %eq3A_23, %gather3A_744, %select_n3A_1241 : vector<16xi1>, vector<16xf32>
      %get3A_1245 = arith.constant 512 : index
      %get3A_1246 = tpu.vector_load %arg8[%get3A_1245] {strides = array<i32>} : memref<1024xf32, #tpu.memory_space<vmem>>, vector<16xf32>,
      %get3A_1247 = arith.constant 528 : index
      %get3A_1248 = tpu.vector_load %arg8[%get3A_1247] {strides = array<i32>} : memref<1024xf32, #tpu.memory_space<vmem>>, vector<16xf32>,
      %get3A_1249 = arith.constant 544 : index
      %get3A_1250 = tpu.vector_load %arg8[%get3A_1249] {strides = array<i32>} : memref<1024xf32, #tpu.memory_space<vmem>>, vector<16xf32>,
      %get3A_1251 = arith.constant 560 : index
      %get3A_1252 = tpu.vector_load %arg8[%get3A_1251] {strides = array<i32>} : memref<1024xf32, #tpu.memory_space<vmem>>, vector<16xf32>,
      %sub3A_1253 = arith.subf %select_n3A_1240, %get3A_1246 : vector<16xf32>
      %sub3A_1254 = arith.subf %select_n3A_1244, %get3A_1248 : vector<16xf32>
      %sub3A_1255 = arith.subf %select_n3A_1242, %get3A_1250 : vector<16xf32>
      %sub3A_1256 = arith.subf %select_n3A_1243, %get3A_1252 : vector<16xf32>
      %sub3A_1257 = arith.subf %sub3A_1253, %get3A_1246 : vector<16xf32>
      %sub3A_1258 = arith.subf %sub3A_1254, %get3A_1248 : vector<16xf32>
      %sub3A_1259 = arith.subf %sub3A_1255, %get3A_1250 : vector<16xf32>
      %sub3A_1260 = arith.subf %sub3A_1256, %get3A_1252 : vector<16xf32>
      %add3A_1261 = arith.addf %sub3A_1253, %sub3A_1255 : vector<16xf32>
      %add3A_1262 = arith.addf %sub3A_1254, %sub3A_1256 : vector<16xf32>
      %add3A_1263 = arith.addf %add3A_1261, %add3A_1262 : vector<16xf32>
      %reshape3A_1264 = vector.shape_cast %xor3A_25 : vector<16xi32> to vector<16x1xi32>
      %gather3A_1265 = vector.shape_cast %reshape3A_1264 : vector<16x1xi32> to vector<16xi32>
      %gather3A_1266 = tpu.dynamic_gather %add3A_1263[%gather3A_1265] in [0] : vector<16xf32>, vector<16xi32> -> vector<16xf32>
      %add3A_1267 = arith.addf %add3A_1263, %gather3A_1266 : vector<16xf32>
      %reshape3A_1268 = vector.shape_cast %xor3A_28 : vector<16xi32> to vector<16x1xi32>
      %gather3A_1269 = vector.shape_cast %reshape3A_1268 : vector<16x1xi32> to vector<16xi32>
      %gather3A_1270 = tpu.dynamic_gather %add3A_1267[%gather3A_1269] in [0] : vector<16xf32>, vector<16xi32> -> vector<16xf32>
      %add3A_1271 = arith.addf %add3A_1267, %gather3A_1270 : vector<16xf32>
      %abs3A_1272 = math.absf %add3A_1271 : vector<16xf32>
      %add3A_1273 = arith.addf %sub3A_1257, %sub3A_1259 : vector<16xf32>
      %add3A_1274 = arith.addf %sub3A_1258, %sub3A_1260 : vector<16xf32>
      %add3A_1275 = arith.addf %add3A_1273, %add3A_1274 : vector<16xf32>
      %reshape3A_1276 = vector.shape_cast %xor3A_25 : vector<16xi32> to vector<16x1xi32>
      %gather3A_1277 = vector.shape_cast %reshape3A_1276 : vector<16x1xi32> to vector<16xi32>
      %gather3A_1278 = tpu.dynamic_gather %add3A_1275[%gather3A_1277] in [0] : vector<16xf32>, vector<16xi32> -> vector<16xf32>
      %add3A_1279 = arith.addf %add3A_1275, %gather3A_1278 : vector<16xf32>
      %reshape3A_1280 = vector.shape_cast %xor3A_28 : vector<16xi32> to vector<16x1xi32>
      %gather3A_1281 = vector.shape_cast %reshape3A_1280 : vector<16x1xi32> to vector<16xi32>
      %gather3A_1282 = tpu.dynamic_gather %add3A_1279[%gather3A_1281] in [0] : vector<16xf32>, vector<16xi32> -> vector<16xf32>
      %add3A_1283 = arith.addf %add3A_1279, %gather3A_1282 : vector<16xf32>
      %abs3A_1284 = math.absf %add3A_1283 : vector<16xf32>
      %mul3A_1285 = vector.broadcast %scan3A : f32 to vector<16xf32>
      %mul3A_1286 = arith.mulf %abs3A_1272, %mul3A_1285 : vector<16xf32>
      %add3A_1287 = arith.addf %select_n3A_1240, %select_n3A_1242 : vector<16xf32>
      %add3A_1288 = arith.addf %select_n3A_1244, %select_n3A_1243 : vector<16xf32>
      %add3A_1289 = arith.addf %add3A_1287, %add3A_1288 : vector<16xf32>
      %reshape3A_1290 = vector.shape_cast %xor3A_25 : vector<16xi32> to vector<16x1xi32>
      %gather3A_1291 = vector.shape_cast %reshape3A_1290 : vector<16x1xi32> to vector<16xi32>
      %gather3A_1292 = tpu.dynamic_gather %add3A_1289[%gather3A_1291] in [0] : vector<16xf32>, vector<16xi32> -> vector<16xf32>
      %add3A_1293 = arith.addf %add3A_1289, %gather3A_1292 : vector<16xf32>
      %reshape3A_1294 = vector.shape_cast %xor3A_28 : vector<16xi32> to vector<16x1xi32>
      %gather3A_1295 = vector.shape_cast %reshape3A_1294 : vector<16x1xi32> to vector<16xi32>
      %gather3A_1296 = tpu.dynamic_gather %add3A_1293[%gather3A_1295] in [0] : vector<16xf32>, vector<16xi32> -> vector<16xf32>
      %add3A_1297 = arith.addf %add3A_1293, %gather3A_1296 : vector<16xf32>
      %abs3A_1298 = math.absf %add3A_1297 : vector<16xf32>
      %mul3A_1299 = vector.broadcast %scan3A : f32 to vector<16xf32>
      %mul3A_1300 = arith.mulf %abs3A_1298, %mul3A_1299 : vector<16xf32>
      %select_n3A_1301 = arith.select %le3A_1234, %abs3A_1284, %abs3A_1272 : vector<16xi1>, vector<16xf32>
      %select_n3A_1302 = arith.select %le3A_1234, %mul3A_1286, %mul3A_1300 : vector<16xi1>, vector<16xf32>
      %le3A_1303 = arith.cmpf ole, %select_n3A_1301, %select_n3A_1302 : vector<16xf32>
      %shift_right_logical3A_1304 = arith.constant 1 : i32
      %shift_right_logical3A_1305 = vector.broadcast %shift_right_logical3A_1304 : i32 to vector<16xi32>
      %shift_right_logical3A_1306 = arith.shrui %or3A_1239, %shift_right_logical3A_1305 : vector<16xi32>
      %select_n3A_1307 = arith.select %le3A_1303, %add3A_35, %broadcast_in_dim3A_32 : vector<16xi1>, vector<16xi32>
      %or3A_1308 = arith.ori %shift_right_logical3A_1306, %select_n3A_1307 : vector<16xi32>
      %select_n3A_1309 = arith.select %le3A_1234, %sub3A_1253, %select_n3A_1240 : vector<16xi1>, vector<16xf32>
      %select_n3A_1310 = arith.select %le3A_1234, %sub3A_1254, %select_n3A_1244 : vector<16xi1>, vector<16xf32>
      %select_n3A_1311 = arith.select %le3A_1234, %sub3A_1255, %select_n3A_1242 : vector<16xi1>, vector<16xf32>
      %select_n3A_1312 = arith.select %le3A_1234, %sub3A_1256, %select_n3A_1243 : vector<16xi1>, vector<16xf32>
      %select_n3A_1313 = arith.select %eq3A_14, %gather3A_748, %select_n3A_1311 : vector<16xi1>, vector<16xf32>
      %get3A_1314 = arith.constant 576 : index
      %get3A_1315 = tpu.vector_load %arg8[%get3A_1314] {strides = array<i32>} : memref<1024xf32, #tpu.memory_space<vmem>>, vector<16xf32>,
      %get3A_1316 = arith.constant 592 : index
      %get3A_1317 = tpu.vector_load %arg8[%get3A_1316] {strides = array<i32>} : memref<1024xf32, #tpu.memory_space<vmem>>, vector<16xf32>,
      %get3A_1318 = arith.constant 608 : index
      %get3A_1319 = tpu.vector_load %arg8[%get3A_1318] {strides = array<i32>} : memref<1024xf32, #tpu.memory_space<vmem>>, vector<16xf32>,
      %get3A_1320 = arith.constant 624 : index
      %get3A_1321 = tpu.vector_load %arg8[%get3A_1320] {strides = array<i32>} : memref<1024xf32, #tpu.memory_space<vmem>>, vector<16xf32>,
      %sub3A_1322 = arith.subf %select_n3A_1309, %get3A_1315 : vector<16xf32>
      %sub3A_1323 = arith.subf %select_n3A_1310, %get3A_1317 : vector<16xf32>
      %sub3A_1324 = arith.subf %select_n3A_1313, %get3A_1319 : vector<16xf32>
      %sub3A_1325 = arith.subf %select_n3A_1312, %get3A_1321 : vector<16xf32>
      %sub3A_1326 = arith.subf %sub3A_1322, %get3A_1315 : vector<16xf32>
      %sub3A_1327 = arith.subf %sub3A_1323, %get3A_1317 : vector<16xf32>
      %sub3A_1328 = arith.subf %sub3A_1324, %get3A_1319 : vector<16xf32>
      %sub3A_1329 = arith.subf %sub3A_1325, %get3A_1321 : vector<16xf32>
      %add3A_1330 = arith.addf %sub3A_1322, %sub3A_1324 : vector<16xf32>
      %add3A_1331 = arith.addf %sub3A_1323, %sub3A_1325 : vector<16xf32>
      %add3A_1332 = arith.addf %add3A_1330, %add3A_1331 : vector<16xf32>
      %reshape3A_1333 = vector.shape_cast %xor3A_25 : vector<16xi32> to vector<16x1xi32>
      %gather3A_1334 = vector.shape_cast %reshape3A_1333 : vector<16x1xi32> to vector<16xi32>
      %gather3A_1335 = tpu.dynamic_gather %add3A_1332[%gather3A_1334] in [0] : vector<16xf32>, vector<16xi32> -> vector<16xf32>
      %add3A_1336 = arith.addf %add3A_1332, %gather3A_1335 : vector<16xf32>
      %reshape3A_1337 = vector.shape_cast %xor3A_28 : vector<16xi32> to vector<16x1xi32>
      %gather3A_1338 = vector.shape_cast %reshape3A_1337 : vector<16x1xi32> to vector<16xi32>
      %gather3A_1339 = tpu.dynamic_gather %add3A_1336[%gather3A_1338] in [0] : vector<16xf32>, vector<16xi32> -> vector<16xf32>
      %add3A_1340 = arith.addf %add3A_1336, %gather3A_1339 : vector<16xf32>
      %abs3A_1341 = math.absf %add3A_1340 : vector<16xf32>
      %add3A_1342 = arith.addf %sub3A_1326, %sub3A_1328 : vector<16xf32>
      %add3A_1343 = arith.addf %sub3A_1327, %sub3A_1329 : vector<16xf32>
      %add3A_1344 = arith.addf %add3A_1342, %add3A_1343 : vector<16xf32>
      %reshape3A_1345 = vector.shape_cast %xor3A_25 : vector<16xi32> to vector<16x1xi32>
      %gather3A_1346 = vector.shape_cast %reshape3A_1345 : vector<16x1xi32> to vector<16xi32>
      %gather3A_1347 = tpu.dynamic_gather %add3A_1344[%gather3A_1346] in [0] : vector<16xf32>, vector<16xi32> -> vector<16xf32>
      %add3A_1348 = arith.addf %add3A_1344, %gather3A_1347 : vector<16xf32>
      %reshape3A_1349 = vector.shape_cast %xor3A_28 : vector<16xi32> to vector<16x1xi32>
      %gather3A_1350 = vector.shape_cast %reshape3A_1349 : vector<16x1xi32> to vector<16xi32>
      %gather3A_1351 = tpu.dynamic_gather %add3A_1348[%gather3A_1350] in [0] : vector<16xf32>, vector<16xi32> -> vector<16xf32>
      %add3A_1352 = arith.addf %add3A_1348, %gather3A_1351 : vector<16xf32>
      %abs3A_1353 = math.absf %add3A_1352 : vector<16xf32>
      %mul3A_1354 = vector.broadcast %scan3A : f32 to vector<16xf32>
      %mul3A_1355 = arith.mulf %abs3A_1341, %mul3A_1354 : vector<16xf32>
      %add3A_1356 = arith.addf %select_n3A_1309, %select_n3A_1313 : vector<16xf32>
      %add3A_1357 = arith.addf %select_n3A_1310, %select_n3A_1312 : vector<16xf32>
      %add3A_1358 = arith.addf %add3A_1356, %add3A_1357 : vector<16xf32>
      %reshape3A_1359 = vector.shape_cast %xor3A_25 : vector<16xi32> to vector<16x1xi32>
      %gather3A_1360 = vector.shape_cast %reshape3A_1359 : vector<16x1xi32> to vector<16xi32>
      %gather3A_1361 = tpu.dynamic_gather %add3A_1358[%gather3A_1360] in [0] : vector<16xf32>, vector<16xi32> -> vector<16xf32>
      %add3A_1362 = arith.addf %add3A_1358, %gather3A_1361 : vector<16xf32>
      %reshape3A_1363 = vector.shape_cast %xor3A_28 : vector<16xi32> to vector<16x1xi32>
      %gather3A_1364 = vector.shape_cast %reshape3A_1363 : vector<16x1xi32> to vector<16xi32>
      %gather3A_1365 = tpu.dynamic_gather %add3A_1362[%gather3A_1364] in [0] : vector<16xf32>, vector<16xi32> -> vector<16xf32>
      %add3A_1366 = arith.addf %add3A_1362, %gather3A_1365 : vector<16xf32>
      %abs3A_1367 = math.absf %add3A_1366 : vector<16xf32>
      %mul3A_1368 = vector.broadcast %scan3A : f32 to vector<16xf32>
      %mul3A_1369 = arith.mulf %abs3A_1367, %mul3A_1368 : vector<16xf32>
      %select_n3A_1370 = arith.select %le3A_1303, %abs3A_1353, %abs3A_1341 : vector<16xi1>, vector<16xf32>
      %select_n3A_1371 = arith.select %le3A_1303, %mul3A_1355, %mul3A_1369 : vector<16xi1>, vector<16xf32>
      %le3A_1372 = arith.cmpf ole, %select_n3A_1370, %select_n3A_1371 : vector<16xf32>
      %shift_right_logical3A_1373 = arith.constant 1 : i32
      %shift_right_logical3A_1374 = vector.broadcast %shift_right_logical3A_1373 : i32 to vector<16xi32>
      %shift_right_logical3A_1375 = arith.shrui %or3A_1308, %shift_right_logical3A_1374 : vector<16xi32>
      %select_n3A_1376 = arith.select %le3A_1372, %add3A_35, %broadcast_in_dim3A_32 : vector<16xi1>, vector<16xi32>
      %or3A_1377 = arith.ori %shift_right_logical3A_1375, %select_n3A_1376 : vector<16xi32>
      %select_n3A_1378 = arith.select %le3A_1303, %sub3A_1322, %select_n3A_1309 : vector<16xi1>, vector<16xf32>
      %select_n3A_1379 = arith.select %le3A_1303, %sub3A_1323, %select_n3A_1310 : vector<16xi1>, vector<16xf32>
      %select_n3A_1380 = arith.select %le3A_1303, %sub3A_1324, %select_n3A_1313 : vector<16xi1>, vector<16xf32>
      %select_n3A_1381 = arith.select %le3A_1303, %sub3A_1325, %select_n3A_1312 : vector<16xi1>, vector<16xf32>
      %select_n3A_1382 = arith.select %eq3A_17, %gather3A_748, %select_n3A_1380 : vector<16xi1>, vector<16xf32>
      %get3A_1383 = arith.constant 640 : index
      %get3A_1384 = tpu.vector_load %arg8[%get3A_1383] {strides = array<i32>} : memref<1024xf32, #tpu.memory_space<vmem>>, vector<16xf32>,
      %get3A_1385 = arith.constant 656 : index
      %get3A_1386 = tpu.vector_load %arg8[%get3A_1385] {strides = array<i32>} : memref<1024xf32, #tpu.memory_space<vmem>>, vector<16xf32>,
      %get3A_1387 = arith.constant 672 : index
      %get3A_1388 = tpu.vector_load %arg8[%get3A_1387] {strides = array<i32>} : memref<1024xf32, #tpu.memory_space<vmem>>, vector<16xf32>,
      %get3A_1389 = arith.constant 688 : index
      %get3A_1390 = tpu.vector_load %arg8[%get3A_1389] {strides = array<i32>} : memref<1024xf32, #tpu.memory_space<vmem>>, vector<16xf32>,
      %sub3A_1391 = arith.subf %select_n3A_1378, %get3A_1384 : vector<16xf32>
      %sub3A_1392 = arith.subf %select_n3A_1379, %get3A_1386 : vector<16xf32>
      %sub3A_1393 = arith.subf %select_n3A_1382, %get3A_1388 : vector<16xf32>
      %sub3A_1394 = arith.subf %select_n3A_1381, %get3A_1390 : vector<16xf32>
      %sub3A_1395 = arith.subf %sub3A_1391, %get3A_1384 : vector<16xf32>
      %sub3A_1396 = arith.subf %sub3A_1392, %get3A_1386 : vector<16xf32>
      %sub3A_1397 = arith.subf %sub3A_1393, %get3A_1388 : vector<16xf32>
      %sub3A_1398 = arith.subf %sub3A_1394, %get3A_1390 : vector<16xf32>
      %add3A_1399 = arith.addf %sub3A_1391, %sub3A_1393 : vector<16xf32>
      %add3A_1400 = arith.addf %sub3A_1392, %sub3A_1394 : vector<16xf32>
      %add3A_1401 = arith.addf %add3A_1399, %add3A_1400 : vector<16xf32>
      %reshape3A_1402 = vector.shape_cast %xor3A_25 : vector<16xi32> to vector<16x1xi32>
      %gather3A_1403 = vector.shape_cast %reshape3A_1402 : vector<16x1xi32> to vector<16xi32>
      %gather3A_1404 = tpu.dynamic_gather %add3A_1401[%gather3A_1403] in [0] : vector<16xf32>, vector<16xi32> -> vector<16xf32>
      %add3A_1405 = arith.addf %add3A_1401, %gather3A_1404 : vector<16xf32>
      %reshape3A_1406 = vector.shape_cast %xor3A_28 : vector<16xi32> to vector<16x1xi32>
      %gather3A_1407 = vector.shape_cast %reshape3A_1406 : vector<16x1xi32> to vector<16xi32>
      %gather3A_1408 = tpu.dynamic_gather %add3A_1405[%gather3A_1407] in [0] : vector<16xf32>, vector<16xi32> -> vector<16xf32>
      %add3A_1409 = arith.addf %add3A_1405, %gather3A_1408 : vector<16xf32>
      %abs3A_1410 = math.absf %add3A_1409 : vector<16xf32>
      %add3A_1411 = arith.addf %sub3A_1395, %sub3A_1397 : vector<16xf32>
      %add3A_1412 = arith.addf %sub3A_1396, %sub3A_1398 : vector<16xf32>
      %add3A_1413 = arith.addf %add3A_1411, %add3A_1412 : vector<16xf32>
      %reshape3A_1414 = vector.shape_cast %xor3A_25 : vector<16xi32> to vector<16x1xi32>
      %gather3A_1415 = vector.shape_cast %reshape3A_1414 : vector<16x1xi32> to vector<16xi32>
      %gather3A_1416 = tpu.dynamic_gather %add3A_1413[%gather3A_1415] in [0] : vector<16xf32>, vector<16xi32> -> vector<16xf32>
      %add3A_1417 = arith.addf %add3A_1413, %gather3A_1416 : vector<16xf32>
      %reshape3A_1418 = vector.shape_cast %xor3A_28 : vector<16xi32> to vector<16x1xi32>
      %gather3A_1419 = vector.shape_cast %reshape3A_1418 : vector<16x1xi32> to vector<16xi32>
      %gather3A_1420 = tpu.dynamic_gather %add3A_1417[%gather3A_1419] in [0] : vector<16xf32>, vector<16xi32> -> vector<16xf32>
      %add3A_1421 = arith.addf %add3A_1417, %gather3A_1420 : vector<16xf32>
      %abs3A_1422 = math.absf %add3A_1421 : vector<16xf32>
      %mul3A_1423 = vector.broadcast %scan3A : f32 to vector<16xf32>
      %mul3A_1424 = arith.mulf %abs3A_1410, %mul3A_1423 : vector<16xf32>
      %add3A_1425 = arith.addf %select_n3A_1378, %select_n3A_1382 : vector<16xf32>
      %add3A_1426 = arith.addf %select_n3A_1379, %select_n3A_1381 : vector<16xf32>
      %add3A_1427 = arith.addf %add3A_1425, %add3A_1426 : vector<16xf32>
      %reshape3A_1428 = vector.shape_cast %xor3A_25 : vector<16xi32> to vector<16x1xi32>
      %gather3A_1429 = vector.shape_cast %reshape3A_1428 : vector<16x1xi32> to vector<16xi32>
      %gather3A_1430 = tpu.dynamic_gather %add3A_1427[%gather3A_1429] in [0] : vector<16xf32>, vector<16xi32> -> vector<16xf32>
      %add3A_1431 = arith.addf %add3A_1427, %gather3A_1430 : vector<16xf32>
      %reshape3A_1432 = vector.shape_cast %xor3A_28 : vector<16xi32> to vector<16x1xi32>
      %gather3A_1433 = vector.shape_cast %reshape3A_1432 : vector<16x1xi32> to vector<16xi32>
      %gather3A_1434 = tpu.dynamic_gather %add3A_1431[%gather3A_1433] in [0] : vector<16xf32>, vector<16xi32> -> vector<16xf32>
      %add3A_1435 = arith.addf %add3A_1431, %gather3A_1434 : vector<16xf32>
      %abs3A_1436 = math.absf %add3A_1435 : vector<16xf32>
      %mul3A_1437 = vector.broadcast %scan3A : f32 to vector<16xf32>
      %mul3A_1438 = arith.mulf %abs3A_1436, %mul3A_1437 : vector<16xf32>
      %select_n3A_1439 = arith.select %le3A_1372, %abs3A_1422, %abs3A_1410 : vector<16xi1>, vector<16xf32>
      %select_n3A_1440 = arith.select %le3A_1372, %mul3A_1424, %mul3A_1438 : vector<16xi1>, vector<16xf32>
      %le3A_1441 = arith.cmpf ole, %select_n3A_1439, %select_n3A_1440 : vector<16xf32>
      %shift_right_logical3A_1442 = arith.constant 1 : i32
      %shift_right_logical3A_1443 = vector.broadcast %shift_right_logical3A_1442 : i32 to vector<16xi32>
      %shift_right_logical3A_1444 = arith.shrui %or3A_1377, %shift_right_logical3A_1443 : vector<16xi32>
      %select_n3A_1445 = arith.select %le3A_1441, %add3A_35, %broadcast_in_dim3A_32 : vector<16xi1>, vector<16xi32>
      %or3A_1446 = arith.ori %shift_right_logical3A_1444, %select_n3A_1445 : vector<16xi32>
      %select_n3A_1447 = arith.select %le3A_1372, %sub3A_1391, %select_n3A_1378 : vector<16xi1>, vector<16xf32>
      %select_n3A_1448 = arith.select %le3A_1372, %sub3A_1392, %select_n3A_1379 : vector<16xi1>, vector<16xf32>
      %select_n3A_1449 = arith.select %le3A_1372, %sub3A_1393, %select_n3A_1382 : vector<16xi1>, vector<16xf32>
      %select_n3A_1450 = arith.select %le3A_1372, %sub3A_1394, %select_n3A_1381 : vector<16xi1>, vector<16xf32>
      %select_n3A_1451 = arith.select %eq3A_20, %gather3A_748, %select_n3A_1449 : vector<16xi1>, vector<16xf32>
      %get3A_1452 = arith.constant 704 : index
      %get3A_1453 = tpu.vector_load %arg8[%get3A_1452] {strides = array<i32>} : memref<1024xf32, #tpu.memory_space<vmem>>, vector<16xf32>,
      %get3A_1454 = arith.constant 720 : index
      %get3A_1455 = tpu.vector_load %arg8[%get3A_1454] {strides = array<i32>} : memref<1024xf32, #tpu.memory_space<vmem>>, vector<16xf32>,
      %get3A_1456 = arith.constant 736 : index
      %get3A_1457 = tpu.vector_load %arg8[%get3A_1456] {strides = array<i32>} : memref<1024xf32, #tpu.memory_space<vmem>>, vector<16xf32>,
      %get3A_1458 = arith.constant 752 : index
      %get3A_1459 = tpu.vector_load %arg8[%get3A_1458] {strides = array<i32>} : memref<1024xf32, #tpu.memory_space<vmem>>, vector<16xf32>,
      %sub3A_1460 = arith.subf %select_n3A_1447, %get3A_1453 : vector<16xf32>
      %sub3A_1461 = arith.subf %select_n3A_1448, %get3A_1455 : vector<16xf32>
      %sub3A_1462 = arith.subf %select_n3A_1451, %get3A_1457 : vector<16xf32>
      %sub3A_1463 = arith.subf %select_n3A_1450, %get3A_1459 : vector<16xf32>
      %sub3A_1464 = arith.subf %sub3A_1460, %get3A_1453 : vector<16xf32>
      %sub3A_1465 = arith.subf %sub3A_1461, %get3A_1455 : vector<16xf32>
      %sub3A_1466 = arith.subf %sub3A_1462, %get3A_1457 : vector<16xf32>
      %sub3A_1467 = arith.subf %sub3A_1463, %get3A_1459 : vector<16xf32>
      %add3A_1468 = arith.addf %sub3A_1460, %sub3A_1462 : vector<16xf32>
      %add3A_1469 = arith.addf %sub3A_1461, %sub3A_1463 : vector<16xf32>
      %add3A_1470 = arith.addf %add3A_1468, %add3A_1469 : vector<16xf32>
      %reshape3A_1471 = vector.shape_cast %xor3A_25 : vector<16xi32> to vector<16x1xi32>
      %gather3A_1472 = vector.shape_cast %reshape3A_1471 : vector<16x1xi32> to vector<16xi32>
      %gather3A_1473 = tpu.dynamic_gather %add3A_1470[%gather3A_1472] in [0] : vector<16xf32>, vector<16xi32> -> vector<16xf32>
      %add3A_1474 = arith.addf %add3A_1470, %gather3A_1473 : vector<16xf32>
      %reshape3A_1475 = vector.shape_cast %xor3A_28 : vector<16xi32> to vector<16x1xi32>
      %gather3A_1476 = vector.shape_cast %reshape3A_1475 : vector<16x1xi32> to vector<16xi32>
      %gather3A_1477 = tpu.dynamic_gather %add3A_1474[%gather3A_1476] in [0] : vector<16xf32>, vector<16xi32> -> vector<16xf32>
      %add3A_1478 = arith.addf %add3A_1474, %gather3A_1477 : vector<16xf32>
      %abs3A_1479 = math.absf %add3A_1478 : vector<16xf32>
      %add3A_1480 = arith.addf %sub3A_1464, %sub3A_1466 : vector<16xf32>
      %add3A_1481 = arith.addf %sub3A_1465, %sub3A_1467 : vector<16xf32>
      %add3A_1482 = arith.addf %add3A_1480, %add3A_1481 : vector<16xf32>
      %reshape3A_1483 = vector.shape_cast %xor3A_25 : vector<16xi32> to vector<16x1xi32>
      %gather3A_1484 = vector.shape_cast %reshape3A_1483 : vector<16x1xi32> to vector<16xi32>
      %gather3A_1485 = tpu.dynamic_gather %add3A_1482[%gather3A_1484] in [0] : vector<16xf32>, vector<16xi32> -> vector<16xf32>
      %add3A_1486 = arith.addf %add3A_1482, %gather3A_1485 : vector<16xf32>
      %reshape3A_1487 = vector.shape_cast %xor3A_28 : vector<16xi32> to vector<16x1xi32>
      %gather3A_1488 = vector.shape_cast %reshape3A_1487 : vector<16x1xi32> to vector<16xi32>
      %gather3A_1489 = tpu.dynamic_gather %add3A_1486[%gather3A_1488] in [0] : vector<16xf32>, vector<16xi32> -> vector<16xf32>
      %add3A_1490 = arith.addf %add3A_1486, %gather3A_1489 : vector<16xf32>
      %abs3A_1491 = math.absf %add3A_1490 : vector<16xf32>
      %mul3A_1492 = vector.broadcast %scan3A : f32 to vector<16xf32>
      %mul3A_1493 = arith.mulf %abs3A_1479, %mul3A_1492 : vector<16xf32>
      %add3A_1494 = arith.addf %select_n3A_1447, %select_n3A_1451 : vector<16xf32>
      %add3A_1495 = arith.addf %select_n3A_1448, %select_n3A_1450 : vector<16xf32>
      %add3A_1496 = arith.addf %add3A_1494, %add3A_1495 : vector<16xf32>
      %reshape3A_1497 = vector.shape_cast %xor3A_25 : vector<16xi32> to vector<16x1xi32>
      %gather3A_1498 = vector.shape_cast %reshape3A_1497 : vector<16x1xi32> to vector<16xi32>
      %gather3A_1499 = tpu.dynamic_gather %add3A_1496[%gather3A_1498] in [0] : vector<16xf32>, vector<16xi32> -> vector<16xf32>
      %add3A_1500 = arith.addf %add3A_1496, %gather3A_1499 : vector<16xf32>
      %reshape3A_1501 = vector.shape_cast %xor3A_28 : vector<16xi32> to vector<16x1xi32>
      %gather3A_1502 = vector.shape_cast %reshape3A_1501 : vector<16x1xi32> to vector<16xi32>
      %gather3A_1503 = tpu.dynamic_gather %add3A_1500[%gather3A_1502] in [0] : vector<16xf32>, vector<16xi32> -> vector<16xf32>
      %add3A_1504 = arith.addf %add3A_1500, %gather3A_1503 : vector<16xf32>
      %abs3A_1505 = math.absf %add3A_1504 : vector<16xf32>
      %mul3A_1506 = vector.broadcast %scan3A : f32 to vector<16xf32>
      %mul3A_1507 = arith.mulf %abs3A_1505, %mul3A_1506 : vector<16xf32>
      %select_n3A_1508 = arith.select %le3A_1441, %abs3A_1491, %abs3A_1479 : vector<16xi1>, vector<16xf32>
      %select_n3A_1509 = arith.select %le3A_1441, %mul3A_1493, %mul3A_1507 : vector<16xi1>, vector<16xf32>
      %le3A_1510 = arith.cmpf ole, %select_n3A_1508, %select_n3A_1509 : vector<16xf32>
      %shift_right_logical3A_1511 = arith.constant 1 : i32
      %shift_right_logical3A_1512 = vector.broadcast %shift_right_logical3A_1511 : i32 to vector<16xi32>
      %shift_right_logical3A_1513 = arith.shrui %or3A_1446, %shift_right_logical3A_1512 : vector<16xi32>
      %select_n3A_1514 = arith.select %le3A_1510, %add3A_35, %broadcast_in_dim3A_32 : vector<16xi1>, vector<16xi32>
      %or3A_1515 = arith.ori %shift_right_logical3A_1513, %select_n3A_1514 : vector<16xi32>
      %select_n3A_1516 = arith.select %le3A_1441, %sub3A_1460, %select_n3A_1447 : vector<16xi1>, vector<16xf32>
      %select_n3A_1517 = arith.select %le3A_1441, %sub3A_1461, %select_n3A_1448 : vector<16xi1>, vector<16xf32>
      %select_n3A_1518 = arith.select %le3A_1441, %sub3A_1462, %select_n3A_1451 : vector<16xi1>, vector<16xf32>
      %select_n3A_1519 = arith.select %le3A_1441, %sub3A_1463, %select_n3A_1450 : vector<16xi1>, vector<16xf32>
      %select_n3A_1520 = arith.select %eq3A_23, %gather3A_748, %select_n3A_1518 : vector<16xi1>, vector<16xf32>
      %get3A_1521 = arith.constant 768 : index
      %get3A_1522 = tpu.vector_load %arg8[%get3A_1521] {strides = array<i32>} : memref<1024xf32, #tpu.memory_space<vmem>>, vector<16xf32>,
      %get3A_1523 = arith.constant 784 : index
      %get3A_1524 = tpu.vector_load %arg8[%get3A_1523] {strides = array<i32>} : memref<1024xf32, #tpu.memory_space<vmem>>, vector<16xf32>,
      %get3A_1525 = arith.constant 800 : index
      %get3A_1526 = tpu.vector_load %arg8[%get3A_1525] {strides = array<i32>} : memref<1024xf32, #tpu.memory_space<vmem>>, vector<16xf32>,
      %get3A_1527 = arith.constant 816 : index
      %get3A_1528 = tpu.vector_load %arg8[%get3A_1527] {strides = array<i32>} : memref<1024xf32, #tpu.memory_space<vmem>>, vector<16xf32>,
      %sub3A_1529 = arith.subf %select_n3A_1516, %get3A_1522 : vector<16xf32>
      %sub3A_1530 = arith.subf %select_n3A_1517, %get3A_1524 : vector<16xf32>
      %sub3A_1531 = arith.subf %select_n3A_1520, %get3A_1526 : vector<16xf32>
      %sub3A_1532 = arith.subf %select_n3A_1519, %get3A_1528 : vector<16xf32>
      %sub3A_1533 = arith.subf %sub3A_1529, %get3A_1522 : vector<16xf32>
      %sub3A_1534 = arith.subf %sub3A_1530, %get3A_1524 : vector<16xf32>
      %sub3A_1535 = arith.subf %sub3A_1531, %get3A_1526 : vector<16xf32>
      %sub3A_1536 = arith.subf %sub3A_1532, %get3A_1528 : vector<16xf32>
      %add3A_1537 = arith.addf %sub3A_1529, %sub3A_1531 : vector<16xf32>
      %add3A_1538 = arith.addf %sub3A_1530, %sub3A_1532 : vector<16xf32>
      %add3A_1539 = arith.addf %add3A_1537, %add3A_1538 : vector<16xf32>
      %reshape3A_1540 = vector.shape_cast %xor3A_25 : vector<16xi32> to vector<16x1xi32>
      %gather3A_1541 = vector.shape_cast %reshape3A_1540 : vector<16x1xi32> to vector<16xi32>
      %gather3A_1542 = tpu.dynamic_gather %add3A_1539[%gather3A_1541] in [0] : vector<16xf32>, vector<16xi32> -> vector<16xf32>
      %add3A_1543 = arith.addf %add3A_1539, %gather3A_1542 : vector<16xf32>
      %reshape3A_1544 = vector.shape_cast %xor3A_28 : vector<16xi32> to vector<16x1xi32>
      %gather3A_1545 = vector.shape_cast %reshape3A_1544 : vector<16x1xi32> to vector<16xi32>
      %gather3A_1546 = tpu.dynamic_gather %add3A_1543[%gather3A_1545] in [0] : vector<16xf32>, vector<16xi32> -> vector<16xf32>
      %add3A_1547 = arith.addf %add3A_1543, %gather3A_1546 : vector<16xf32>
      %abs3A_1548 = math.absf %add3A_1547 : vector<16xf32>
      %add3A_1549 = arith.addf %sub3A_1533, %sub3A_1535 : vector<16xf32>
      %add3A_1550 = arith.addf %sub3A_1534, %sub3A_1536 : vector<16xf32>
      %add3A_1551 = arith.addf %add3A_1549, %add3A_1550 : vector<16xf32>
      %reshape3A_1552 = vector.shape_cast %xor3A_25 : vector<16xi32> to vector<16x1xi32>
      %gather3A_1553 = vector.shape_cast %reshape3A_1552 : vector<16x1xi32> to vector<16xi32>
      %gather3A_1554 = tpu.dynamic_gather %add3A_1551[%gather3A_1553] in [0] : vector<16xf32>, vector<16xi32> -> vector<16xf32>
      %add3A_1555 = arith.addf %add3A_1551, %gather3A_1554 : vector<16xf32>
      %reshape3A_1556 = vector.shape_cast %xor3A_28 : vector<16xi32> to vector<16x1xi32>
      %gather3A_1557 = vector.shape_cast %reshape3A_1556 : vector<16x1xi32> to vector<16xi32>
      %gather3A_1558 = tpu.dynamic_gather %add3A_1555[%gather3A_1557] in [0] : vector<16xf32>, vector<16xi32> -> vector<16xf32>
      %add3A_1559 = arith.addf %add3A_1555, %gather3A_1558 : vector<16xf32>
      %abs3A_1560 = math.absf %add3A_1559 : vector<16xf32>
      %mul3A_1561 = vector.broadcast %scan3A : f32 to vector<16xf32>
      %mul3A_1562 = arith.mulf %abs3A_1548, %mul3A_1561 : vector<16xf32>
      %add3A_1563 = arith.addf %select_n3A_1516, %select_n3A_1520 : vector<16xf32>
      %add3A_1564 = arith.addf %select_n3A_1517, %select_n3A_1519 : vector<16xf32>
      %add3A_1565 = arith.addf %add3A_1563, %add3A_1564 : vector<16xf32>
      %reshape3A_1566 = vector.shape_cast %xor3A_25 : vector<16xi32> to vector<16x1xi32>
      %gather3A_1567 = vector.shape_cast %reshape3A_1566 : vector<16x1xi32> to vector<16xi32>
      %gather3A_1568 = tpu.dynamic_gather %add3A_1565[%gather3A_1567] in [0] : vector<16xf32>, vector<16xi32> -> vector<16xf32>
      %add3A_1569 = arith.addf %add3A_1565, %gather3A_1568 : vector<16xf32>
      %reshape3A_1570 = vector.shape_cast %xor3A_28 : vector<16xi32> to vector<16x1xi32>
      %gather3A_1571 = vector.shape_cast %reshape3A_1570 : vector<16x1xi32> to vector<16xi32>
      %gather3A_1572 = tpu.dynamic_gather %add3A_1569[%gather3A_1571] in [0] : vector<16xf32>, vector<16xi32> -> vector<16xf32>
      %add3A_1573 = arith.addf %add3A_1569, %gather3A_1572 : vector<16xf32>
      %abs3A_1574 = math.absf %add3A_1573 : vector<16xf32>
      %mul3A_1575 = vector.broadcast %scan3A : f32 to vector<16xf32>
      %mul3A_1576 = arith.mulf %abs3A_1574, %mul3A_1575 : vector<16xf32>
      %select_n3A_1577 = arith.select %le3A_1510, %abs3A_1560, %abs3A_1548 : vector<16xi1>, vector<16xf32>
      %select_n3A_1578 = arith.select %le3A_1510, %mul3A_1562, %mul3A_1576 : vector<16xi1>, vector<16xf32>
      %le3A_1579 = arith.cmpf ole, %select_n3A_1577, %select_n3A_1578 : vector<16xf32>
      %shift_right_logical3A_1580 = arith.constant 1 : i32
      %shift_right_logical3A_1581 = vector.broadcast %shift_right_logical3A_1580 : i32 to vector<16xi32>
      %shift_right_logical3A_1582 = arith.shrui %or3A_1515, %shift_right_logical3A_1581 : vector<16xi32>
      %select_n3A_1583 = arith.select %le3A_1579, %add3A_35, %broadcast_in_dim3A_32 : vector<16xi1>, vector<16xi32>
      %or3A_1584 = arith.ori %shift_right_logical3A_1582, %select_n3A_1583 : vector<16xi32>
      %select_n3A_1585 = arith.select %le3A_1510, %sub3A_1529, %select_n3A_1516 : vector<16xi1>, vector<16xf32>
      %select_n3A_1586 = arith.select %le3A_1510, %sub3A_1530, %select_n3A_1517 : vector<16xi1>, vector<16xf32>
      %select_n3A_1587 = arith.select %le3A_1510, %sub3A_1531, %select_n3A_1520 : vector<16xi1>, vector<16xf32>
      %select_n3A_1588 = arith.select %le3A_1510, %sub3A_1532, %select_n3A_1519 : vector<16xi1>, vector<16xf32>
      %select_n3A_1589 = arith.select %eq3A_14, %gather3A_752, %select_n3A_1588 : vector<16xi1>, vector<16xf32>
      %get3A_1590 = arith.constant 832 : index
      %get3A_1591 = tpu.vector_load %arg8[%get3A_1590] {strides = array<i32>} : memref<1024xf32, #tpu.memory_space<vmem>>, vector<16xf32>,
      %get3A_1592 = arith.constant 848 : index
      %get3A_1593 = tpu.vector_load %arg8[%get3A_1592] {strides = array<i32>} : memref<1024xf32, #tpu.memory_space<vmem>>, vector<16xf32>,
      %get3A_1594 = arith.constant 864 : index
      %get3A_1595 = tpu.vector_load %arg8[%get3A_1594] {strides = array<i32>} : memref<1024xf32, #tpu.memory_space<vmem>>, vector<16xf32>,
      %get3A_1596 = arith.constant 880 : index
      %get3A_1597 = tpu.vector_load %arg8[%get3A_1596] {strides = array<i32>} : memref<1024xf32, #tpu.memory_space<vmem>>, vector<16xf32>,
      %sub3A_1598 = arith.subf %select_n3A_1585, %get3A_1591 : vector<16xf32>
      %sub3A_1599 = arith.subf %select_n3A_1586, %get3A_1593 : vector<16xf32>
      %sub3A_1600 = arith.subf %select_n3A_1587, %get3A_1595 : vector<16xf32>
      %sub3A_1601 = arith.subf %select_n3A_1589, %get3A_1597 : vector<16xf32>
      %sub3A_1602 = arith.subf %sub3A_1598, %get3A_1591 : vector<16xf32>
      %sub3A_1603 = arith.subf %sub3A_1599, %get3A_1593 : vector<16xf32>
      %sub3A_1604 = arith.subf %sub3A_1600, %get3A_1595 : vector<16xf32>
      %sub3A_1605 = arith.subf %sub3A_1601, %get3A_1597 : vector<16xf32>
      %add3A_1606 = arith.addf %sub3A_1598, %sub3A_1600 : vector<16xf32>
      %add3A_1607 = arith.addf %sub3A_1599, %sub3A_1601 : vector<16xf32>
      %add3A_1608 = arith.addf %add3A_1606, %add3A_1607 : vector<16xf32>
      %reshape3A_1609 = vector.shape_cast %xor3A_25 : vector<16xi32> to vector<16x1xi32>
      %gather3A_1610 = vector.shape_cast %reshape3A_1609 : vector<16x1xi32> to vector<16xi32>
      %gather3A_1611 = tpu.dynamic_gather %add3A_1608[%gather3A_1610] in [0] : vector<16xf32>, vector<16xi32> -> vector<16xf32>
      %add3A_1612 = arith.addf %add3A_1608, %gather3A_1611 : vector<16xf32>
      %reshape3A_1613 = vector.shape_cast %xor3A_28 : vector<16xi32> to vector<16x1xi32>
      %gather3A_1614 = vector.shape_cast %reshape3A_1613 : vector<16x1xi32> to vector<16xi32>
      %gather3A_1615 = tpu.dynamic_gather %add3A_1612[%gather3A_1614] in [0] : vector<16xf32>, vector<16xi32> -> vector<16xf32>
      %add3A_1616 = arith.addf %add3A_1612, %gather3A_1615 : vector<16xf32>
      %abs3A_1617 = math.absf %add3A_1616 : vector<16xf32>
      %add3A_1618 = arith.addf %sub3A_1602, %sub3A_1604 : vector<16xf32>
      %add3A_1619 = arith.addf %sub3A_1603, %sub3A_1605 : vector<16xf32>
      %add3A_1620 = arith.addf %add3A_1618, %add3A_1619 : vector<16xf32>
      %reshape3A_1621 = vector.shape_cast %xor3A_25 : vector<16xi32> to vector<16x1xi32>
      %gather3A_1622 = vector.shape_cast %reshape3A_1621 : vector<16x1xi32> to vector<16xi32>
      %gather3A_1623 = tpu.dynamic_gather %add3A_1620[%gather3A_1622] in [0] : vector<16xf32>, vector<16xi32> -> vector<16xf32>
      %add3A_1624 = arith.addf %add3A_1620, %gather3A_1623 : vector<16xf32>
      %reshape3A_1625 = vector.shape_cast %xor3A_28 : vector<16xi32> to vector<16x1xi32>
      %gather3A_1626 = vector.shape_cast %reshape3A_1625 : vector<16x1xi32> to vector<16xi32>
      %gather3A_1627 = tpu.dynamic_gather %add3A_1624[%gather3A_1626] in [0] : vector<16xf32>, vector<16xi32> -> vector<16xf32>
      %add3A_1628 = arith.addf %add3A_1624, %gather3A_1627 : vector<16xf32>
      %abs3A_1629 = math.absf %add3A_1628 : vector<16xf32>
      %mul3A_1630 = vector.broadcast %scan3A : f32 to vector<16xf32>
      %mul3A_1631 = arith.mulf %abs3A_1617, %mul3A_1630 : vector<16xf32>
      %add3A_1632 = arith.addf %select_n3A_1585, %select_n3A_1587 : vector<16xf32>
      %add3A_1633 = arith.addf %select_n3A_1586, %select_n3A_1589 : vector<16xf32>
      %add3A_1634 = arith.addf %add3A_1632, %add3A_1633 : vector<16xf32>
      %reshape3A_1635 = vector.shape_cast %xor3A_25 : vector<16xi32> to vector<16x1xi32>
      %gather3A_1636 = vector.shape_cast %reshape3A_1635 : vector<16x1xi32> to vector<16xi32>
      %gather3A_1637 = tpu.dynamic_gather %add3A_1634[%gather3A_1636] in [0] : vector<16xf32>, vector<16xi32> -> vector<16xf32>
      %add3A_1638 = arith.addf %add3A_1634, %gather3A_1637 : vector<16xf32>
      %reshape3A_1639 = vector.shape_cast %xor3A_28 : vector<16xi32> to vector<16x1xi32>
      %gather3A_1640 = vector.shape_cast %reshape3A_1639 : vector<16x1xi32> to vector<16xi32>
      %gather3A_1641 = tpu.dynamic_gather %add3A_1638[%gather3A_1640] in [0] : vector<16xf32>, vector<16xi32> -> vector<16xf32>
      %add3A_1642 = arith.addf %add3A_1638, %gather3A_1641 : vector<16xf32>
      %abs3A_1643 = math.absf %add3A_1642 : vector<16xf32>
      %mul3A_1644 = vector.broadcast %scan3A : f32 to vector<16xf32>
      %mul3A_1645 = arith.mulf %abs3A_1643, %mul3A_1644 : vector<16xf32>
      %select_n3A_1646 = arith.select %le3A_1579, %abs3A_1629, %abs3A_1617 : vector<16xi1>, vector<16xf32>
      %select_n3A_1647 = arith.select %le3A_1579, %mul3A_1631, %mul3A_1645 : vector<16xi1>, vector<16xf32>
      %le3A_1648 = arith.cmpf ole, %select_n3A_1646, %select_n3A_1647 : vector<16xf32>
      %shift_right_logical3A_1649 = arith.constant 1 : i32
      %shift_right_logical3A_1650 = vector.broadcast %shift_right_logical3A_1649 : i32 to vector<16xi32>
      %shift_right_logical3A_1651 = arith.shrui %or3A_1584, %shift_right_logical3A_1650 : vector<16xi32>
      %select_n3A_1652 = arith.select %le3A_1648, %add3A_35, %broadcast_in_dim3A_32 : vector<16xi1>, vector<16xi32>
      %or3A_1653 = arith.ori %shift_right_logical3A_1651, %select_n3A_1652 : vector<16xi32>
      %select_n3A_1654 = arith.select %le3A_1579, %sub3A_1598, %select_n3A_1585 : vector<16xi1>, vector<16xf32>
      %select_n3A_1655 = arith.select %le3A_1579, %sub3A_1599, %select_n3A_1586 : vector<16xi1>, vector<16xf32>
      %select_n3A_1656 = arith.select %le3A_1579, %sub3A_1600, %select_n3A_1587 : vector<16xi1>, vector<16xf32>
      %select_n3A_1657 = arith.select %le3A_1579, %sub3A_1601, %select_n3A_1589 : vector<16xi1>, vector<16xf32>
      %select_n3A_1658 = arith.select %eq3A_17, %gather3A_752, %select_n3A_1657 : vector<16xi1>, vector<16xf32>
      %get3A_1659 = arith.constant 896 : index
      %get3A_1660 = tpu.vector_load %arg8[%get3A_1659] {strides = array<i32>} : memref<1024xf32, #tpu.memory_space<vmem>>, vector<16xf32>,
      %get3A_1661 = arith.constant 912 : index
      %get3A_1662 = tpu.vector_load %arg8[%get3A_1661] {strides = array<i32>} : memref<1024xf32, #tpu.memory_space<vmem>>, vector<16xf32>,
      %get3A_1663 = arith.constant 928 : index
      %get3A_1664 = tpu.vector_load %arg8[%get3A_1663] {strides = array<i32>} : memref<1024xf32, #tpu.memory_space<vmem>>, vector<16xf32>,
      %get3A_1665 = arith.constant 944 : index
      %get3A_1666 = tpu.vector_load %arg8[%get3A_1665] {strides = array<i32>} : memref<1024xf32, #tpu.memory_space<vmem>>, vector<16xf32>,
      %sub3A_1667 = arith.subf %select_n3A_1654, %get3A_1660 : vector<16xf32>
      %sub3A_1668 = arith.subf %select_n3A_1655, %get3A_1662 : vector<16xf32>
      %sub3A_1669 = arith.subf %select_n3A_1656, %get3A_1664 : vector<16xf32>
      %sub3A_1670 = arith.subf %select_n3A_1658, %get3A_1666 : vector<16xf32>
      %sub3A_1671 = arith.subf %sub3A_1667, %get3A_1660 : vector<16xf32>
      %sub3A_1672 = arith.subf %sub3A_1668, %get3A_1662 : vector<16xf32>
      %sub3A_1673 = arith.subf %sub3A_1669, %get3A_1664 : vector<16xf32>
      %sub3A_1674 = arith.subf %sub3A_1670, %get3A_1666 : vector<16xf32>
      %add3A_1675 = arith.addf %sub3A_1667, %sub3A_1669 : vector<16xf32>
      %add3A_1676 = arith.addf %sub3A_1668, %sub3A_1670 : vector<16xf32>
      %add3A_1677 = arith.addf %add3A_1675, %add3A_1676 : vector<16xf32>
      %reshape3A_1678 = vector.shape_cast %xor3A_25 : vector<16xi32> to vector<16x1xi32>
      %gather3A_1679 = vector.shape_cast %reshape3A_1678 : vector<16x1xi32> to vector<16xi32>
      %gather3A_1680 = tpu.dynamic_gather %add3A_1677[%gather3A_1679] in [0] : vector<16xf32>, vector<16xi32> -> vector<16xf32>
      %add3A_1681 = arith.addf %add3A_1677, %gather3A_1680 : vector<16xf32>
      %reshape3A_1682 = vector.shape_cast %xor3A_28 : vector<16xi32> to vector<16x1xi32>
      %gather3A_1683 = vector.shape_cast %reshape3A_1682 : vector<16x1xi32> to vector<16xi32>
      %gather3A_1684 = tpu.dynamic_gather %add3A_1681[%gather3A_1683] in [0] : vector<16xf32>, vector<16xi32> -> vector<16xf32>
      %add3A_1685 = arith.addf %add3A_1681, %gather3A_1684 : vector<16xf32>
      %abs3A_1686 = math.absf %add3A_1685 : vector<16xf32>
      %add3A_1687 = arith.addf %sub3A_1671, %sub3A_1673 : vector<16xf32>
      %add3A_1688 = arith.addf %sub3A_1672, %sub3A_1674 : vector<16xf32>
      %add3A_1689 = arith.addf %add3A_1687, %add3A_1688 : vector<16xf32>
      %reshape3A_1690 = vector.shape_cast %xor3A_25 : vector<16xi32> to vector<16x1xi32>
      %gather3A_1691 = vector.shape_cast %reshape3A_1690 : vector<16x1xi32> to vector<16xi32>
      %gather3A_1692 = tpu.dynamic_gather %add3A_1689[%gather3A_1691] in [0] : vector<16xf32>, vector<16xi32> -> vector<16xf32>
      %add3A_1693 = arith.addf %add3A_1689, %gather3A_1692 : vector<16xf32>
      %reshape3A_1694 = vector.shape_cast %xor3A_28 : vector<16xi32> to vector<16x1xi32>
      %gather3A_1695 = vector.shape_cast %reshape3A_1694 : vector<16x1xi32> to vector<16xi32>
      %gather3A_1696 = tpu.dynamic_gather %add3A_1693[%gather3A_1695] in [0] : vector<16xf32>, vector<16xi32> -> vector<16xf32>
      %add3A_1697 = arith.addf %add3A_1693, %gather3A_1696 : vector<16xf32>
      %abs3A_1698 = math.absf %add3A_1697 : vector<16xf32>
      %mul3A_1699 = vector.broadcast %scan3A : f32 to vector<16xf32>
      %mul3A_1700 = arith.mulf %abs3A_1686, %mul3A_1699 : vector<16xf32>
      %add3A_1701 = arith.addf %select_n3A_1654, %select_n3A_1656 : vector<16xf32>
      %add3A_1702 = arith.addf %select_n3A_1655, %select_n3A_1658 : vector<16xf32>
      %add3A_1703 = arith.addf %add3A_1701, %add3A_1702 : vector<16xf32>
      %reshape3A_1704 = vector.shape_cast %xor3A_25 : vector<16xi32> to vector<16x1xi32>
      %gather3A_1705 = vector.shape_cast %reshape3A_1704 : vector<16x1xi32> to vector<16xi32>
      %gather3A_1706 = tpu.dynamic_gather %add3A_1703[%gather3A_1705] in [0] : vector<16xf32>, vector<16xi32> -> vector<16xf32>
      %add3A_1707 = arith.addf %add3A_1703, %gather3A_1706 : vector<16xf32>
      %reshape3A_1708 = vector.shape_cast %xor3A_28 : vector<16xi32> to vector<16x1xi32>
      %gather3A_1709 = vector.shape_cast %reshape3A_1708 : vector<16x1xi32> to vector<16xi32>
      %gather3A_1710 = tpu.dynamic_gather %add3A_1707[%gather3A_1709] in [0] : vector<16xf32>, vector<16xi32> -> vector<16xf32>
      %add3A_1711 = arith.addf %add3A_1707, %gather3A_1710 : vector<16xf32>
      %abs3A_1712 = math.absf %add3A_1711 : vector<16xf32>
      %mul3A_1713 = vector.broadcast %scan3A : f32 to vector<16xf32>
      %mul3A_1714 = arith.mulf %abs3A_1712, %mul3A_1713 : vector<16xf32>
      %select_n3A_1715 = arith.select %le3A_1648, %abs3A_1698, %abs3A_1686 : vector<16xi1>, vector<16xf32>
      %select_n3A_1716 = arith.select %le3A_1648, %mul3A_1700, %mul3A_1714 : vector<16xi1>, vector<16xf32>
      %le3A_1717 = arith.cmpf ole, %select_n3A_1715, %select_n3A_1716 : vector<16xf32>
      %shift_right_logical3A_1718 = arith.constant 1 : i32
      %shift_right_logical3A_1719 = vector.broadcast %shift_right_logical3A_1718 : i32 to vector<16xi32>
      %shift_right_logical3A_1720 = arith.shrui %or3A_1653, %shift_right_logical3A_1719 : vector<16xi32>
      %select_n3A_1721 = arith.select %le3A_1717, %add3A_35, %broadcast_in_dim3A_32 : vector<16xi1>, vector<16xi32>
      %or3A_1722 = arith.ori %shift_right_logical3A_1720, %select_n3A_1721 : vector<16xi32>
      %select_n3A_1723 = arith.select %le3A_1648, %sub3A_1667, %select_n3A_1654 : vector<16xi1>, vector<16xf32>
      %select_n3A_1724 = arith.select %le3A_1648, %sub3A_1668, %select_n3A_1655 : vector<16xi1>, vector<16xf32>
      %select_n3A_1725 = arith.select %le3A_1648, %sub3A_1669, %select_n3A_1656 : vector<16xi1>, vector<16xf32>
      %select_n3A_1726 = arith.select %le3A_1648, %sub3A_1670, %select_n3A_1658 : vector<16xi1>, vector<16xf32>
      %select_n3A_1727 = arith.select %eq3A_20, %gather3A_752, %select_n3A_1726 : vector<16xi1>, vector<16xf32>
      %get3A_1728 = arith.constant 960 : index
      %get3A_1729 = tpu.vector_load %arg8[%get3A_1728] {strides = array<i32>} : memref<1024xf32, #tpu.memory_space<vmem>>, vector<16xf32>,
      %get3A_1730 = arith.constant 976 : index
      %get3A_1731 = tpu.vector_load %arg8[%get3A_1730] {strides = array<i32>} : memref<1024xf32, #tpu.memory_space<vmem>>, vector<16xf32>,
      %get3A_1732 = arith.constant 992 : index
      %get3A_1733 = tpu.vector_load %arg8[%get3A_1732] {strides = array<i32>} : memref<1024xf32, #tpu.memory_space<vmem>>, vector<16xf32>,
      %get3A_1734 = arith.constant 1008 : index
      %get3A_1735 = tpu.vector_load %arg8[%get3A_1734] {strides = array<i32>} : memref<1024xf32, #tpu.memory_space<vmem>>, vector<16xf32>,
      %sub3A_1736 = arith.subf %select_n3A_1723, %get3A_1729 : vector<16xf32>
      %sub3A_1737 = arith.subf %select_n3A_1724, %get3A_1731 : vector<16xf32>
      %sub3A_1738 = arith.subf %select_n3A_1725, %get3A_1733 : vector<16xf32>
      %sub3A_1739 = arith.subf %select_n3A_1727, %get3A_1735 : vector<16xf32>
      %sub3A_1740 = arith.subf %sub3A_1736, %get3A_1729 : vector<16xf32>
      %sub3A_1741 = arith.subf %sub3A_1737, %get3A_1731 : vector<16xf32>
      %sub3A_1742 = arith.subf %sub3A_1738, %get3A_1733 : vector<16xf32>
      %sub3A_1743 = arith.subf %sub3A_1739, %get3A_1735 : vector<16xf32>
      %add3A_1744 = arith.addf %sub3A_1736, %sub3A_1738 : vector<16xf32>
      %add3A_1745 = arith.addf %sub3A_1737, %sub3A_1739 : vector<16xf32>
      %add3A_1746 = arith.addf %add3A_1744, %add3A_1745 : vector<16xf32>
      %reshape3A_1747 = vector.shape_cast %xor3A_25 : vector<16xi32> to vector<16x1xi32>
      %gather3A_1748 = vector.shape_cast %reshape3A_1747 : vector<16x1xi32> to vector<16xi32>
      %gather3A_1749 = tpu.dynamic_gather %add3A_1746[%gather3A_1748] in [0] : vector<16xf32>, vector<16xi32> -> vector<16xf32>
      %add3A_1750 = arith.addf %add3A_1746, %gather3A_1749 : vector<16xf32>
      %reshape3A_1751 = vector.shape_cast %xor3A_28 : vector<16xi32> to vector<16x1xi32>
      %gather3A_1752 = vector.shape_cast %reshape3A_1751 : vector<16x1xi32> to vector<16xi32>
      %gather3A_1753 = tpu.dynamic_gather %add3A_1750[%gather3A_1752] in [0] : vector<16xf32>, vector<16xi32> -> vector<16xf32>
      %add3A_1754 = arith.addf %add3A_1750, %gather3A_1753 : vector<16xf32>
      %abs3A_1755 = math.absf %add3A_1754 : vector<16xf32>
      %add3A_1756 = arith.addf %sub3A_1740, %sub3A_1742 : vector<16xf32>
      %add3A_1757 = arith.addf %sub3A_1741, %sub3A_1743 : vector<16xf32>
      %add3A_1758 = arith.addf %add3A_1756, %add3A_1757 : vector<16xf32>
      %reshape3A_1759 = vector.shape_cast %xor3A_25 : vector<16xi32> to vector<16x1xi32>
      %gather3A_1760 = vector.shape_cast %reshape3A_1759 : vector<16x1xi32> to vector<16xi32>
      %gather3A_1761 = tpu.dynamic_gather %add3A_1758[%gather3A_1760] in [0] : vector<16xf32>, vector<16xi32> -> vector<16xf32>
      %add3A_1762 = arith.addf %add3A_1758, %gather3A_1761 : vector<16xf32>
      %reshape3A_1763 = vector.shape_cast %xor3A_28 : vector<16xi32> to vector<16x1xi32>
      %gather3A_1764 = vector.shape_cast %reshape3A_1763 : vector<16x1xi32> to vector<16xi32>
      %gather3A_1765 = tpu.dynamic_gather %add3A_1762[%gather3A_1764] in [0] : vector<16xf32>, vector<16xi32> -> vector<16xf32>
      %add3A_1766 = arith.addf %add3A_1762, %gather3A_1765 : vector<16xf32>
      %abs3A_1767 = math.absf %add3A_1766 : vector<16xf32>
      %mul3A_1768 = vector.broadcast %scan3A : f32 to vector<16xf32>
      %mul3A_1769 = arith.mulf %abs3A_1755, %mul3A_1768 : vector<16xf32>
      %add3A_1770 = arith.addf %select_n3A_1723, %select_n3A_1725 : vector<16xf32>
      %add3A_1771 = arith.addf %select_n3A_1724, %select_n3A_1727 : vector<16xf32>
      %add3A_1772 = arith.addf %add3A_1770, %add3A_1771 : vector<16xf32>
      %reshape3A_1773 = vector.shape_cast %xor3A_25 : vector<16xi32> to vector<16x1xi32>
      %gather3A_1774 = vector.shape_cast %reshape3A_1773 : vector<16x1xi32> to vector<16xi32>
      %gather3A_1775 = tpu.dynamic_gather %add3A_1772[%gather3A_1774] in [0] : vector<16xf32>, vector<16xi32> -> vector<16xf32>
      %add3A_1776 = arith.addf %add3A_1772, %gather3A_1775 : vector<16xf32>
      %reshape3A_1777 = vector.shape_cast %xor3A_28 : vector<16xi32> to vector<16x1xi32>
      %gather3A_1778 = vector.shape_cast %reshape3A_1777 : vector<16x1xi32> to vector<16xi32>
      %gather3A_1779 = tpu.dynamic_gather %add3A_1776[%gather3A_1778] in [0] : vector<16xf32>, vector<16xi32> -> vector<16xf32>
      %add3A_1780 = arith.addf %add3A_1776, %gather3A_1779 : vector<16xf32>
      %abs3A_1781 = math.absf %add3A_1780 : vector<16xf32>
      %mul3A_1782 = vector.broadcast %scan3A : f32 to vector<16xf32>
      %mul3A_1783 = arith.mulf %abs3A_1781, %mul3A_1782 : vector<16xf32>
      %select_n3A_1784 = arith.select %le3A_1717, %abs3A_1767, %abs3A_1755 : vector<16xi1>, vector<16xf32>
      %select_n3A_1785 = arith.select %le3A_1717, %mul3A_1769, %mul3A_1783 : vector<16xi1>, vector<16xf32>
      %le3A_1786 = arith.cmpf ole, %select_n3A_1784, %select_n3A_1785 : vector<16xf32>
      %shift_right_logical3A_1787 = arith.constant 1 : i32
      %shift_right_logical3A_1788 = vector.broadcast %shift_right_logical3A_1787 : i32 to vector<16xi32>
      %shift_right_logical3A_1789 = arith.shrui %or3A_1722, %shift_right_logical3A_1788 : vector<16xi32>
      %select_n3A_1790 = arith.select %le3A_1786, %add3A_35, %broadcast_in_dim3A_32 : vector<16xi1>, vector<16xi32>
      %or3A_1791 = arith.ori %shift_right_logical3A_1789, %select_n3A_1790 : vector<16xi32>
      %select_n3A_1792 = arith.select %le3A_1717, %sub3A_1736, %select_n3A_1723 : vector<16xi1>, vector<16xf32>
      %select_n3A_1793 = arith.select %le3A_1717, %sub3A_1737, %select_n3A_1724 : vector<16xi1>, vector<16xf32>
      %select_n3A_1794 = arith.select %le3A_1717, %sub3A_1738, %select_n3A_1725 : vector<16xi1>, vector<16xf32>
      %select_n3A_1795 = arith.select %le3A_1717, %sub3A_1739, %select_n3A_1727 : vector<16xi1>, vector<16xf32>
      %select_n3A_1796 = arith.select %eq3A_23, %gather3A_752, %select_n3A_1795 : vector<16xi1>, vector<16xf32>
      %get3A_1797 = arith.constant 0 : index
      %get3A_1798 = tpu.vector_load %arg8[%get3A_1797] {strides = array<i32>} : memref<1024xf32, #tpu.memory_space<vmem>>, vector<16xf32>,
      %get3A_1799 = arith.constant 16 : index
      %get3A_1800 = tpu.vector_load %arg8[%get3A_1799] {strides = array<i32>} : memref<1024xf32, #tpu.memory_space<vmem>>, vector<16xf32>,
      %get3A_1801 = arith.constant 32 : index
      %get3A_1802 = tpu.vector_load %arg8[%get3A_1801] {strides = array<i32>} : memref<1024xf32, #tpu.memory_space<vmem>>, vector<16xf32>,
      %get3A_1803 = arith.constant 48 : index
      %get3A_1804 = tpu.vector_load %arg8[%get3A_1803] {strides = array<i32>} : memref<1024xf32, #tpu.memory_space<vmem>>, vector<16xf32>,
      %sub3A_1805 = arith.subf %select_n3A_1792, %get3A_1798 : vector<16xf32>
      %sub3A_1806 = arith.subf %select_n3A_1793, %get3A_1800 : vector<16xf32>
      %sub3A_1807 = arith.subf %select_n3A_1794, %get3A_1802 : vector<16xf32>
      %sub3A_1808 = arith.subf %select_n3A_1796, %get3A_1804 : vector<16xf32>
      %sub3A_1809 = arith.subf %sub3A_1805, %get3A_1798 : vector<16xf32>
      %sub3A_1810 = arith.subf %sub3A_1806, %get3A_1800 : vector<16xf32>
      %sub3A_1811 = arith.subf %sub3A_1807, %get3A_1802 : vector<16xf32>
      %sub3A_1812 = arith.subf %sub3A_1808, %get3A_1804 : vector<16xf32>
      %add3A_1813 = arith.addf %sub3A_1805, %sub3A_1807 : vector<16xf32>
      %add3A_1814 = arith.addf %sub3A_1806, %sub3A_1808 : vector<16xf32>
      %add3A_1815 = arith.addf %add3A_1813, %add3A_1814 : vector<16xf32>
      %reshape3A_1816 = vector.shape_cast %xor3A_25 : vector<16xi32> to vector<16x1xi32>
      %gather3A_1817 = vector.shape_cast %reshape3A_1816 : vector<16x1xi32> to vector<16xi32>
      %gather3A_1818 = tpu.dynamic_gather %add3A_1815[%gather3A_1817] in [0] : vector<16xf32>, vector<16xi32> -> vector<16xf32>
      %add3A_1819 = arith.addf %add3A_1815, %gather3A_1818 : vector<16xf32>
      %reshape3A_1820 = vector.shape_cast %xor3A_28 : vector<16xi32> to vector<16x1xi32>
      %gather3A_1821 = vector.shape_cast %reshape3A_1820 : vector<16x1xi32> to vector<16xi32>
      %gather3A_1822 = tpu.dynamic_gather %add3A_1819[%gather3A_1821] in [0] : vector<16xf32>, vector<16xi32> -> vector<16xf32>
      %add3A_1823 = arith.addf %add3A_1819, %gather3A_1822 : vector<16xf32>
      %abs3A_1824 = math.absf %add3A_1823 : vector<16xf32>
      %add3A_1825 = arith.addf %sub3A_1809, %sub3A_1811 : vector<16xf32>
      %add3A_1826 = arith.addf %sub3A_1810, %sub3A_1812 : vector<16xf32>
      %add3A_1827 = arith.addf %add3A_1825, %add3A_1826 : vector<16xf32>
      %reshape3A_1828 = vector.shape_cast %xor3A_25 : vector<16xi32> to vector<16x1xi32>
      %gather3A_1829 = vector.shape_cast %reshape3A_1828 : vector<16x1xi32> to vector<16xi32>
      %gather3A_1830 = tpu.dynamic_gather %add3A_1827[%gather3A_1829] in [0] : vector<16xf32>, vector<16xi32> -> vector<16xf32>
      %add3A_1831 = arith.addf %add3A_1827, %gather3A_1830 : vector<16xf32>
      %reshape3A_1832 = vector.shape_cast %xor3A_28 : vector<16xi32> to vector<16x1xi32>
      %gather3A_1833 = vector.shape_cast %reshape3A_1832 : vector<16x1xi32> to vector<16xi32>
      %gather3A_1834 = tpu.dynamic_gather %add3A_1831[%gather3A_1833] in [0] : vector<16xf32>, vector<16xi32> -> vector<16xf32>
      %add3A_1835 = arith.addf %add3A_1831, %gather3A_1834 : vector<16xf32>
      %abs3A_1836 = math.absf %add3A_1835 : vector<16xf32>
      %mul3A_1837 = vector.broadcast %scan3A : f32 to vector<16xf32>
      %mul3A_1838 = arith.mulf %abs3A_1824, %mul3A_1837 : vector<16xf32>
      %add3A_1839 = arith.addf %select_n3A_1792, %select_n3A_1794 : vector<16xf32>
      %add3A_1840 = arith.addf %select_n3A_1793, %select_n3A_1796 : vector<16xf32>
      %add3A_1841 = arith.addf %add3A_1839, %add3A_1840 : vector<16xf32>
      %reshape3A_1842 = vector.shape_cast %xor3A_25 : vector<16xi32> to vector<16x1xi32>
      %gather3A_1843 = vector.shape_cast %reshape3A_1842 : vector<16x1xi32> to vector<16xi32>
      %gather3A_1844 = tpu.dynamic_gather %add3A_1841[%gather3A_1843] in [0] : vector<16xf32>, vector<16xi32> -> vector<16xf32>
      %add3A_1845 = arith.addf %add3A_1841, %gather3A_1844 : vector<16xf32>
      %reshape3A_1846 = vector.shape_cast %xor3A_28 : vector<16xi32> to vector<16x1xi32>
      %gather3A_1847 = vector.shape_cast %reshape3A_1846 : vector<16x1xi32> to vector<16xi32>
      %gather3A_1848 = tpu.dynamic_gather %add3A_1845[%gather3A_1847] in [0] : vector<16xf32>, vector<16xi32> -> vector<16xf32>
      %add3A_1849 = arith.addf %add3A_1845, %gather3A_1848 : vector<16xf32>
      %abs3A_1850 = math.absf %add3A_1849 : vector<16xf32>
      %mul3A_1851 = vector.broadcast %scan3A : f32 to vector<16xf32>
      %mul3A_1852 = arith.mulf %abs3A_1850, %mul3A_1851 : vector<16xf32>
      %reshape3A_1853 = vector.shape_cast %add3A_38 : vector<16xi32> to vector<16x1xi32>
      %gather3A_1854 = vector.shape_cast %reshape3A_1853 : vector<16x1xi32> to vector<16xi32>
      %gather3A_1855 = tpu.dynamic_gather %or3A_1791[%gather3A_1854] in [0] : vector<16xi32>, vector<16xi32> -> vector<16xi32>
      %and3A_1856 = arith.andi %gather3A_1855, %shift_left3A_30 : vector<16xi32>
      %ne3A = arith.cmpi ne, %and3A_1856, %broadcast_in_dim3A_32 : vector<16xi32>
      %select_n3A_1857 = arith.select %ne3A, %broadcast_in_dim3A_10, %broadcast_in_dim3A_12 : vector<16xi1>, vector<16xf32>
      %add3A_1858 = arith.constant 0 : i32
      %add3A_1859 = arith.addi %add3A_1858, %mul3A_731 : i32
      %swap3A_1860 = arith.index_cast %add3A_1859 : i32 to index
      %swap3A_1861 = tpu.vector_load %arg6[%swap3A_1860] {strides = array<i32>} : memref<8192xf32, #tpu.memory_space<vmem>>, vector<16xf32>,
      tpu.vector_store %arg6[%swap3A_1860], %select_n3A_1857 {strides = array<i32>} : memref<8192xf32, #tpu.memory_space<vmem>>, vector<16xf32>,
      %reshape3A_1862 = vector.shape_cast %add3A_41 : vector<16xi32> to vector<16x1xi32>
      %gather3A_1863 = vector.shape_cast %reshape3A_1862 : vector<16x1xi32> to vector<16xi32>
      %gather3A_1864 = tpu.dynamic_gather %or3A_1791[%gather3A_1863] in [0] : vector<16xi32>, vector<16xi32> -> vector<16xi32>
      %and3A_1865 = arith.andi %gather3A_1864, %shift_left3A_30 : vector<16xi32>
      %ne3A_1866 = arith.cmpi ne, %and3A_1865, %broadcast_in_dim3A_32 : vector<16xi32>
      %select_n3A_1867 = arith.select %ne3A_1866, %broadcast_in_dim3A_10, %broadcast_in_dim3A_12 : vector<16xi1>, vector<16xf32>
      %add3A_1868 = arith.constant 2048 : i32
      %add3A_1869 = arith.addi %add3A_1868, %mul3A_731 : i32
      %swap3A_1870 = arith.index_cast %add3A_1869 : i32 to index
      %swap3A_1871 = tpu.vector_load %arg6[%swap3A_1870] {strides = array<i32>} : memref<8192xf32, #tpu.memory_space<vmem>>, vector<16xf32>,
      tpu.vector_store %arg6[%swap3A_1870], %select_n3A_1867 {strides = array<i32>} : memref<8192xf32, #tpu.memory_space<vmem>>, vector<16xf32>,
      %reshape3A_1872 = vector.shape_cast %add3A_44 : vector<16xi32> to vector<16x1xi32>
      %gather3A_1873 = vector.shape_cast %reshape3A_1872 : vector<16x1xi32> to vector<16xi32>
      %gather3A_1874 = tpu.dynamic_gather %or3A_1791[%gather3A_1873] in [0] : vector<16xi32>, vector<16xi32> -> vector<16xi32>
      %and3A_1875 = arith.andi %gather3A_1874, %shift_left3A_30 : vector<16xi32>
      %ne3A_1876 = arith.cmpi ne, %and3A_1875, %broadcast_in_dim3A_32 : vector<16xi32>
      %select_n3A_1877 = arith.select %ne3A_1876, %broadcast_in_dim3A_10, %broadcast_in_dim3A_12 : vector<16xi1>, vector<16xf32>
      %add3A_1878 = arith.constant 4096 : i32
      %add3A_1879 = arith.addi %add3A_1878, %mul3A_731 : i32
      %swap3A_1880 = arith.index_cast %add3A_1879 : i32 to index
      %swap3A_1881 = tpu.vector_load %arg6[%swap3A_1880] {strides = array<i32>} : memref<8192xf32, #tpu.memory_space<vmem>>, vector<16xf32>,
      tpu.vector_store %arg6[%swap3A_1880], %select_n3A_1877 {strides = array<i32>} : memref<8192xf32, #tpu.memory_space<vmem>>, vector<16xf32>,
      %reshape3A_1882 = vector.shape_cast %add3A_47 : vector<16xi32> to vector<16x1xi32>
      %gather3A_1883 = vector.shape_cast %reshape3A_1882 : vector<16x1xi32> to vector<16xi32>
      %gather3A_1884 = tpu.dynamic_gather %or3A_1791[%gather3A_1883] in [0] : vector<16xi32>, vector<16xi32> -> vector<16xi32>
      %and3A_1885 = arith.andi %gather3A_1884, %shift_left3A_30 : vector<16xi32>
      %ne3A_1886 = arith.cmpi ne, %and3A_1885, %broadcast_in_dim3A_32 : vector<16xi32>
      %select_n3A_1887 = arith.select %ne3A_1886, %broadcast_in_dim3A_10, %broadcast_in_dim3A_12 : vector<16xi1>, vector<16xf32>
      %add3A_1888 = arith.constant 6144 : i32
      %add3A_1889 = arith.addi %add3A_1888, %mul3A_731 : i32
      %swap3A_1890 = arith.index_cast %add3A_1889 : i32 to index
      %swap3A_1891 = tpu.vector_load %arg6[%swap3A_1890] {strides = array<i32>} : memref<8192xf32, #tpu.memory_space<vmem>>, vector<16xf32>,
      tpu.vector_store %arg6[%swap3A_1890], %select_n3A_1887 {strides = array<i32>} : memref<8192xf32, #tpu.memory_space<vmem>>, vector<16xf32>,
      scf.yield %select_n3A_1792, %select_n3A_1793, %select_n3A_1794, %select_n3A_1796, %sub3A_1805, %sub3A_1806, %sub3A_1807, %sub3A_1808, %sub3A_1809, %sub3A_1810, %sub3A_1811, %sub3A_1812, %abs3A_1824, %abs3A_1836, %mul3A_1838, %mul3A_1852, %le3A_1786 : vector<16xf32>, vector<16xf32>, vector<16xf32>, vector<16xf32>, vector<16xf32>, vector<16xf32>, vector<16xf32>, vector<16xf32>, vector<16xf32>, vector<16xf32>, vector<16xf32>, vector<16xf32>, vector<16xf32>, vector<16xf32>, vector<16xf32>, vector<16xf32>, vector<16xi1>
    }
    %scan3A_703 = arith.constant 127 : i32
    %swap3A_704 = arith.constant 2032 : index
    %swap3A_705 = tpu.vector_load %arg6[%swap3A_704] {strides = array<i32>} : memref<8192xf32, #tpu.memory_space<vmem>>, vector<16xf32>,
    tpu.vector_store %arg6[%swap3A_704], %broadcast_in_dim3A_12 {strides = array<i32>} : memref<8192xf32, #tpu.memory_space<vmem>>, vector<16xf32>,
    %swap3A_706 = arith.constant 4080 : index
    %swap3A_707 = tpu.vector_load %arg6[%swap3A_706] {strides = array<i32>} : memref<8192xf32, #tpu.memory_space<vmem>>, vector<16xf32>,
    tpu.vector_store %arg6[%swap3A_706], %broadcast_in_dim3A_12 {strides = array<i32>} : memref<8192xf32, #tpu.memory_space<vmem>>, vector<16xf32>,
    %swap3A_708 = arith.constant 6128 : index
    %swap3A_709 = tpu.vector_load %arg6[%swap3A_708] {strides = array<i32>} : memref<8192xf32, #tpu.memory_space<vmem>>, vector<16xf32>,
    tpu.vector_store %arg6[%swap3A_708], %broadcast_in_dim3A_12 {strides = array<i32>} : memref<8192xf32, #tpu.memory_space<vmem>>, vector<16xf32>,
    %swap3A_710 = arith.constant 8176 : index
    %swap3A_711 = tpu.vector_load %arg6[%swap3A_710] {strides = array<i32>} : memref<8192xf32, #tpu.memory_space<vmem>>, vector<16xf32>,
    tpu.vector_store %arg6[%swap3A_710], %broadcast_in_dim3A_12 {strides = array<i32>} : memref<8192xf32, #tpu.memory_space<vmem>>, vector<16xf32>,
    "tpu.region"() ({
      %run_scoped3A = tpu.sem_alloc : memref<!tpu.dma_semaphore, #tpu.memory_space<semaphore_mem>>
      %dma_start3A = tpu.memref_slice %arg4[%mul3A_2] : memref<262144xf32, #tpu.memory_space<hbm>> -> memref<8192xf32, #tpu.memory_space<hbm>>
      %dma_start3A_712 = tpu.memref_slice %arg4[%mul3A_2] : memref<262144xf32, #tpu.memory_space<hbm>> -> memref<8192xf32, #tpu.memory_space<hbm>>
      tpu.enqueue_dma source(%arg6 : memref<8192xf32, #tpu.memory_space<vmem>>) target(%dma_start3A_712 : memref<8192xf32, #tpu.memory_space<hbm>>) target_semaphore(%run_scoped3A : memref<!tpu.dma_semaphore, #tpu.memory_space<semaphore_mem>>)
      %dma_wait3A = tpu.memref_slice %arg4[%mul3A_2] : memref<262144xf32, #tpu.memory_space<hbm>> -> memref<8192xf32, #tpu.memory_space<hbm>>
      %dma_wait3A_713 = tpu.memref_slice %arg4[%mul3A_2] : memref<262144xf32, #tpu.memory_space<hbm>> -> memref<8192xf32, #tpu.memory_space<hbm>>
      tpu.wait_dma2 semaphore(%run_scoped3A : memref<!tpu.dma_semaphore, #tpu.memory_space<semaphore_mem>>) src(%arg6 : memref<8192xf32, #tpu.memory_space<vmem>>) dst(%dma_wait3A_713 : memref<8192xf32, #tpu.memory_space<hbm>>)
      tpu.yield
    }) : () -> ()
    return
  }
}

</mosaic_0001>

<sc_bundles>
// kernel: kernel.3.cloned.1.call-start
scs
__scs_entry_jumppad:
0x0: {  	(pc) =	sbr.rel $0x88, $3  }
0x1: {  	(tag) =	ssettag $0x0;
	lr =	simm.s32 $0x1  }
0x2: {  	[smem:$0x3F9F] =	sst lr;
	_ =	strace $0xD0000000  }
0x3: {  	_ = 	snop  }
0x4: {  	_ = 	snop  }
0x5: {  	_ = 	snop  }
0x6: {  	_ = 	snop  }
0x7: {  	_ = 	snop  }
__scs_overlays_trampoline_lowered:
0x8: {  	[smem:$0x3FAE] =	sst s0  }
0x9: {  	[smem:$0x3FAF] =	sst s1  }
0xa: {  	[smem:$0x3FB0] =	sst s2  }
0xb: {  	[smem:$0x3FB1] =	sst s3  }
0xc: {  	[smem:$0x3FB2] =	sst s4  }
0xd: {  	[smem:$0x3FB3] =	sst s5  }
0xe: {  	[smem:$0x3FB4] =	sst s6  }
0xf: {  	[smem:$0x3FB5] =	sst s7  }
0x10: {  	[smem:$0x3FB6] =	sst s8  }
0x11: {  	[smem:$0x3FB7] =	sst s9;
	s0 =	simm.s32 @!p0 $0x0  }
0x12: {  	s1 =	sld [smem:$0x3F9D];
	s0 =	simm.s32 @p0 $0x1  }
0x13: {  	[smem:$0x3FB8] =	sst s0;
	s0 =	simm.s32 @!p1 $0x0  }
0x14: {  	s2 =	sld [smem:$0x3F9C];
	s0 =	simm.s32 @p1 $0x1  }
0x15: {  	[smem:$0x3FB9] =	sst s0;
	s0 =	simm.s32 @!p2 $0x0  }
0x16: {  	s3 =	sld [smem:$0x3FDB];
	s0 =	simm.s32 @p2 $0x1  }
0x17: {  	s4 =	simm.s32 $0x1BF5;
	[smem:$0x3FBB] =	sst s0  }
0x18: {  	s0 =	sld [smem:$0x3F9E];
	_ =	swait.ge [sflag:s4], $0x0  }
0x19: {  	s7 =	sld [smem:$0x3F9F]  }
0x1a: {  	s8 =	sadd.s32 $0xFFFFE003, lr  }
0x1b: {  	s9 =	sadd.s32 $0xFFFFFEF7, lr;
	s5 =	simm.s32 $0xFFFFFFFF;
	p2 =	slt.u32 s8, $0xFFFFF086  }
0x1c: {  	p1 =	slt.u32 s9, $0xF7A;
	s5 =	simm.s32 @!p2 $0x0  }
0x1d: {  	s5 =	simm.s32 @p1 $0x1;
	p0 =	seq.s32 s7, s2  }
0x1e: {  	s7 =	smul.u32 @!p0 $0xF7A, s2;
	p2 =	seq.s32 @!p0 s5, $0x0  }
0x1f: {  	s9 =	smul.u32 $0xF7A, s1;
	s8 =	simm.s32 @!p0 $0x1BF5;
	p2 =	por !p2, p0  }
0x20: {  	[sflag:s8] =	ssyncset.s32 @!p0 $0xFFFFF086;
	s6 =	sadd.s32 @!p0 s3, s7;
	s7 =	simm.s32 @!p0 $0x108  }
0x21: {  	s3 =	sadd.s32 s3, s9;
	s6 =	sadd.s32 @!p0 $0x88, s6;
	s7 =	simm.s32 @p2 $0x1082  }
0x22: {  	[simem:s7], [sflag:s8] =	dma.local @!p0 [hbm:s6], $0xF7A  }
0x23: {  	s9 =	sor.u32 $0xD0000000, s2;
	s6 =	simm.s32 $0x108;
	_ =	swait.ge @!p0 [sflag:s8], $0x0  }
0x24: {  	s3 =	sadd.s32 $0x88, s3;
	s6 =	simm.s32 @!p1 $0x1082;
	[sflag:s4] =	ssyncset.s32 $0xFFFFF086  }
0x25: {  	[simem:s6], [sflag:s4] =	dma.local [hbm:s3], $0xF7A  }
0x26: {  	[smem:$0x3F9F] =	sst s1;
	(tag) =	ssettag s2;
	_ =	strace s9  }
0x27: {  	s1 =	sld [smem:$0x3FAF]  }
0x28: {  	s2 =	sld [smem:$0x3FB0]  }
0x29: {  	s4 =	sld [smem:$0x3FB2]  }
0x2a: {  	p0 =	seq.s32 s5, $0x0;
	s5 =	sld [smem:$0x3FB3]  }
0x2b: {  	s6 =	sld [smem:$0x3FB4]  }
0x2c: {  	s7 =	sld [smem:$0x3FB5]  }
0x2d: {  	s3 =	simm.s32 $0x108;
	s8 =	sld [smem:$0x3FB6]  }
0x2e: {  	s3 =	simm.s32 @!p0 $0x1082;
	s9 =	sld [smem:$0x3FB7]  }
0x2f: {  	lr =	sadd.s32 s0, s3;
	s0 =	sld [smem:$0x3FAE]  }
0x30: {  	s3 =	sld [smem:$0x3FB1]  }
0x31: {  	[smem:$0x3FBA] =	sst s10  }
0x32: {  	s10 =	sld [smem:$0x3FB8];
	_ =	sdelay $0x3  }
0x33: {  	p0 =	seq.s32 s10, $0x1;
	s10 =	sld [smem:$0x3FBA];
	_ =	sdelay $0x3  }
0x34: {  	[smem:$0x3FBA] =	sst s10  }
0x35: {  	s10 =	sld [smem:$0x3FB9];
	_ =	sdelay $0x3  }
0x36: {  	p1 =	seq.s32 s10, $0x1;
	s10 =	sld [smem:$0x3FBA];
	_ =	sdelay $0x3  }
0x37: {  	[smem:$0x3FBA] =	sst s10  }
0x38: {  	s10 =	sld [smem:$0x3FBB]  }
0x39: {  	_ = 	snop;
	(pc) =	sbr.ind lr, $3  }
0x3a: {  	_ = 	snop  }
0x3b: {  	_ = 	snop  }
0x3c: {  	p2 =	seq.s32 s10, $0x1;
	s10 =	sld [smem:$0x3FBA]  }
0x3d: {  	_ =	shalt  }
0x3e: {  	_ =	shalt  }
0x3f: {  	_ =	shalt  }
0x40: {  	_ =	shalt  }
0x41: {  	_ =	shalt  }
0x42: {  	_ =	shalt  }
0x43: {  	_ =	shalt  }
0x44: {  	_ =	shalt  }
0x45: {  	_ =	shalt  }
0x46: {  	_ =	shalt  }
0x47: {  	_ =	shalt  }
0x48: {  	_ =	shalt  }
0x49: {  	_ =	shalt  }
0x4a: {  	_ =	shalt  }
0x4b: {  	_ =	shalt  }
0x4c: {  	_ =	shalt  }
0x4d: {  	_ =	shalt  }
0x4e: {  	_ =	shalt  }
0x4f: {  	_ =	shalt  }
0x50: {  	_ =	shalt  }
0x51: {  	_ =	shalt  }
0x52: {  	_ =	shalt  }
0x53: {  	_ =	shalt  }
0x54: {  	_ =	shalt  }
0x55: {  	_ =	shalt  }
0x56: {  	_ =	shalt  }
0x57: {  	_ =	shalt  }
0x58: {  	_ =	shalt  }
0x59: {  	_ =	shalt  }
0x5a: {  	_ =	shalt  }
0x5b: {  	_ =	shalt  }
0x5c: {  	_ =	shalt  }
0x5d: {  	_ =	shalt  }
0x5e: {  	_ =	shalt  }
0x5f: {  	_ =	shalt  }
0x60: {  	_ =	shalt  }
0x61: {  	_ =	shalt  }
0x62: {  	_ =	shalt  }
0x63: {  	_ =	shalt  }
0x64: {  	_ =	shalt  }
0x65: {  	_ =	shalt  }
0x66: {  	_ =	shalt  }
0x67: {  	_ =	shalt  }
0x68: {  	_ =	shalt  }
0x69: {  	_ =	shalt  }
0x6a: {  	_ =	shalt  }
0x6b: {  	_ =	shalt  }
0x6c: {  	_ =	shalt  }
0x6d: {  	_ =	shalt  }
0x6e: {  	_ =	shalt  }
0x6f: {  	_ =	shalt  }
0x70: {  	_ =	shalt  }
0x71: {  	_ =	shalt  }
0x72: {  	_ =	shalt  }
0x73: {  	_ =	shalt  }
0x74: {  	_ =	shalt  }
0x75: {  	_ =	shalt  }
0x76: {  	_ =	shalt  }
0x77: {  	_ =	shalt  }
0x78: {  	_ =	shalt  }
0x79: {  	_ =	shalt  }
0x7a: {  	_ =	shalt  }
0x7b: {  	_ =	shalt  }
0x7c: {  	_ =	shalt  }
0x7d: {  	_ =	shalt  }
0x7e: {  	_ =	shalt  }
0x7f: {  	_ =	shalt  }
0x80: {  	_ =	shalt  }
0x81: {  	_ =	shalt  }
0x82: {  	_ =	shalt  }
0x83: {  	_ =	shalt  }
0x84: {  	_ =	shalt  }
0x85: {  	_ =	shalt  }
0x86: {  	_ =	shalt  }
0x87: {  	_ =	shalt  }
.Lfunc_end0:
.L_simem_size_0:
called_computation_lowered:
.L_overlay_start_0:
0x88: {  	s2 =	sld [smem:$0x3FD9]  }
0x89: {  	s3 =	sld [smem:$0x3FFE];
	_ =	sdelay $0x1  }
0x8a: {  	s1 =	srdreg.scid  }
0x8b: {  	s0 =	sand.u32 $0x1, s1  }
0x8c: {  	s17 =	sshll.u32 s0, $0xA;
	s2 =	sadd.s32 s3, s2  }
0x8d: {  	s2 =	sadd.s32 s2, s17  }
0x8e: {  	[smem:$0x3FC6] =	sst s2  }
0x8f: {  	_ = 	snop  }
0x90: {  	s2 =	sld [smem:$0x3FC8]  }
0x91: {  	s18 =	sld [smem:$0x3FD0];
	(tm) =	ssettm $0x1  }
0x92: {  	s4 =	sld [smem:$0x3FFB];
	_ =	sdelay $0x3  }
0x93: {  	_ =	strace s4  }
0x94: {  	s4 =	sld [smem:$0x3FFC];
	_ =	sdelay $0x3  }
0x95: {  	_ =	strace s4  }
0x96: {  	s4 =	sld [smem:$0x3FFD];
	_ =	sdelay $0x3  }
0x97: {  	_ =	strace s4  }
0x98: {  	_ =	strace $0x8FFFFFFF  }
0x99: {  	s19 =	sld [smem:$0x3FDB];
	_ =	sdelay $0x1  }
0x9a: {  	s5 =	simm.s32 $_scs_section_size  }
0x9b: {  	s6 =	simm.s32 $_size__tile_overlayer_lowered;
	s7 =	simm.s32 $_tile_overlayer_lowered  }
0x9c: {  	s22 =	simm.s32 $0x1BFF;
	s21 =	sshll.u32 s7, $0x1;
	s4 =	sadd.s32 s5, s19  }
0x9d: {  	s8 =	simm.s32 $0x0;
	s20 =	sshll.u32 s6, $0x1;
	s6 =	sadd.s32 s21, s4  }
0x9e: {  	[timem:s8], [sflag:s22] =	dma.local [hbm:s6], s20  }
0x9f: {  	_ =	swait.ge [sflag:s22], s20  }
0xa0: {  	s5 =	ssub.s32 $0x0, s20;
	[sflag:s22] =	ssyncset.done $0x0  }
0xa1: {  	[sflag:s22] =	ssyncadd.s32 s5;
	_ =	sdelay $0x1  }
0xa2: {  	s23 =	simm.s32 $0x1B8B  }
0xa3: {  	_ =	swait.ge [sflag:s23], $0x1  }
0xa4: {  	[sflag:s23] =	ssyncset.done $0x0  }
0xa5: {  	s25 =	simm.s32 $0x1B8E;
	s24 =	sld [smem:$0x3FFE];
	[sflag:s23] =	ssyncadd.s32 $0xFFFFFFFF  }
0xa6: {  	s26 =	simm.s32 $execute0_lowered;
	[smem:$0x3FD2] =	sst s25  }
0xa7: {  	s6 =	sshll.u32 s26, $0x1;
	_ =	strace $0x80000046;
	[dreg:$0x1] =	wrdreg $0xFFFFFFFF  }
0xa8: {  	s28 =	simm.s32 $_size_execute0_lowered;
	s4 =	sadd.s32 s4, s6;
	[dreg:$0x0] =	wrdreg $0x0  }
0xa9: {  	s6 =	sshll.u32 s28, $0x1;
	[dreg:$0x2] =	wrdreg s4  }
0xaa: {  	[dreg:$0x3] =	wrdreg s6  }
0xab: {  	[dreg:$0x4] =	wrdreg $0xC0  }
0xac: {  	_ =	task [dreg:s8], $0x5FFFF  }
0xad: {  	[dreg:$0x1] =	wrdreg $0xFFFFFFFF  }
0xae: {  	[dreg:$0x0] =	wrdreg $0x60  }
0xaf: {  	[dreg:$0x2] =	wrdreg s18  }
0xb0: {  	[dreg:$0x3] =	wrdreg s2  }
0xb1: {  	[dreg:$0x4] =	wrdreg s24  }
0xb2: {  	[dreg:$0x5] =	wrdreg $0x9  }
0xb3: {  	_ =	task.clear_ibuf [dreg:s8], $0x6FFFF;
	_ =	strace $0x90000046  }
0xb4: {  	s29 =	simm.s32 $0x9;
	_ =	strace $0x80000048  }
0xb5: {  	_ =	swait.ge [sflag:s29], $0x1  }
0xb6: {  	[sflag:s29] =	ssyncadd.s32 $0xFFFFFFFF  }
0xb7: {  	_ =	strace $0x90000048  }
0xb8: {  	_ =	sfence  }
0xb9: {  	s30 =	sld [smem:$0x0];
	_ =	sdelay $0x2  }
0xba: {  	s31 =	sshll.u32 s1, $0xD;
	s1 =	sshrl.u32 s1, $0x2  }
0xbb: {  	s3 =	sand.u32 $0x4000, s31;
	s1 =	sadd.s32 s1, s30  }
0xbc: {  	s0 =	sor.u32 s3, s0;
	s1 =	sshll.u32 s1, $0x11  }
0xbd: {  	s0 =	sor.u32 s1, s0  }
0xbe: {  	s0 =	sadd.s32 $0x8F2B, s0  }
0xbf: {  	[sflag:s0] =	ssyncadd.remote.s32 $0x1  }
0xc0: {  	_ =	sfence.sel $0xFFFF  }
0xc1: {  	[dreg:$0x0] =	wrdreg $0xFFFFFFFF;
	(pc) =	sbr.abs _section_cstart, $3  }
0xc2: {  	[dreg:$0x1] =	wrdreg $0xFFFFFFFF  }
0xc3: {  	_ =	task.clear_ibuf [dreg:s8], $0x2FFFF;
	_ =	strace $0x9FFFFFFF  }
0xc4: {  	(tm) =	ssettm $0x7FFFFFFF  }
0xc5: {  	_ =	shalt  }
tec
execute0_lowered:
.L_overlay_start_1:
0x0: {  	(tag) =	ssettag $0x1  }
0x1: {  	v0 =	vlaneseq.u32  }
0x2: {  	v4 =	vimm.s32 $0x201000F;
	v8 =	vimm.s32 $0x3020100;
	v9 =	vimm.s32 $0x1000F0E  }
0x3: {  	vm3 =	vcmask $0xF00;
	vm1 =	vcmask $0x1310;
	vm0 =	vcmask $0x1714  }
0x4: {  	v13 =	vimm.s32 $0xF0E0D;
	vm2 =	vcmask $0x1B18;
	vm11 =	vcmask $0x1F1C  }
0x5: {  	vm10 =	vcmask $0x2320;
	vm9 =	vcmask $0x2724;
	v15 =	vimm.s32 $0x7060504  }
0x6: {  	vm8 =	vcmask $0x2B28;
	vm7 =	vcmask $0x2F2C;
	vm6 =	vcmask $0x3330  }
0x7: {  	v17 =	vimm.s32 $0xB0A0908;
	vm4 =	vcmask $0x3734;
	vm5 =	vcmask $0x3B38  }
0x8: {  	v19 =	vimm.s32 $0xF0E0D0C;
	v21 =	vimm.s32 $0x54761032;
	v22 =	vimm.s32 $0xEFCDAB89  }
0x9: {  	v23 =	vimm.s32 $0x67452301;
	vm12 =	vcmask $0x338;
	vm13 =	vcmask $0x2318  }
0xa: {  	vm14 =	vcmask $0x3328;
	vm15 =	vcmask $0x271C;
	v26 =	vimm.f32 $1.000000000e+00  }
0xb: {  	v27 =	vimm.s32 $0xC;
	v28 =	vimm.f32 $0.0e+00;
	v0 =	vand.u32 $0x3, v0  }
0xc: {  	v4 =	vunpack.c.0.s8.s32 v4;
	v11 =	vunpack.c.0.s8.s32 v8;
	v8 =	vunpack.c.0.s8.s32 v9  }
0xd: {  	v15 =	vunpack.c.0.s8.s32 v15;
	v17 =	vunpack.c.0.s8.s32 v17;
	v19 =	vunpack.c.0.s8.s32 v19  }
0xe: {  	v21 =	vunpack.c.l.s4.s8 v21;
	v22 =	vunpack.c.l.s4.s8 v22;
	v23 =	vunpack.c.l.s4.s8 v23  }
0xf: {  	v1 =	vor.u32 $0x4, v0;
	v2 =	vor.u32 $0x8, v0;
	v3 =	vor.u32 $0xC, v0  }
0x10: {  	v5 =	vadd.s32 $0x3, v0;
	v6 =	vadd.s32 $0x7, v0;
	v7 =	vadd.s32 $0xB, v0  }
0x11: {  	v9 =	vadd.s32 $0x2, v0;
	v10 =	vadd.s32 $0x6, v0;
	v12 =	vnsel vm3, $0x1803, v11  }
0x12: {  	v11 =	vadd.s32 $0xA, v0;
	v15 =	vnsel vm3, $0x1807, v15;
	v17 =	vnsel vm3, $0x180B, v17  }
0x13: {  	v19 =	vnsel vm3, $0x180F, v19;
	v21 =	vunpack.c.0.s8.s32 v21;
	v22 =	vunpack.c.0.s8.s32 v22  }
0x14: {  	v23 =	vunpack.c.0.s8.s32 v23;
	v12 =	vsel vm1, $0x800, v12;
	v15 =	vsel vm1, $0x804, v15  }
0x15: {  	v17 =	vsel vm1, $0x808, v17;
	v19 =	vsel vm1, $0x80C, v19;
	v14 =	vsel vm0, $0x801, v12  }
0x16: {  	v12 =	vunpack.c.0.s8.s32 v13;
	v13 =	vadd.s32 $0x1, v0;
	v18 =	vsel vm0, $0x805, v15  }
0x17: {  	v15 =	vadd.s32 $0x9, v0;
	v17 =	vsel vm0, $0x809, v17;
	v19 =	vsel vm0, $0x80D, v19  }
0x18: {  	vm0 =	vmxor vm0, vm0;
	v14 =	vsel vm2, $0x802, v14;
	v18 =	vsel vm2, $0x806, v18  }
0x19: {  	v17 =	vsel vm2, $0x80A, v17;
	v19 =	vsel vm2, $0x80E, v19;
	vm2 =	vcmask $0x300  }
0x1a: {  	v14 =	vsel vm11, $0x803, v14;
	v18 =	vsel vm11, $0x807, v18;
	v17 =	vsel vm11, $0x80B, v17  }
0x1b: {  	v19 =	vsel vm11, $0x80F, v19;
	vm1 =	vmor vm2, vm1;
	vm2 =	vcmask $0x1308  }
0x1c: {  	vm11 =	vcmask $0x170C;
	v14 =	vsel vm10, $0x1000, v14;
	v18 =	vsel vm10, $0x1004, v18  }
0x1d: {  	v17 =	vsel vm10, $0x1008, v17;
	v19 =	vsel vm10, $0x100C, v19;
	v18 =	vsel vm9, $0x1005, v18  }
0x1e: {  	vm1 =	vmor vm1, vm10;
	vm2 =	vmor vm12, vm2;
	v18 =	vsel vm8, $0x1006, v18  }
0x1f: {  	vm12 =	vcmask $0x73C;
	v16 =	vsel vm9, $0x1001, v14;
	v18 =	vsel vm7, $0x1007, v18  }
0x20: {  	v14 =	vadd.s32 $0x5, v0;
	v20 =	vsel vm9, $0x1009, v17;
	v18 =	vsel vm6, $0x1804, v18  }
0x21: {  	v19 =	vsel vm9, $0x100D, v19;
	vm2 =	vmor vm2, vm13;
	v18 =	vsel vm4, $0x1805, v18  }
0x22: {  	v17 =	vsel vm5, $0x1806, v18;
	v18 =	vsel vm8, $0x100A, v20;
	v20 =	vimm.s32 $0xDCFE98BA  }
0x23: {  	vm1 =	vmor vm1, vm6;
	vm13 =	vcmask $0x1B10;
	v20 =	vunpack.c.l.s4.s8 v20  }
0x24: {  	v16 =	vsel vm8, $0x1002, v16;
	v19 =	vsel vm8, $0x100E, v19;
	vm2 =	vmor vm2, vm14  }
0x25: {  	v16 =	vsel vm7, $0x1003, v16;
	v19 =	vsel vm7, $0x100F, v19;
	v20 =	vunpack.c.0.s8.s32 v20  }
0x26: {  	vm14 =	vcmask $0xB00;
	v16 =	vsel vm6, $0x1800, v16;
	v19 =	vsel vm6, $0x180C, v19  }
0x27: {  	v16 =	vsel vm4, $0x1801, v16;
	v18 =	vsel vm7, $0x100B, v18;
	v20 =	vcombine.low v21, v20  }
0x28: {  	v21 =	vcombine.low v23, v22;
	v22 =	vimm.s32 $0x8040201;
	v23 =	vimm.s32 $0x80402010  }
0x29: {  	v18 =	vsel vm6, $0x1808, v18;
	v24 =	vunpack.c.0.s8.s32 v22;
	v23 =	vunpack.c.0.s8.s32 v23  }
0x2a: {  	s4 =	rddreg [dreg:$0x0];
	v19 =	vsel vm4, $0x180D, v19;
	v16 =	vsel vm5, $0x1802, v16;
	v18 =	vsel vm4, $0x1809, v18  }
0x2b: {  	s0 =	rddreg [dreg:$0x1];
	v24 =	vnsel vm3, $0x8000, v24;
	v23 =	vand.u32 $0xFF, v23;
	vm3 =	vcmask $0x1F10  }
0x2c: {  	s5 =	rddreg [dreg:$0x2];
	v19 =	vsel vm5, $0x180E, v19;
	v18 =	vsel vm5, $0x180A, v18;
	v23 =	vsel vm3, v23, v24  }
0x2d: {  	s1 =	rddreg [dreg:$0x3];
	s2 =	simm.s32 $0x0;
	s6 =	srdreg.scid;
	v22 =	vimm.s32 $0x0;
	v20 =	vand.u32 $0xF, v20;
	v23 =	vsel vm10, $0x100, v23  }
0x2e: {  	s3 =	stileid.u32;
	s9 =	simm.s32 $0x2000;
	s10 =	simm.s32 $0x0;
	v21 =	vand.u32 $0xF, v21;
	vm3 =	vmor vm12, vm11;
	v24 =	vsel vm9, $0x200, v23  }
0x2f: {  	[smem:$0x7FF] =	sst s2;
	s6 =	sand.u32 $0x1, s6;
	s7 =	sshll.u32 s3, $0xB;
	vm12 =	vcmask $0x372C;
	vm3 =	vmor vm3, vm15;
	v24 =	vsel vm8, $0x400, v24  }
0x30: {  	s8 =	sshll.u32 s6, $0xA;
	s6 =	ssub.s32 $0x2, s6;
	_ =	strace $0x80000047;
	vm15 =	vcmask $0x2B20;
	v23 =	vimm.s32 $0x4;
	v24 =	vsel vm7, $0x800, v24  }
0x31: {  	s7 =	sor.u32 s8, s7;
	s31 =	sshrl.u32 s6, $0x1;
	s8 =	simm.s32 $0x4000;
	vm3 =	vmor vm3, vm12;
	vm7 =	vmor vm14, vm13;
	v24 =	vsel vm6, $0x1000, v24  }
0x32: {  	s5 =	sadd.s32 s7, s5;
	s6 =	ssub.s32 s6, s31;
	s4 =	sadd.s32 s4, s7;
	vm6 =	vmor vm7, vm15;
	vm7 =	vcmask $0x3B30;
	v25 =	vsel vm4, $0x2000, v24  }
0x33: {  	s7 =	simm.s32 $0x1;
	s5 =	sadd.s32 $0x400, s5;
	s6 =	smax.u32 s6, $0x1;
	v24 =	vimm.s32 $0x8;
	vm4 =	vmor vm6, vm7;
	v25 =	vsel vm5, $0x4000, v25  }
.LBB2_1:
0x34: {  	[tilespmem:s2], [sflag:$0x1] =	stream.linear.gather [hbm4b:s4+s2], $0x2000, $0x38;
	[tilespmem:$0x4480] =	vst v63  }
0x35: {  	_ =	swait.ge [sflag:s7], $0x2000  }
0x36: {  	[sflag:s7] =	ssyncset.done $0x0  }
0x37: {  	[sflag:s7] =	ssyncadd.s32 $0xFFFFE000  }
0x38: {  	[tilespmem:s8], [sflag:$0x1] =	stream.linear.gather [hbm4b:s0+s2], $0x80, $0x38;
	[tilespmem:$0x4480] =	vst v63  }
0x39: {  	_ =	swait.ge [sflag:s7], $0x80  }
0x3a: {  	[sflag:s7] =	ssyncset.done $0x0  }
0x3b: {  	[sflag:s7] =	ssyncadd.s32 $0xFFFFFF80  }
0x3c: {  	v29 =	vld.idx.msk [tilespmem:v0+s8+$0x0], $0xffff;
	_ =	sdelay $0x4  }
0x3d: {  	[tilespmem:$0x4080] =	vst v29  }
0x3e: {  	v30 =	vld.idx.msk [tilespmem:v1+s8+$0x0], $0xffff;
	_ =	sdelay $0x4  }
0x3f: {  	[tilespmem:$0x4090] =	vst v30  }
0x40: {  	v31 =	vld.idx.msk [tilespmem:v2+s8+$0x0], $0xffff;
	_ =	sdelay $0x4  }
0x41: {  	[tilespmem:$0x40A0] =	vst v31  }
0x42: {  	v32 =	vld.idx.msk [tilespmem:v3+s8+$0x0], $0xffff;
	_ =	sdelay $0x4  }
0x43: {  	[tilespmem:$0x40B0] =	vst v32  }
0x44: {  	v33 =	vld.idx.msk [tilespmem:v4+s8+$0x0], $0xffff;
	_ =	sdelay $0x4  }
0x45: {  	[tilespmem:$0x40C0] =	vst v33  }
0x46: {  	v33 =	vld.idx.msk [tilespmem:v5+s8+$0x0], $0xffff;
	_ =	sdelay $0x4  }
0x47: {  	[tilespmem:$0x40D0] =	vst v33  }
0x48: {  	v33 =	vld.idx.msk [tilespmem:v6+s8+$0x0], $0xffff;
	_ =	sdelay $0x4  }
0x49: {  	[tilespmem:$0x40E0] =	vst v33  }
0x4a: {  	v33 =	vld.idx.msk [tilespmem:v7+s8+$0x0], $0xffff;
	_ =	sdelay $0x4  }
0x4b: {  	[tilespmem:$0x40F0] =	vst v33  }
0x4c: {  	v33 =	vld.idx.msk [tilespmem:v8+s8+$0x0], $0xffff;
	_ =	sdelay $0x4  }
0x4d: {  	[tilespmem:$0x4100] =	vst v33  }
0x4e: {  	v33 =	vld.idx.msk [tilespmem:v9+s8+$0x0], $0xffff;
	_ =	sdelay $0x4  }
0x4f: {  	[tilespmem:$0x4110] =	vst v33  }
0x50: {  	v33 =	vld.idx.msk [tilespmem:v10+s8+$0x0], $0xffff;
	_ =	sdelay $0x4  }
0x51: {  	[tilespmem:$0x4120] =	vst v33  }
0x52: {  	v33 =	vld.idx.msk [tilespmem:v11+s8+$0x0], $0xffff;
	_ =	sdelay $0x4  }
0x53: {  	[tilespmem:$0x4130] =	vst v33  }
0x54: {  	v33 =	vld.idx.msk [tilespmem:v12+s8+$0x0], $0xffff;
	_ =	sdelay $0x4  }
0x55: {  	[tilespmem:$0x4140] =	vst v33  }
0x56: {  	v33 =	vld.idx.msk [tilespmem:v13+s8+$0x0], $0xffff;
	_ =	sdelay $0x4  }
0x57: {  	[tilespmem:$0x4150] =	vst v33  }
0x58: {  	v33 =	vld.idx.msk [tilespmem:v14+s8+$0x0], $0xffff;
	_ =	sdelay $0x4  }
0x59: {  	[tilespmem:$0x4160] =	vst v33  }
0x5a: {  	v33 =	vld.idx.msk [tilespmem:v15+s8+$0x0], $0xffff;
	_ =	sdelay $0x4  }
0x5b: {  	[tilespmem:$0x4170] =	vst v33  }
0x5c: {  	v33 =	vld.idx.msk [tilespmem:v3+s8+$0x0], $0xffff;
	_ =	sdelay $0x4  }
0x5d: {  	[tilespmem:$0x4180] =	vst v33  }
0x5e: {  	v33 =	vld.idx.msk [tilespmem:v0+s8+$0x0], $0xffff;
	_ =	sdelay $0x4  }
0x5f: {  	[tilespmem:$0x4190] =	vst v33  }
0x60: {  	v33 =	vld.idx.msk [tilespmem:v1+s8+$0x0], $0xffff;
	_ =	sdelay $0x4  }
0x61: {  	[tilespmem:$0x41A0] =	vst v33  }
0x62: {  	v33 =	vld.idx.msk [tilespmem:v2+s8+$0x0], $0xffff;
	_ =	sdelay $0x4  }
0x63: {  	[tilespmem:$0x41B0] =	vst v33  }
0x64: {  	v33 =	vld.idx.msk [tilespmem:v7+s8+$0x0], $0xffff;
	_ =	sdelay $0x4  }
0x65: {  	[tilespmem:$0x41C0] =	vst v33  }
0x66: {  	v33 =	vld.idx.msk [tilespmem:v4+s8+$0x0], $0xffff;
	_ =	sdelay $0x4  }
0x67: {  	[tilespmem:$0x41D0] =	vst v33  }
0x68: {  	v33 =	vld.idx.msk [tilespmem:v5+s8+$0x0], $0xffff;
	_ =	sdelay $0x4  }
0x69: {  	[tilespmem:$0x41E0] =	vst v33  }
0x6a: {  	v33 =	vld.idx.msk [tilespmem:v6+s8+$0x0], $0xffff;
	_ =	sdelay $0x4  }
0x6b: {  	[tilespmem:$0x41F0] =	vst v33  }
0x6c: {  	v33 =	vld.idx.msk [tilespmem:v11+s8+$0x0], $0xffff;
	_ =	sdelay $0x4  }
0x6d: {  	[tilespmem:$0x4200] =	vst v33  }
0x6e: {  	v33 =	vld.idx.msk [tilespmem:v8+s8+$0x0], $0xffff;
	_ =	sdelay $0x4  }
0x6f: {  	[tilespmem:$0x4210] =	vst v33  }
0x70: {  	v33 =	vld.idx.msk [tilespmem:v9+s8+$0x0], $0xffff;
	_ =	sdelay $0x4  }
0x71: {  	[tilespmem:$0x4220] =	vst v33  }
0x72: {  	v33 =	vld.idx.msk [tilespmem:v10+s8+$0x0], $0xffff;
	_ =	sdelay $0x4  }
0x73: {  	[tilespmem:$0x4230] =	vst v33  }
0x74: {  	v33 =	vld.idx.msk [tilespmem:v15+s8+$0x0], $0xffff;
	_ =	sdelay $0x4  }
0x75: {  	[tilespmem:$0x4240] =	vst v33  }
0x76: {  	v33 =	vld.idx.msk [tilespmem:v12+s8+$0x0], $0xffff;
	_ =	sdelay $0x4  }
0x77: {  	[tilespmem:$0x4250] =	vst v33  }
0x78: {  	v33 =	vld.idx.msk [tilespmem:v13+s8+$0x0], $0xffff;
	_ =	sdelay $0x4  }
0x79: {  	[tilespmem:$0x4260] =	vst v33  }
0x7a: {  	v33 =	vld.idx.msk [tilespmem:v14+s8+$0x0], $0xffff;
	_ =	sdelay $0x4  }
0x7b: {  	[tilespmem:$0x4270] =	vst v33  }
0x7c: {  	v33 =	vld.idx.msk [tilespmem:v2+s8+$0x0], $0xffff;
	_ =	sdelay $0x4  }
0x7d: {  	[tilespmem:$0x4280] =	vst v33  }
0x7e: {  	v33 =	vld.idx.msk [tilespmem:v3+s8+$0x0], $0xffff;
	_ =	sdelay $0x4  }
0x7f: {  	[tilespmem:$0x4290] =	vst v33  }
0x80: {  	v33 =	vld.idx.msk [tilespmem:v0+s8+$0x0], $0xffff;
	_ =	sdelay $0x4  }
0x81: {  	[tilespmem:$0x42A0] =	vst v33  }
0x82: {  	v33 =	vld.idx.msk [tilespmem:v1+s8+$0x0], $0xffff;
	_ =	sdelay $0x4  }
0x83: {  	[tilespmem:$0x42B0] =	vst v33  }
0x84: {  	v33 =	vld.idx.msk [tilespmem:v6+s8+$0x0], $0xffff;
	_ =	sdelay $0x4  }
0x85: {  	[tilespmem:$0x42C0] =	vst v33  }
0x86: {  	v33 =	vld.idx.msk [tilespmem:v7+s8+$0x0], $0xffff;
	_ =	sdelay $0x4  }
0x87: {  	[tilespmem:$0x42D0] =	vst v33  }
0x88: {  	v33 =	vld.idx.msk [tilespmem:v4+s8+$0x0], $0xffff;
	_ =	sdelay $0x4  }
0x89: {  	[tilespmem:$0x42E0] =	vst v33  }
0x8a: {  	v33 =	vld.idx.msk [tilespmem:v5+s8+$0x0], $0xffff;
	_ =	sdelay $0x4  }
0x8b: {  	[tilespmem:$0x42F0] =	vst v33  }
0x8c: {  	v33 =	vld.idx.msk [tilespmem:v10+s8+$0x0], $0xffff;
	_ =	sdelay $0x4  }
0x8d: {  	[tilespmem:$0x4300] =	vst v33  }
0x8e: {  	v33 =	vld.idx.msk [tilespmem:v11+s8+$0x0], $0xffff;
	_ =	sdelay $0x4  }
0x8f: {  	[tilespmem:$0x4310] =	vst v33  }
0x90: {  	v33 =	vld.idx.msk [tilespmem:v8+s8+$0x0], $0xffff;
	_ =	sdelay $0x4  }
0x91: {  	[tilespmem:$0x4320] =	vst v33  }
0x92: {  	v33 =	vld.idx.msk [tilespmem:v9+s8+$0x0], $0xffff;
	_ =	sdelay $0x4  }
0x93: {  	[tilespmem:$0x4330] =	vst v33  }
0x94: {  	v33 =	vld.idx.msk [tilespmem:v14+s8+$0x0], $0xffff;
	_ =	sdelay $0x4  }
0x95: {  	[tilespmem:$0x4340] =	vst v33  }
0x96: {  	v33 =	vld.idx.msk [tilespmem:v15+s8+$0x0], $0xffff;
	_ =	sdelay $0x4  }
0x97: {  	[tilespmem:$0x4350] =	vst v33  }
0x98: {  	v33 =	vld.idx.msk [tilespmem:v12+s8+$0x0], $0xffff;
	_ =	sdelay $0x4  }
0x99: {  	[tilespmem:$0x4360] =	vst v33  }
0x9a: {  	v33 =	vld.idx.msk [tilespmem:v13+s8+$0x0], $0xffff;
	_ =	sdelay $0x4  }
0x9b: {  	[tilespmem:$0x4370] =	vst v33  }
0x9c: {  	v33 =	vld.idx.msk [tilespmem:v1+s8+$0x0], $0xffff;
	_ =	sdelay $0x4  }
0x9d: {  	[tilespmem:$0x4380] =	vst v33  }
0x9e: {  	v33 =	vld.idx.msk [tilespmem:v2+s8+$0x0], $0xffff;
	_ =	sdelay $0x4  }
0x9f: {  	[tilespmem:$0x4390] =	vst v33  }
0xa0: {  	v33 =	vld.idx.msk [tilespmem:v3+s8+$0x0], $0xffff;
	_ =	sdelay $0x4  }
0xa1: {  	[tilespmem:$0x43A0] =	vst v33  }
0xa2: {  	v33 =	vld.idx.msk [tilespmem:v0+s8+$0x0], $0xffff;
	_ =	sdelay $0x4  }
0xa3: {  	[tilespmem:$0x43B0] =	vst v33  }
0xa4: {  	v33 =	vld.idx.msk [tilespmem:v5+s8+$0x0], $0xffff;
	_ =	sdelay $0x4  }
0xa5: {  	[tilespmem:$0x43C0] =	vst v33  }
0xa6: {  	v33 =	vld.idx.msk [tilespmem:v6+s8+$0x0], $0xffff;
	_ =	sdelay $0x4  }
0xa7: {  	[tilespmem:$0x43D0] =	vst v33  }
0xa8: {  	v33 =	vld.idx.msk [tilespmem:v7+s8+$0x0], $0xffff;
	_ =	sdelay $0x4  }
0xa9: {  	[tilespmem:$0x43E0] =	vst v33  }
0xaa: {  	v33 =	vld.idx.msk [tilespmem:v4+s8+$0x0], $0xffff;
	_ =	sdelay $0x4  }
0xab: {  	[tilespmem:$0x43F0] =	vst v33  }
0xac: {  	v33 =	vld.idx.msk [tilespmem:v9+s8+$0x0], $0xffff;
	_ =	sdelay $0x4  }
0xad: {  	[tilespmem:$0x4400] =	vst v33  }
0xae: {  	v33 =	vld.idx.msk [tilespmem:v10+s8+$0x0], $0xffff;
	_ =	sdelay $0x4  }
0xaf: {  	[tilespmem:$0x4410] =	vst v33  }
0xb0: {  	v33 =	vld.idx.msk [tilespmem:v11+s8+$0x0], $0xffff;
	_ =	sdelay $0x4  }
0xb1: {  	[tilespmem:$0x4420] =	vst v33  }
0xb2: {  	v33 =	vld.idx.msk [tilespmem:v8+s8+$0x0], $0xffff;
	_ =	sdelay $0x4  }
0xb3: {  	[tilespmem:$0x4430] =	vst v33  }
0xb4: {  	v33 =	vld.idx.msk [tilespmem:v13+s8+$0x0], $0xffff;
	_ =	sdelay $0x4  }
0xb5: {  	[tilespmem:$0x4440] =	vst v33  }
0xb6: {  	v33 =	vld.idx.msk [tilespmem:v14+s8+$0x0], $0xffff;
	_ =	sdelay $0x4  }
0xb7: {  	[tilespmem:$0x4450] =	vst v33  }
0xb8: {  	v33 =	vld.idx.msk [tilespmem:v15+s8+$0x0], $0xffff;
	_ =	sdelay $0x4  }
0xb9: {  	[tilespmem:$0x4460] =	vst v33  }
0xba: {  	v33 =	vld.idx.msk [tilespmem:v12+s8+$0x0], $0xffff;
	_ =	sdelay $0x4  }
0xbb: {  	[tilespmem:$0x4470] =	vst v33  }
0xbc: {  	v33 =	vld.idx.msk [tilespmem:v16+s2+$0x0], $0xffff  }
0xbd: {  	v34 =	vld.idx.msk [tilespmem:v17+s2+$0x0], $0xffff  }
0xbe: {  	v35 =	vld.idx.msk [tilespmem:v18+s2+$0x0], $0xffff  }
0xbf: {  	v36 =	vld.idx.msk [tilespmem:v19+s2+$0x0], $0xffff;
	_ =	sdelay $0x3  }
0xc0: {  	v37 =	vsub.f32 v33, v29;
	v38 =	vsub.f32 v34, v30  }
0xc1: {  	v40 =	vsub.f32 v35, v31;
	v39 =	vsub.f32 v36, v32  }
0xc2: {  	v58 =	vadd.f32 v36, v34;
	v29 =	vsub.f32 v37, v29  }
0xc3: {  	v30 =	vsub.f32 v38, v30;
	v31 =	vsub.f32 v40, v31  }
0xc4: {  	v32 =	vsub.f32 v39, v32;
	v41 =	vadd.f32 v40, v37  }
0xc5: {  	v42 =	vadd.f32 v39, v38;
	v29 =	vadd.f32 v31, v29  }
0xc6: {  	v30 =	vadd.f32 v32, v30;
	v31 =	vadd.f32 v35, v33  }
0xc7: {  	v41 =	vadd.f32 v42, v41  }
0xc8: {  	v29 =	vadd.f32 v30, v29;
	v30 =	vadd.f32 v58, v31  }
0xc9: {  	v31 =	vperm.xlane v41, v20  }
0xca: {  	v59 =	vperm.xlane v29, v20;
	v60 =	vperm.xlane v30, v20  }
0xcb: {  	v31 =	vadd.f32 v41, v31  }
0xcc: {  	v29 =	vadd.f32 v29, v59;
	v30 =	vadd.f32 v60, v30  }
0xcd: {  	v61 =	vperm.xlane v31, v21  }
0xce: {  	v62 =	vperm.xlane v29, v21;
	v42 =	vperm.xlane v30, v21  }
0xcf: {  	v31 =	vadd.f32 v31, v61  }
0xd0: {  	v29 =	vadd.f32 v29, v62;
	v63 =	vadd.f32 v42, v30  }
0xd1: {  	vm5 =	vmmov vm0  }
0xd2: {  	s11 =	simm.s32 $0x10;
	s12 =	simm.s32 $0x2000;
	v30 =	vand.u32 $0x7FFFFFFF, v31;
	v31 =	vand.u32 $0x7FFFFFFF, v29;
	v32 =	vand.u32 $0x7FFFFFFF, v63  }
.LBB2_2:
0xd3: {  	v42 =	vld [tilespmem:$0x40D0]  }
0xd4: {  	v29 =	vadd.s32 s11, v16;
	v43 =	vld [tilespmem:$0x40E0]  }
0xd5: {  	v44 =	vld [tilespmem:$0x40F0];
	_ =	sdelay $0x1  }
0xd6: {  	v62 =	vld [tilespmem:$0x4110]  }
0xd7: {  	v33 =	vsel vm5, v37, v33;
	v34 =	vsel vm5, v38, v34;
	v35 =	vsel vm5, v40, v35;
	v63 =	vld [tilespmem:$0x4130]  }
0xd8: {  	v36 =	vsel vm5, v39, v36;
	v32 =	vsel vm5, v30, v32;
	v29 =	vld.idx.msk [tilespmem:v29+s2+$0x0], $0xffff;
	v38 =	vsub.f32 v34, v42  }
0xd9: {  	v41 =	vld [tilespmem:$0x40C0];
	v32 =	vmul.f32 $9.951999780e-01, v32;
	v56 =	vsub.f32 v35, v43;
	v57 =	vsub.f32 v36, v44  }
0xda: {  	v48 =	vld [tilespmem:$0x4120];
	v30 =	vsel vm5, v31, v30;
	v61 =	vadd.f32 v36, v34;
	v42 =	vsub.f32 v38, v42  }
0xdb: {  	vm5 =	vle.f32 v30, v32;
	v43 =	vsub.f32 v56, v43;
	v44 =	vsub.f32 v57, v44  }
0xdc: {  	v46 =	vadd.f32 v57, v38;
	v34 =	vsel vm5, v38, v34;
	v36 =	vsel vm5, v57, v36  }
0xdd: {  	v38 =	vsub.f32 v34, v62;
	v40 =	vsub.f32 v36, v63;
	v33 =	vsel vm1, v29, v33  }
0xde: {  	v55 =	vsub.f32 v33, v41;
	v60 =	vadd.f32 v33, v35;
	v35 =	vsel vm5, v56, v35  }
0xdf: {  	v59 =	vld [tilespmem:$0x4100];
	v42 =	vadd.f32 v44, v42;
	v39 =	vsub.f32 v35, v48  }
0xe0: {  	v41 =	vsub.f32 v55, v41;
	v45 =	vadd.f32 v56, v55  }
0xe1: {  	v44 =	vadd.f32 v60, v61;
	v56 =	vadd.f32 v40, v38  }
0xe2: {  	v33 =	vsel vm5, v55, v33;
	v60 =	vadd.f32 v36, v34;
	v48 =	vsub.f32 v39, v48  }
0xe3: {  	v33 =	vsel vm2, v33, v29;
	v41 =	vadd.f32 v43, v41;
	v58 =	vadd.f32 v46, v45  }
0xe4: {  	v52 =	vperm.xlane v44, v20;
	v37 =	vsub.f32 v33, v59;
	v46 =	vsub.f32 v38, v62  }
0xe5: {  	v45 =	vsub.f32 v40, v63;
	v41 =	vadd.f32 v42, v41;
	v47 =	vperm.xlane v58, v20  }
0xe6: {  	v32 =	vadd.f32 v52, v44;
	v53 =	vsub.f32 v37, v59  }
0xe7: {  	v55 =	vadd.f32 v39, v37;
	v31 =	vperm.xlane v41, v20;
	v30 =	vadd.f32 v58, v47  }
0xe8: {  	v45 =	vadd.f32 v45, v46;
	v59 =	vadd.f32 v35, v33;
	v57 =	vperm.xlane v32, v21  }
0xe9: {  	v43 =	vadd.f32 v56, v55;
	v31 =	vadd.f32 v41, v31;
	v54 =	vperm.xlane v30, v21  }
0xea: {  	v63 =	vadd.f32 v60, v59;
	v32 =	vadd.f32 v57, v32  }
0xeb: {  	v44 =	vperm.xlane v43, v20;
	v30 =	vadd.f32 v30, v54;
	v58 =	vperm.xlane v31, v21  }
0xec: {  	v41 =	vadd.f32 v48, v53;
	v55 =	vperm.xlane v63, v20;
	v32 =	vand.u32 $0x7FFFFFFF, v32  }
0xed: {  	v49 =	vld [tilespmem:$0x4170];
	v61 =	vadd.f32 v43, v44;
	v30 =	vand.u32 $0x7FFFFFFF, v30;
	v31 =	vadd.f32 v31, v58  }
0xee: {  	v52 =	vld [tilespmem:$0x4150];
	v41 =	vadd.f32 v45, v41;
	v56 =	vadd.f32 v55, v63;
	v32 =	vsel vm5, v30, v32  }
0xef: {  	v54 =	vld [tilespmem:$0x4160];
	v53 =	vperm.xlane v61, v21;
	v31 =	vand.u32 $0x7FFFFFFF, v31;
	v32 =	vmul.f32 $9.951999780e-01, v32  }
0xf0: {  	v62 =	vld [tilespmem:$0x4140];
	v48 =	vperm.xlane v56, v21;
	v30 =	vsel vm5, v31, v30;
	v31 =	vperm.xlane v41, v20  }
0xf1: {  	vm6 =	vle.f32 v30, v32;
	v30 =	vadd.f32 v61, v53  }
0xf2: {  	v32 =	vadd.f32 v48, v56;
	v31 =	vadd.f32 v41, v31;
	v33 =	vsel vm6, v37, v33  }
0xf3: {  	v34 =	vsel vm6, v38, v34;
	v35 =	vsel vm6, v39, v35;
	v36 =	vsel vm6, v40, v36  }
0xf4: {  	v33 =	vsel vm3, v33, v29;
	v38 =	vsub.f32 v34, v52;
	v39 =	vsub.f32 v35, v54  }
0xf5: {  	v40 =	vsub.f32 v36, v49;
	v37 =	vsub.f32 v33, v62  }
0xf6: {  	v61 =	vadd.f32 v33, v35;
	v58 =	vsub.f32 v38, v52  }
0xf7: {  	v60 =	vadd.f32 v40, v38;
	v47 =	vsub.f32 v39, v54  }
0xf8: {  	v63 =	vsub.f32 v40, v49;
	v52 =	vperm.xlane v31, v21;
	v59 =	vadd.f32 v39, v37  }
0xf9: {  	v30 =	vand.u32 $0x7FFFFFFF, v30;
	v57 =	vsub.f32 v37, v62;
	v62 =	vadd.f32 v36, v34  }
0xfa: {  	v32 =	vand.u32 $0x7FFFFFFF, v32;
	v31 =	vadd.f32 v31, v52;
	v43 =	vadd.f32 v60, v59  }
0xfb: {  	v32 =	vsel vm6, v30, v32;
	v45 =	vadd.f32 v61, v62;
	v41 =	vadd.f32 v47, v57;
	v57 =	vld [tilespmem:$0x4190]  }
0xfc: {  	v32 =	vmul.f32 $9.951999780e-01, v32;
	v42 =	vadd.f32 v63, v58;
	v59 =	vld [tilespmem:$0x41A0]  }
0xfd: {  	v61 =	vld [tilespmem:$0x41B0];
	v31 =	vand.u32 $0x7FFFFFFF, v31;
	v53 =	vperm.xlane v43, v20;
	v54 =	vperm.xlane v45, v20  }
0xfe: {  	v55 =	vld [tilespmem:$0x4180];
	v41 =	vadd.f32 v42, v41;
	v30 =	vsel vm6, v31, v30  }
0xff: {  	vm7 =	vle.f32 v30, v32;
	v43 =	vadd.f32 v43, v53;
	v56 =	vadd.f32 v54, v45  }
0x100: {  	v31 =	vperm.xlane v41, v20;
	v33 =	vsel vm7, v37, v33;
	v34 =	vsel vm7, v38, v34  }
0x101: {  	v35 =	vsel vm7, v39, v35;
	v36 =	vsel vm7, v40, v36;
	v38 =	vsub.f32 v34, v57  }
0x102: {  	v33 =	vsel vm4, v33, v29;
	v39 =	vsub.f32 v35, v59;
	v40 =	vsub.f32 v36, v61  }
0x103: {  	v31 =	vadd.f32 v41, v31;
	v37 =	vsub.f32 v33, v55  }
0x104: {  	v58 =	vperm.xlane v43, v21;
	v48 =	vsub.f32 v38, v57;
	v50 =	vsub.f32 v39, v59  }
0x105: {  	v60 =	vperm.xlane v56, v21;
	v51 =	vsub.f32 v40, v61;
	v54 =	vadd.f32 v40, v38  }
0x106: {  	v57 =	vadd.f32 v33, v35;
	v30 =	vadd.f32 v43, v58  }
0x107: {  	v29 =	vadd.s32 s11, v17;
	v62 =	vadd.f32 v60, v56;
	v63 =	vsub.f32 v37, v55  }
0x108: {  	v52 =	vperm.xlane v31, v21;
	v53 =	vadd.f32 v39, v37;
	v58 =	vadd.f32 v36, v34  }
0x109: {  	v42 =	vadd.f32 v51, v48;
	v41 =	vadd.f32 v50, v63  }
0x10a: {  	v61 =	vld [tilespmem:$0x41F0];
	v30 =	vand.u32 $0x7FFFFFFF, v30;
	v31 =	vadd.f32 v31, v52;
	v32 =	vand.u32 $0x7FFFFFFF, v62  }
0x10b: {  	v56 =	vld [tilespmem:$0x41C0];
	v55 =	vadd.f32 v54, v53;
	v44 =	vadd.f32 v57, v58;
	v32 =	vsel vm7, v30, v32  }
0x10c: {  	v60 =	vld [tilespmem:$0x41E0];
	v41 =	vadd.f32 v42, v41;
	v32 =	vmul.f32 $9.951999780e-01, v32  }
0x10d: {  	v29 =	vld.idx.msk [tilespmem:v29+s2+$0x0], $0xffff;
	v31 =	vand.u32 $0x7FFFFFFF, v31;
	v47 =	vperm.xlane v55, v20;
	v62 =	vperm.xlane v44, v20  }
0x10e: {  	v59 =	vld [tilespmem:$0x41D0];
	v30 =	vsel vm7, v31, v30;
	v31 =	vperm.xlane v41, v20  }
0x10f: {  	vm8 =	vle.f32 v30, v32;
	v30 =	vadd.f32 v55, v47;
	v32 =	vadd.f32 v62, v44  }
0x110: {  	v34 =	vsel vm8, v38, v34;
	v33 =	vsel vm8, v37, v33;
	v35 =	vsel vm8, v39, v35  }
0x111: {  	v36 =	vsel vm8, v40, v36;
	v31 =	vadd.f32 v41, v31;
	v37 =	vsub.f32 v33, v56  }
0x112: {  	v34 =	vsel vm1, v29, v34;
	v39 =	vsub.f32 v35, v60;
	v40 =	vsub.f32 v36, v61  }
0x113: {  	v57 =	vadd.f32 v35, v33;
	v38 =	vsub.f32 v34, v59  }
0x114: {  	v52 =	vperm.xlane v30, v21;
	v58 =	vadd.f32 v34, v36;
	v63 =	vsub.f32 v37, v56  }
0x115: {  	v55 =	vperm.xlane v32, v21;
	v53 =	vadd.f32 v39, v37;
	v48 =	vsub.f32 v39, v60  }
0x116: {  	v45 =	vsub.f32 v40, v61;
	v30 =	vadd.f32 v30, v52  }
0x117: {  	v56 =	vperm.xlane v31, v21;
	v32 =	vadd.f32 v55, v32;
	v54 =	vadd.f32 v40, v38  }
0x118: {  	v46 =	vsub.f32 v38, v59;
	v61 =	vadd.f32 v58, v57  }
0x119: {  	v41 =	vadd.f32 v48, v63;
	v30 =	vand.u32 $0x7FFFFFFF, v30;
	v31 =	vadd.f32 v31, v56  }
0x11a: {  	v60 =	vld [tilespmem:$0x4200];
	v32 =	vand.u32 $0x7FFFFFFF, v32;
	v43 =	vadd.f32 v54, v53;
	v45 =	vadd.f32 v45, v46  }
0x11b: {  	v52 =	vld [tilespmem:$0x4220];
	v32 =	vsel vm8, v30, v32;
	v53 =	vperm.xlane v61, v20;
	v31 =	vand.u32 $0x7FFFFFFF, v31  }
0x11c: {  	v54 =	vld [tilespmem:$0x4230];
	v32 =	vmul.f32 $9.951999780e-01, v32;
	v44 =	vperm.xlane v43, v20;
	v41 =	vadd.f32 v45, v41  }
0x11d: {  	v62 =	vld [tilespmem:$0x4210];
	v30 =	vsel vm8, v31, v30;
	v55 =	vadd.f32 v53, v61  }
0x11e: {  	vm9 =	vle.f32 v30, v32;
	v59 =	vadd.f32 v43, v44;
	v31 =	vperm.xlane v41, v20  }
0x11f: {  	v34 =	vsel vm9, v38, v34;
	v33 =	vsel vm9, v37, v33;
	v35 =	vsel vm9, v39, v35  }
0x120: {  	v36 =	vsel vm9, v40, v36;
	v48 =	vperm.xlane v55, v21;
	v37 =	vsub.f32 v33, v60  }
0x121: {  	v34 =	vsel vm2, v34, v29;
	v39 =	vsub.f32 v35, v52;
	v40 =	vsub.f32 v36, v54  }
0x122: {  	v31 =	vadd.f32 v41, v31;
	v38 =	vsub.f32 v34, v62  }
0x123: {  	v61 =	vadd.f32 v34, v36;
	v32 =	vadd.f32 v48, v55  }
0x124: {  	v63 =	vperm.xlane v59, v21;
	v56 =	vsub.f32 v37, v60;
	v58 =	vadd.f32 v39, v37  }
0x125: {  	v60 =	vadd.f32 v35, v33;
	v47 =	vsub.f32 v39, v52  }
0x126: {  	v30 =	vadd.f32 v59, v63;
	v57 =	vsub.f32 v38, v62  }
0x127: {  	v59 =	vadd.f32 v40, v38;
	v62 =	vsub.f32 v40, v54;
	v63 =	vperm.xlane v31, v21  }
0x128: {  	v32 =	vand.u32 $0x7FFFFFFF, v32;
	v45 =	vadd.f32 v61, v60;
	v41 =	vadd.f32 v47, v56  }
0x129: {  	v43 =	vadd.f32 v59, v58;
	v30 =	vand.u32 $0x7FFFFFFF, v30;
	v31 =	vadd.f32 v31, v63  }
0x12a: {  	v54 =	vld [tilespmem:$0x4240];
	v42 =	vadd.f32 v62, v57;
	v53 =	vperm.xlane v45, v20;
	v32 =	vsel vm9, v30, v32  }
0x12b: {  	v60 =	vld [tilespmem:$0x4270];
	v52 =	vperm.xlane v43, v20;
	v31 =	vand.u32 $0x7FFFFFFF, v31;
	v32 =	vmul.f32 $9.951999780e-01, v32  }
0x12c: {  	v58 =	vld [tilespmem:$0x4260];
	v41 =	vadd.f32 v42, v41;
	v55 =	vadd.f32 v53, v45;
	v30 =	vsel vm9, v31, v30  }
0x12d: {  	v56 =	vld [tilespmem:$0x4250];
	v43 =	vadd.f32 v43, v52;
	vm10 =	vle.f32 v30, v32  }
0x12e: {  	v31 =	vperm.xlane v41, v20;
	v59 =	vperm.xlane v55, v21;
	v34 =	vsel vm10, v38, v34  }
0x12f: {  	v33 =	vsel vm10, v37, v33;
	v35 =	vsel vm10, v39, v35;
	v36 =	vsel vm10, v40, v36  }
0x130: {  	v57 =	vperm.xlane v43, v21;
	v31 =	vadd.f32 v41, v31;
	v37 =	vsub.f32 v33, v54  }
0x131: {  	v34 =	vsel vm3, v34, v29;
	v39 =	vsub.f32 v35, v58;
	v40 =	vsub.f32 v36, v60  }
0x132: {  	v61 =	vadd.f32 v59, v55;
	v38 =	vsub.f32 v34, v56  }
0x133: {  	v30 =	vadd.f32 v43, v57;
	v62 =	vsub.f32 v37, v54  }
0x134: {  	v48 =	vsub.f32 v39, v58;
	v50 =	vsub.f32 v40, v60  }
0x135: {  	v52 =	vadd.f32 v39, v37;
	v57 =	vadd.f32 v34, v36  }
0x136: {  	v51 =	vperm.xlane v31, v21;
	v63 =	vsub.f32 v38, v56;
	v53 =	vadd.f32 v40, v38  }
0x137: {  	v32 =	vand.u32 $0x7FFFFFFF, v61;
	v56 =	vadd.f32 v35, v33;
	v41 =	vadd.f32 v48, v62  }
0x138: {  	v55 =	vld [tilespmem:$0x4280];
	v30 =	vand.u32 $0x7FFFFFFF, v30;
	v31 =	vadd.f32 v31, v51;
	v42 =	vadd.f32 v50, v63  }
0x139: {  	v59 =	vld [tilespmem:$0x42A0];
	v54 =	vadd.f32 v53, v52;
	v32 =	vsel vm10, v30, v32;
	v44 =	vadd.f32 v57, v56  }
0x13a: {  	v60 =	vld [tilespmem:$0x42B0];
	v31 =	vand.u32 $0x7FFFFFFF, v31;
	v32 =	vmul.f32 $9.951999780e-01, v32;
	v41 =	vadd.f32 v42, v41  }
0x13b: {  	v47 =	vperm.xlane v54, v20;
	v30 =	vsel vm10, v31, v30  }
0x13c: {  	v58 =	vld [tilespmem:$0x4290];
	v61 =	vperm.xlane v44, v20;
	vm11 =	vle.f32 v30, v32;
	v31 =	vperm.xlane v41, v20  }
0x13d: {  	v30 =	vadd.f32 v54, v47;
	v33 =	vsel vm11, v37, v33;
	v35 =	vsel vm11, v39, v35  }
0x13e: {  	v36 =	vsel vm11, v40, v36;
	v32 =	vadd.f32 v61, v44;
	v37 =	vsub.f32 v33, v55  }
0x13f: {  	v34 =	vsel vm11, v38, v34;
	v39 =	vsub.f32 v35, v59;
	v40 =	vsub.f32 v36, v60  }
0x140: {  	v34 =	vsel vm4, v34, v29;
	v56 =	vadd.f32 v35, v33;
	v31 =	vadd.f32 v41, v31  }
0x141: {  	v38 =	vsub.f32 v34, v58;
	v57 =	vadd.f32 v34, v36  }
0x142: {  	v63 =	vperm.xlane v30, v21;
	v62 =	vsub.f32 v37, v55;
	v52 =	vadd.f32 v39, v37  }
0x143: {  	v54 =	vperm.xlane v32, v21;
	v48 =	vsub.f32 v39, v59;
	v45 =	vsub.f32 v40, v60  }
0x144: {  	v53 =	vadd.f32 v40, v38;
	v46 =	vsub.f32 v38, v58  }
0x145: {  	v29 =	vadd.s32 s11, v18;
	v30 =	vadd.f32 v30, v63;
	v32 =	vadd.f32 v54, v32  }
0x146: {  	v55 =	vperm.xlane v31, v21;
	v60 =	vadd.f32 v57, v56;
	v41 =	vadd.f32 v48, v62  }
0x147: {  	v43 =	vadd.f32 v53, v52;
	v45 =	vadd.f32 v45, v46;
	v30 =	vand.u32 $0x7FFFFFFF, v30  }
0x148: {  	v61 =	vld [tilespmem:$0x42D0];
	v31 =	vadd.f32 v31, v55;
	v32 =	vand.u32 $0x7FFFFFFF, v32;
	v52 =	vperm.xlane v60, v20  }
0x149: {  	v59 =	vld [tilespmem:$0x42C0];
	v32 =	vsel vm11, v30, v32;
	v44 =	vperm.xlane v43, v20;
	v41 =	vadd.f32 v45, v41  }
0x14a: {  	v53 =	vld [tilespmem:$0x42F0];
	v31 =	vand.u32 $0x7FFFFFFF, v31;
	v32 =	vmul.f32 $9.951999780e-01, v32;
	v54 =	vadd.f32 v52, v60  }
0x14b: {  	v29 =	vld.idx.msk [tilespmem:v29+s2+$0x0], $0xffff;
	v30 =	vsel vm11, v31, v30;
	v58 =	vadd.f32 v43, v44  }
0x14c: {  	v63 =	vld [tilespmem:$0x42E0];
	v31 =	vperm.xlane v41, v20;
	vm12 =	vle.f32 v30, v32;
	v48 =	vperm.xlane v54, v21  }
0x14d: {  	v33 =	vsel vm12, v37, v33;
	v34 =	vsel vm12, v38, v34;
	v35 =	vsel vm12, v39, v35  }
0x14e: {  	v36 =	vsel vm12, v40, v36;
	v31 =	vadd.f32 v41, v31;
	v37 =	vsub.f32 v33, v59  }
0x14f: {  	v62 =	vperm.xlane v58, v21;
	v38 =	vsub.f32 v34, v61;
	v40 =	vsub.f32 v36, v53  }
0x150: {  	v35 =	vsel vm1, v29, v35;
	v60 =	vadd.f32 v36, v34;
	v32 =	vadd.f32 v48, v54  }
0x151: {  	v39 =	vsub.f32 v35, v63;
	v30 =	vadd.f32 v58, v62  }
0x152: {  	v55 =	vsub.f32 v37, v59;
	v56 =	vsub.f32 v38, v61  }
0x153: {  	v58 =	vadd.f32 v40, v38;
	v59 =	vadd.f32 v35, v33  }
0x154: {  	v61 =	vsub.f32 v40, v53;
	v62 =	vperm.xlane v31, v21;
	v57 =	vadd.f32 v39, v37  }
0x155: {  	v47 =	vsub.f32 v39, v63;
	v45 =	vadd.f32 v59, v60  }
0x156: {  	v32 =	vand.u32 $0x7FFFFFFF, v32;
	v42 =	vadd.f32 v61, v56;
	v31 =	vadd.f32 v31, v62  }
0x157: {  	v53 =	vld [tilespmem:$0x4300];
	v30 =	vand.u32 $0x7FFFFFFF, v30;
	v43 =	vadd.f32 v58, v57;
	v41 =	vadd.f32 v47, v55  }
0x158: {  	v59 =	vld [tilespmem:$0x4330];
	v32 =	vsel vm12, v30, v32;
	v52 =	vperm.xlane v45, v20;
	v31 =	vand.u32 $0x7FFFFFFF, v31  }
0x159: {  	v55 =	vld [tilespmem:$0x4310];
	v32 =	vmul.f32 $9.951999780e-01, v32;
	v63 =	vperm.xlane v43, v20;
	v41 =	vadd.f32 v42, v41  }
0x15a: {  	v57 =	vld [tilespmem:$0x4320];
	v30 =	vsel vm12, v31, v30;
	v54 =	vadd.f32 v52, v45  }
0x15b: {  	vm13 =	vle.f32 v30, v32;
	v43 =	vadd.f32 v43, v63;
	v31 =	vperm.xlane v41, v20  }
0x15c: {  	v33 =	vsel vm13, v37, v33;
	v34 =	vsel vm13, v38, v34;
	v35 =	vsel vm13, v39, v35  }
0x15d: {  	v36 =	vsel vm13, v40, v36;
	v58 =	vperm.xlane v54, v21;
	v37 =	vsub.f32 v33, v53  }
0x15e: {  	v35 =	vsel vm2, v35, v29;
	v38 =	vsub.f32 v34, v55;
	v40 =	vsub.f32 v36, v59  }
0x15f: {  	v31 =	vadd.f32 v41, v31;
	v61 =	vsub.f32 v35, v57  }
0x160: {  	v60 =	vadd.f32 v58, v54;
	v62 =	vsub.f32 v37, v53  }
0x161: {  	v56 =	vperm.xlane v43, v21;
	v63 =	vsub.f32 v38, v55;
	v49 =	vsub.f32 v40, v59  }
0x162: {  	v52 =	vadd.f32 v40, v38;
	v55 =	vadd.f32 v35, v33  }
0x163: {  	v39 =	vsel vm5, $0x1, v22;
	v30 =	vadd.f32 v43, v56;
	v48 =	vsub.f32 v61, v57  }
0x164: {  	v50 =	vperm.xlane v31, v21;
	v51 =	vadd.f32 v61, v37;
	v56 =	vadd.f32 v36, v34  }
0x165: {  	v43 =	vsel vm6, $0x2, v22;
	v42 =	vadd.f32 v49, v63;
	v32 =	vand.u32 $0x7FFFFFFF, v60  }
0x166: {  	v41 =	vadd.f32 v48, v62;
	v30 =	vand.u32 $0x7FFFFFFF, v30;
	v31 =	vadd.f32 v31, v50  }
0x167: {  	v54 =	vld [tilespmem:$0x4340];
	v53 =	vadd.f32 v52, v51;
	v44 =	vadd.f32 v55, v56;
	v32 =	vsel vm13, v30, v32  }
0x168: {  	v57 =	vld [tilespmem:$0x4350];
	v41 =	vadd.f32 v42, v41;
	v31 =	vand.u32 $0x7FFFFFFF, v31;
	v32 =	vmul.f32 $9.951999780e-01, v32  }
0x169: {  	v59 =	vld [tilespmem:$0x4370];
	v47 =	vperm.xlane v53, v20;
	v60 =	vperm.xlane v44, v20;
	v30 =	vsel vm13, v31, v30  }
0x16a: {  	v58 =	vld [tilespmem:$0x4360];
	v39 =	vor.u32 v39, v43;
	v31 =	vperm.xlane v41, v20;
	vm14 =	vle.f32 v30, v32  }
0x16b: {  	v30 =	vadd.f32 v53, v47;
	v32 =	vadd.f32 v60, v44;
	v33 =	vsel vm14, v37, v33  }
0x16c: {  	v34 =	vsel vm14, v38, v34;
	v35 =	vsel vm14, v61, v35;
	v31 =	vadd.f32 v41, v31  }
0x16d: {  	v36 =	vsel vm14, v40, v36;
	v37 =	vsub.f32 v33, v54;
	v38 =	vsub.f32 v34, v57  }
0x16e: {  	v35 =	vsel vm3, v35, v29;
	v41 =	vsub.f32 v36, v59;
	v55 =	vadd.f32 v36, v34  }
0x16f: {  	v61 =	vperm.xlane v30, v21;
	v40 =	vsub.f32 v35, v58;
	v42 =	vsub.f32 v37, v54  }
0x170: {  	v50 =	vperm.xlane v32, v21;
	v63 =	vadd.f32 v41, v38;
	v46 =	vsub.f32 v38, v57  }
0x171: {  	v51 =	vsel vm7, $0x4, v22;
	v45 =	vsub.f32 v41, v59;
	v30 =	vadd.f32 v30, v61  }
0x172: {  	v53 =	vperm.xlane v31, v21;
	v32 =	vadd.f32 v50, v32;
	v54 =	vadd.f32 v35, v33  }
0x173: {  	v39 =	vor.u32 v51, v39;
	v62 =	vadd.f32 v40, v37;
	v48 =	vsub.f32 v40, v58  }
0x174: {  	v45 =	vadd.f32 v45, v46;
	v30 =	vand.u32 $0x7FFFFFFF, v30;
	v31 =	vadd.f32 v31, v53  }
0x175: {  	v32 =	vand.u32 $0x7FFFFFFF, v32;
	v58 =	vadd.f32 v54, v55;
	v53 =	vsel vm8, $0x8, v22  }
0x176: {  	v57 =	vld [tilespmem:$0x4380];
	v47 =	vadd.f32 v63, v62;
	v42 =	vadd.f32 v48, v42;
	v32 =	vsel vm14, v30, v32  }
0x177: {  	v59 =	vld [tilespmem:$0x4390];
	v31 =	vand.u32 $0x7FFFFFFF, v31;
	v32 =	vmul.f32 $9.951999780e-01, v32;
	v62 =	vperm.xlane v58, v20  }
0x178: {  	v52 =	vld [tilespmem:$0x43B0];
	v49 =	vperm.xlane v47, v20;
	v42 =	vadd.f32 v45, v42;
	v30 =	vsel vm14, v31, v30  }
0x179: {  	v39 =	vor.u32 v53, v39;
	vm5 =	vle.f32 v30, v32  }
0x17a: {  	v60 =	vadd.f32 v62, v58;
	v56 =	vadd.f32 v47, v49;
	v31 =	vperm.xlane v42, v20  }
0x17b: {  	v49 =	vld [tilespmem:$0x43A0];
	v33 =	vsel vm5, v37, v33;
	v34 =	vsel vm5, v38, v34;
	v30 =	vsel vm5, v40, v35  }
0x17c: {  	v35 =	vsel vm5, v41, v36;
	v37 =	vsub.f32 v33, v57;
	v38 =	vsub.f32 v34, v59  }
0x17d: {  	v36 =	vsel vm4, v30, v29;
	v44 =	vsub.f32 v35, v52;
	v55 =	vadd.f32 v35, v34  }
0x17e: {  	v61 =	vperm.xlane v56, v21;
	v31 =	vadd.f32 v42, v31;
	v54 =	vadd.f32 v36, v33  }
0x17f: {  	v29 =	vadd.s32 s11, v19;
	v47 =	vsub.f32 v37, v57;
	v46 =	vsub.f32 v38, v59  }
0x180: {  	v63 =	vadd.f32 v56, v61;
	v56 =	vperm.xlane v60, v21;
	v41 =	vsub.f32 v36, v49  }
0x181: {  	v62 =	vadd.f32 v44, v38;
	v57 =	vadd.f32 v54, v55;
	v58 =	vperm.xlane v31, v21  }
0x182: {  	v32 =	vand.u32 $0x7FFFFFFF, v63;
	v42 =	vadd.f32 v56, v60;
	v61 =	vadd.f32 v41, v37  }
0x183: {  	v63 =	vsub.f32 v44, v52;
	v60 =	vperm.xlane v57, v20;
	v49 =	vsub.f32 v41, v49  }
0x184: {  	v50 =	vld [tilespmem:$0x43C0];
	v31 =	vadd.f32 v31, v58;
	v42 =	vand.u32 $0x7FFFFFFF, v42;
	v48 =	vadd.f32 v62, v61  }
0x185: {  	v54 =	vld [tilespmem:$0x43E0];
	v46 =	vadd.f32 v63, v46;
	v47 =	vadd.f32 v49, v47;
	v42 =	vsel vm5, v32, v42  }
0x186: {  	v31 =	vand.u32 $0x7FFFFFFF, v31;
	v49 =	vld [tilespmem:$0x43D0];
	v42 =	vmul.f32 $9.951999780e-01, v42;
	v59 =	vperm.xlane v48, v20  }
0x187: {  	v29 =	vld.idx.msk [tilespmem:v29+s2+$0x0], $0xffff;
	v31 =	vsel vm5, v31, v32;
	v46 =	vadd.f32 v46, v47;
	v47 =	vadd.f32 v60, v57  }
0x188: {  	v45 =	vsel vm10, $0x20, v22;
	v60 =	vld [tilespmem:$0x43F0];
	vm6 =	vle.f32 v31, v42;
	v48 =	vadd.f32 v48, v59  }
0x189: {  	v62 =	vperm.xlane v46, v20;
	v63 =	vperm.xlane v47, v21;
	v33 =	vsel vm6, v37, v33  }
0x18a: {  	v34 =	vsel vm6, v38, v34;
	v36 =	vsel vm6, v41, v36;
	v37 =	vsub.f32 v33, v50  }
0x18b: {  	v35 =	vsel vm6, v44, v35;
	v38 =	vsub.f32 v34, v49;
	v44 =	vsub.f32 v36, v54  }
0x18c: {  	v35 =	vsel vm1, v29, v35;
	v32 =	vadd.f32 v46, v62;
	v42 =	vadd.f32 v63, v47  }
0x18d: {  	v61 =	vperm.xlane v48, v21;
	v46 =	vsub.f32 v35, v60;
	v49 =	vsub.f32 v38, v49  }
0x18e: {  	v40 =	vsel vm9, $0x10, v22;
	v62 =	vsub.f32 v44, v54;
	v59 =	vadd.f32 v44, v37  }
0x18f: {  	v31 =	vadd.f32 v48, v61;
	v61 =	vsub.f32 v37, v50;
	v58 =	vperm.xlane v32, v21  }
0x190: {  	v30 =	vsel vm11, $0x40, v22;
	v63 =	vsub.f32 v46, v60;
	v60 =	vadd.f32 v46, v38  }
0x191: {  	v42 =	vand.u32 $0x7FFFFFFF, v42;
	v43 =	vadd.f32 v62, v61;
	v32 =	vadd.f32 v32, v58  }
0x192: {  	v31 =	vand.u32 $0x7FFFFFFF, v31;
	v58 =	vadd.f32 v36, v33;
	v61 =	vadd.f32 v63, v49  }
0x193: {  	v52 =	vld [tilespmem:$0x4410];
	v62 =	vadd.f32 v60, v59;
	v42 =	vsel vm6, v31, v42;
	v59 =	vadd.f32 v35, v34  }
0x194: {  	v63 =	vld [tilespmem:$0x4400];
	v32 =	vand.u32 $0x7FFFFFFF, v32;
	v42 =	vmul.f32 $9.951999780e-01, v42;
	v43 =	vadd.f32 v61, v43  }
0x195: {  	v54 =	vld [tilespmem:$0x4420];
	v60 =	vperm.xlane v62, v20;
	v31 =	vsel vm6, v32, v31;
	v50 =	vadd.f32 v59, v58  }
0x196: {  	v51 =	vld [tilespmem:$0x4430];
	v39 =	vor.u32 v40, v39;
	v55 =	vsel vm5, $0x400, v22;
	vm5 =	vle.f32 v31, v42  }
0x197: {  	v61 =	vperm.xlane v43, v20;
	v31 =	vadd.f32 v62, v60;
	v62 =	vperm.xlane v50, v20  }
0x198: {  	v33 =	vsel vm5, v37, v33;
	v34 =	vsel vm5, v38, v34;
	v36 =	vsel vm5, v44, v36  }
0x199: {  	v35 =	vsel vm5, v46, v35;
	v37 =	vsub.f32 v33, v63;
	v38 =	vsub.f32 v34, v52  }
0x19a: {  	v35 =	vsel vm2, v35, v29;
	v40 =	vsub.f32 v36, v54;
	v32 =	vadd.f32 v43, v61  }
0x19b: {  	v39 =	vor.u32 v45, v39;
	v43 =	vsub.f32 v35, v51;
	v42 =	vadd.f32 v62, v50  }
0x19c: {  	v30 =	vor.u32 v30, v39;
	v44 =	vsub.f32 v37, v63;
	v56 =	vadd.f32 v40, v37  }
0x19d: {  	v63 =	vperm.xlane v31, v21;
	v60 =	vsub.f32 v38, v52;
	v61 =	vsub.f32 v40, v54  }
0x19e: {  	v57 =	vsel vm12, $0x80, v22;
	v54 =	vadd.f32 v36, v33;
	v58 =	vadd.f32 v43, v38  }
0x19f: {  	v59 =	vperm.xlane v42, v21;
	v51 =	vsub.f32 v43, v51;
	v31 =	vadd.f32 v31, v63  }
0x1a0: {  	v62 =	vperm.xlane v32, v21;
	v44 =	vadd.f32 v61, v44;
	v46 =	vadd.f32 v58, v56  }
0x1a1: {  	v30 =	vor.u32 v57, v30;
	v42 =	vadd.f32 v59, v42;
	v63 =	vadd.f32 v51, v60  }
0x1a2: {  	v41 =	vsel vm13, $0x100, v22;
	v56 =	vadd.f32 v35, v34;
	v32 =	vadd.f32 v32, v62  }
0x1a3: {  	v31 =	vand.u32 $0x7FFFFFFF, v31;
	v48 =	vperm.xlane v46, v20;
	v42 =	vand.u32 $0x7FFFFFFF, v42  }
0x1a4: {  	v59 =	vld [tilespmem:$0x4450];
	v44 =	vadd.f32 v63, v44;
	v58 =	vadd.f32 v56, v54;
	v42 =	vsel vm5, v31, v42  }
0x1a5: {  	v53 =	vsel vm6, $0x800, v22;
	v51 =	vld [tilespmem:$0x4460];
	v45 =	vadd.f32 v46, v48;
	v42 =	vmul.f32 $9.951999780e-01, v42  }
0x1a6: {  	v32 =	vand.u32 $0x7FFFFFFF, v32;
	v46 =	vld [tilespmem:$0x4440];
	v61 =	vperm.xlane v44, v20;
	v62 =	vperm.xlane v58, v20  }
0x1a7: {  	v30 =	vor.u32 v41, v30;
	v63 =	vld [tilespmem:$0x4470];
	v31 =	vsel vm5, v32, v31;
	v60 =	vperm.xlane v45, v21  }
0x1a8: {  	vm6 =	vle.f32 v31, v42;
	v32 =	vadd.f32 v44, v61;
	v39 =	vadd.f32 v62, v58  }
0x1a9: {  	v33 =	vsel vm6, v37, v33;
	v34 =	vsel vm6, v38, v34;
	v36 =	vsel vm6, v40, v36  }
0x1aa: {  	v35 =	vsel vm6, v43, v35;
	v31 =	vadd.f32 v45, v60;
	v38 =	vsub.f32 v34, v59  }
0x1ab: {  	v37 =	vsel vm3, v35, v29;
	v40 =	vsub.f32 v36, v51;
	v35 =	vsub.f32 v33, v46  }
0x1ac: {  	v61 =	vperm.xlane v39, v21;
	v42 =	vsub.f32 v37, v63;
	v60 =	vadd.f32 v37, v34  }
0x1ad: {  	v52 =	vperm.xlane v32, v21;
	v56 =	vsub.f32 v38, v59;
	v59 =	vadd.f32 v36, v33  }
0x1ae: {  	v47 =	vsel vm14, $0x200, v22;
	v62 =	vsub.f32 v40, v51;
	v39 =	vadd.f32 v61, v39  }
0x1af: {  	v30 =	vor.u32 v47, v30;
	v32 =	vadd.f32 v32, v52;
	v41 =	vsub.f32 v35, v46  }
0x1b0: {  	v30 =	vor.u32 v55, v30;
	v57 =	vadd.f32 v40, v35;
	v58 =	vadd.f32 v42, v38  }
0x1b1: {  	v31 =	vand.u32 $0x7FFFFFFF, v31;
	v63 =	vsub.f32 v42, v63;
	v47 =	vadd.f32 v60, v59  }
0x1b2: {  	v61 =	vld [tilespmem:$0x40A0];
	v39 =	vand.u32 $0x7FFFFFFF, v39;
	v44 =	vadd.f32 v58, v57;
	v41 =	vadd.f32 v62, v41  }
0x1b3: {  	v43 =	vadd.f32 v63, v56;
	v57 =	vld [tilespmem:$0x4080];
	v39 =	vsel vm6, v31, v39;
	v56 =	vperm.xlane v47, v20  }
0x1b4: {  	v59 =	vld [tilespmem:$0x4090];
	v32 =	vand.u32 $0x7FFFFFFF, v32;
	v39 =	vmul.f32 $9.951999780e-01, v39;
	v54 =	vperm.xlane v44, v20  }
0x1b5: {  	v46 =	vsel vm5, $0x1000, v22;
	v31 =	vsel vm6, v32, v31;
	v41 =	vadd.f32 v43, v41  }
0x1b6: {  	v58 =	vadd.f32 v56, v47;
	vm5 =	vle.f32 v31, v39;
	v44 =	vadd.f32 v44, v54  }
0x1b7: {  	v62 =	vperm.xlane v41, v20;
	v54 =	vld [tilespmem:$0x40B0];
	v33 =	vsel vm5, v35, v33;
	v34 =	vsel vm5, v38, v34  }
0x1b8: {  	v35 =	vsel vm5, v40, v36;
	v56 =	vsel vm5, v42, v37;
	v37 =	vsub.f32 v33, v57  }
0x1b9: {  	v63 =	vperm.xlane v58, v21;
	v38 =	vsub.f32 v34, v59;
	v40 =	vsub.f32 v35, v61  }
0x1ba: {  	v36 =	vsel vm4, v56, v29;
	v51 =	vadd.f32 v35, v33;
	v32 =	vadd.f32 v41, v62  }
0x1bb: {  	v29 =	vor.u32 v53, v30;
	v52 =	vadd.f32 v36, v34;
	v55 =	vadd.f32 v63, v58  }
0x1bc: {  	v60 =	vperm.xlane v44, v21;
	v30 =	vsub.f32 v37, v57;
	v39 =	vsub.f32 v36, v54  }
0x1bd: {  	v57 =	vsub.f32 v38, v59;
	v59 =	vsub.f32 v40, v61  }
0x1be: {  	v29 =	vor.u32 v46, v29;
	v31 =	vadd.f32 v44, v60;
	v60 =	vsub.f32 v39, v54  }
0x1bf: {  	v58 =	vsel vm6, $0x2000, v22;
	v62 =	vadd.f32 v40, v37;
	v61 =	vperm.xlane v32, v21  }
0x1c0: {  	v30 =	vadd.f32 v59, v30;
	v41 =	vand.u32 $0x7FFFFFFF, v55;
	v42 =	vadd.f32 v60, v57  }
0x1c1: {  	v31 =	vand.u32 $0x7FFFFFFF, v31;
	v32 =	vadd.f32 v32, v61;
	v63 =	vadd.f32 v39, v38  }
0x1c2: {  	v29 =	vor.u32 v58, v29;
	v41 =	vsel vm5, v31, v41;
	v30 =	vadd.f32 v42, v30  }
0x1c3: {  	v41 =	vmul.f32 $9.951999780e-01, v41;
	v32 =	vand.u32 $0x7FFFFFFF, v32;
	v50 =	vadd.f32 v63, v62  }
0x1c4: {  	v56 =	vadd.f32 v52, v51;
	v31 =	vsel vm5, v32, v31;
	v54 =	vperm.xlane v30, v20  }
0x1c5: {  	v55 =	vsel vm5, $0x4000, v22;
	vm5 =	vle.f32 v31, v41;
	v53 =	vperm.xlane v50, v20  }
0x1c6: {  	v29 =	vor.u32 v55, v29;
	v41 =	vsel vm5, $0x8000, v22;
	v30 =	vadd.f32 v30, v54  }
0x1c7: {  	v42 =	vperm.xlane v56, v20;
	v29 =	vor.u32 v41, v29;
	v31 =	vadd.f32 v50, v53  }
0x1c8: {  	v59 =	vperm.xlane v29, v22;
	v58 =	vperm.xlane v30, v21  }
0x1c9: {  	v32 =	vadd.f32 v42, v56;
	v57 =	vperm.xlane v31, v21  }
0x1ca: {  	v42 =	vand.u32 v25, v59;
	v60 =	vadd.f32 v30, v58;
	v30 =	vperm.xlane v29, v23  }
0x1cb: {  	v62 =	vperm.xlane v29, v24;
	v61 =	vperm.xlane v32, v21;
	vm6 =	veq.s32 v42, $0x0  }
0x1cc: {  	p0 =	sne.s32 s11, $0x7F0;
	v31 =	vadd.f32 v31, v57;
	v29 =	vperm.xlane v29, v27;
	v30 =	vand.u32 v25, v30  }
.Ltmp0:
0x1cd: {  	s13 =	sadd.s32 $0xFFFFFFF0, s11;
	v42 =	vsel vm6, $0x0, v26;
	vm6 =	veq.s32 v30, $0x0;
	v30 =	vand.u32 v25, v62;
	(pc) =	sbr.rel @p0 .LBB2_2-.Ltmp0, $4  }
0x1ce: {  	s13 =	sand.u32 $0x7F0, s13;
	[tilespmem:s12+$0x0] =	vst v42;
	v29 =	vand.u32 v25, v29;
	v63 =	vsel vm6, $0x0, v26;
	vm6 =	veq.s32 v30, $0x0  }
0x1cf: {  	v32 =	vadd.f32 v61, v32;
	[tilespmem:s13+$0x2800] =	vst v63;
	v30 =	vsel vm6, $0x0, v26;
	vm6 =	veq.s32 v29, $0x0  }
0x1d0: {  	[tilespmem:s13+$0x3000] =	vst v30;
	v29 =	vsel vm6, $0x0, v26  }
0x1d1: {  	s11 =	sadd.s32 $0x10, s11;
	s12 =	sadd.s32 $0x10, s12;
	v32 =	vand.u32 $0x7FFFFFFF, v32;
	v30 =	vand.u32 $0x7FFFFFFF, v31;
	v31 =	vand.u32 $0x7FFFFFFF, v60;
	[tilespmem:s13+$0x3800] =	vst v29  }
0x1d2: {  	[tilespmem:$0x27F0] =	vst v28  }
0x1d3: {  	[tilespmem:$0x2FF0] =	vst v28;
	s10 =	sadd.s32 $0x1, s10  }
0x1d4: {  	[tilespmem:$0x37F0] =	vst v28;
	p0 =	sne.s32 s10, s6  }
.Ltmp1:
0x1d5: {  	[tilespmem:$0x3FF0] =	vst v28;
	(pc) =	sbr.rel @p0 .LBB2_1-.Ltmp1, $4  }
0x1d6: {  	[hbm4b:s5+s2] =	stream.linear.scatter [tilespmem:s9], [sflag:$0x1], $0x2000, $0x38;
	[tilespmem:$0x4480] =	vst v63  }
0x1d7: {  	_ =	swait.ge [sflag:s7], $0x2000  }
0x1d8: {  	[sflag:s7] =	ssyncset.done $0x0  }
0x1d9: {  	[sflag:s7] =	ssyncadd.s32 $0xFFFFE000  }
0x1da: {  	_ =	sfence.sel $0x180000  }
0x1db: {  	[bflag:$0x0] =	sbarrier.arrive $0xFFFF  }
0x1dc: {  	p0 =	sne.s32 s3, $0x0;
	_ =	strace $0x90000047  }
0x1dd: {  	s0 =	sadd.s32 @!p0 $0x100000, s1;
	[bflag:$0x2] =	sbarrier.arrive $0xFFFF  }
0x1de: {  	[sflag:s0] =	ssyncadd.tile.s32 @!p0 $0x1;
	_ =	shalt  }
.Lfunc_end2:
_tile_overlayer_lowered:
.L_overlay_start_2:
0x1df: {  	(tag) =	ssettag $0x2  }
0x1e0: {  	s0 =	rddreg [dreg:$0x0];
	s2 =	stileid.u32  }
0x1e1: {  	s1 =	rddreg [dreg:$0x1];
	p0 =	sne.s32 s2, $0x0  }
0x1e2: {  	s3 =	rddreg [dreg:$0x2];
	[bflag:$0x3] =	sbarrier.arrive $0xFFFF;
	s2 =	simm.s32 @!p0 $0x1C01  }
0x1e3: {  	[timem:s3], [sflag:s2] =	dma.local @!p0 [hbm:s0], s1  }
0x1e4: {  	s0 =	simm.s32 @!p0 $0x1  }
0x1e5: {  	_ =	swait.ge @!p0 [sflag:s0], s1  }
0x1e6: {  	s1 =	ssub.s32 @!p0 $0x0, s1;
	[sflag:s0] =	ssyncset.done @!p0 $0x0  }
0x1e7: {  	[sflag:s0] =	ssyncadd.s32 @!p0 s1  }
0x1e8: {  	[bflag:$0x3] =	sbarrier.arrive $0xFFFF  }
0x1e9: {  	_ =	shalt  }

</sc_bundles>
